<compile_context>
chip_gen: v7x
topology: tpu7x:2x2x1
jax: 0.10.2.dev20260603
libtpu: 0.0.44.dev20260713+nightly
codegen_flags: <defaults>
</compile_context>

<pallas_src>
import jax
import jax.numpy as jnp
from jax import lax
from jax.experimental import pallas as pl
from jax.experimental.pallas import tpu as pltpu
from jax.experimental.pallas import tpu_sc as plsc

N = 10000
NP = 10240
E = 320000
D_FEAT = 128
EMBED = 64
NC = 2
NS = 16
NW = NC * NS
CHUNK = 128
CPW0 = 80
CPP = NC * CPW0
NCHR = E // CHUNK
NPAD = NW * CPW0 - NCHR
RPS = NP // NS
NB = 5
PF = 3
BR = 2000
F32 = jnp.float32



def _make_sc_spmm(with_deg: bool):
    mesh = plsc.VectorSubcoreMesh(core_axis_name="c", subcore_axis_name="s",
                                  num_cores=NC, num_subcores=NS)
    out_type = [jax.ShapeDtypeStruct((NC, NP, EMBED), F32)]
    scratch = [
        pltpu.VMEM_SHARED((NP, EMBED), F32),
        pltpu.VMEM((CPW0, CHUNK), jnp.int32),
        pltpu.VMEM((CPW0, CHUNK), jnp.int32),
        pltpu.VMEM((NB, CHUNK, EMBED), F32),
    ] + [pltpu.SemaphoreType.DMA] * NB
    if with_deg:
        out_type.append(jax.ShapeDtypeStruct((NC, NP, 8), F32))
        scratch += [
            pltpu.VMEM_SHARED((NP, 8), F32),
            pltpu.VMEM((CHUNK, 8), F32),
        ]

    def body(h_hbm, ei_hbm, pads_hbm, z64_hbm, z8_hbm, ones_hbm, *rest):
        if with_deg:
            (pooled_out, deg_out, pooled_sh, sidx, didx, rows,
             *sems, deg_sh, ones_v) = rest
        else:
            (pooled_out, pooled_sh, sidx, didx, rows, *sems) = rest
        cid = lax.axis_index("c")
        sid = lax.axis_index("s")
        r0 = sid * RPS
        base = sid * CPP + cid * CPW0

        def start_g(j, b):
            pltpu.async_copy(h_hbm.at[sidx.at[j]], rows.at[b], sems[b])

        def wait_g(b):
            pltpu.make_async_copy(h_hbm.at[sidx.at[0]], rows.at[b],
                                  sems[b]).wait()

        def start_s(j, b):
            pltpu.async_copy(rows.at[b], pooled_sh.at[didx.at[j]],
                             sems[b], add=True)
            if with_deg:
                pltpu.async_copy(ones_v, deg_sh.at[didx.at[j]],
                                 sems[b], add=True)

        def wait_s(b):
            pltpu.make_async_copy(rows.at[b], pooled_sh.at[didx.at[0]],
                                  sems[b]).wait()
            if with_deg:
                pltpu.make_async_copy(ones_v, deg_sh.at[didx.at[0]],
                                      sems[b]).wait()

        pltpu.sync_copy(z64_hbm, pooled_sh.at[pl.ds(r0, RPS)])
        is_pad_worker = jnp.logical_and(sid == NS - 1, cid == 1)

        @pl.when(jnp.logical_not(is_pad_worker))
        def _():
            pltpu.sync_copy(ei_hbm.at[0, pl.ds(base, CPW0)], sidx)
            pltpu.sync_copy(ei_hbm.at[1, pl.ds(base, CPW0)], didx)

        @pl.when(is_pad_worker)
        def _():
            real = NCHR - (NW - 1) * CPW0
            pltpu.sync_copy(ei_hbm.at[0, pl.ds(NCHR - real, real)],
                            sidx.at[pl.ds(0, real)])
            pltpu.sync_copy(pads_hbm.at[0], sidx.at[pl.ds(real, NPAD)])
            pltpu.sync_copy(ei_hbm.at[1, pl.ds(NCHR - real, real)],
                            didx.at[pl.ds(0, real)])
            pltpu.sync_copy(pads_hbm.at[1], didx.at[pl.ds(real, NPAD)])

        if with_deg:
            pltpu.sync_copy(z8_hbm, deg_sh.at[pl.ds(r0, RPS)])
            pltpu.sync_copy(ones_hbm, ones_v)
        plsc.subcore_barrier()

        for b in range(PF):
            start_g(b, b)

        def outer(jo, carry):
            for b in range(NB):
                j = jo * NB + b
                bp = (b + PF) % NB

                @pl.when(j + PF < CPW0)
                def _():
                    @pl.when(j >= NB - PF)
                    def _():
                        wait_s(bp)
                    start_g(j + PF, bp)

                wait_g(b)
                start_s(j, b)
            return carry

        lax.fori_loop(0, CPW0 // NB, outer, 0)

        for b in range(NB):
            wait_s(b)
        plsc.subcore_barrier()

        pltpu.sync_copy(pooled_sh.at[pl.ds(r0, RPS)],
                        pooled_out.at[cid, pl.ds(r0, RPS)])
        if with_deg:
            pltpu.sync_copy(deg_sh.at[pl.ds(r0, RPS)],
                            deg_out.at[cid, pl.ds(r0, RPS)])

    return pl.kernel(
        body, out_type=out_type, mesh=mesh, scratch_types=scratch,
        compiler_params=pltpu.CompilerParams(use_tc_tiling_on_sc=False))


_sc_cache = {}


def _get_sc_spmm(with_deg: bool):
    if with_deg not in _sc_cache:
        _sc_cache[with_deg] = _make_sc_spmm(with_deg)
    return _sc_cache[with_deg]


def _sc_spmm_deg(*args):
    return _get_sc_spmm(True)(*args)


def _sc_spmm(*args):
    return _get_sc_spmm(False)(*args)



def _embed_body(pk_ref, nf_ref, w_ref, b_ref, bp_ref, x_ref, h_ref):
    i = pl.program_id(0)
    x = jnp.dot(nf_ref[...], w_ref[...], preferred_element_type=F32,
                 precision=lax.Precision.HIGHEST) + b_ref[...]
    gid = i * BR + lax.broadcasted_iota(jnp.int32, (BR, 1), 0)
    x = x + jnp.where(gid == pk_ref[0], 1.0, 0.0) * bp_ref[...]
    x_ref[...] = x
    h_ref[...] = jnp.maximum(x, 0.0)


def _tc_embed(nf, w, b, bp, pk):
    return pl.pallas_call(
        _embed_body,
        grid=(N // BR,),
        in_specs=[
            pl.BlockSpec(memory_space=pltpu.SMEM),
            pl.BlockSpec((BR, D_FEAT), lambda i: (i, 0)),
            pl.BlockSpec((D_FEAT, EMBED), lambda i: (0, 0)),
            pl.BlockSpec((1, EMBED), lambda i: (0, 0)),
            pl.BlockSpec((1, EMBED), lambda i: (0, 0)),
        ],
        out_specs=[pl.BlockSpec((BR, EMBED), lambda i: (i, 0))] * 2,
        out_shape=[jax.ShapeDtypeStruct((N, EMBED), F32)] * 2,
    )(pk, nf, w, b, bp)


def _update_body(p_ref, d_ref, cw_ref, cb_ref, x_ref, h_ref):
    pooled = p_ref[0] + p_ref[1]
    deg = d_ref[0][:, 0:1] + d_ref[1][:, 0:1]
    coeff = 1.0 / jnp.maximum(deg, 1.0)
    nl = jnp.dot(pooled * coeff, cw_ref[...], preferred_element_type=F32,
                 precision=lax.Precision.HIGHEST)
    h_ref[...] = jnp.maximum(nl + cb_ref[...] + x_ref[...], 0.0)


def _tc_update(pooled, deg, cw, cb, x):
    return pl.pallas_call(
        _update_body,
        grid=(N // BR,),
        in_specs=[
            pl.BlockSpec((NC, BR, EMBED), lambda i: (0, i, 0)),
            pl.BlockSpec((NC, BR, 8), lambda i: (0, i, 0)),
            pl.BlockSpec((EMBED, EMBED), lambda i: (0, 0)),
            pl.BlockSpec((1, EMBED), lambda i: (0, 0)),
            pl.BlockSpec((BR, EMBED), lambda i: (i, 0)),
        ],
        out_specs=pl.BlockSpec((BR, EMBED), lambda i: (i, 0)),
        out_shape=jax.ShapeDtypeStruct((N, EMBED), F32),
    )(pooled, deg, cw, cb, x)


def _update_reduce_body(tn_ref, p_ref, d_ref, cw_ref, cb_ref, x_ref,
                        h_ref, s_ref, t_ref):
    i = pl.program_id(0)
    pooled = p_ref[0] + p_ref[1]
    deg = d_ref[0][:, 0:1] + d_ref[1][:, 0:1]
    coeff = 1.0 / jnp.maximum(deg, 1.0)
    nl = jnp.dot(pooled * coeff, cw_ref[...], preferred_element_type=F32,
                 precision=lax.Precision.HIGHEST)
    h = jnp.maximum(nl + cb_ref[...] + x_ref[...], 0.0)
    h_ref[...] = h

    @pl.when(i == 0)
    def _():
        s_ref[...] = jnp.zeros_like(s_ref)
        t_ref[...] = jnp.zeros_like(t_ref)

    s_ref[...] += jnp.sum(h, axis=0, keepdims=True)
    gid = i * BR + lax.broadcasted_iota(jnp.int32, (BR, 1), 0)
    tm = jnp.where(gid == tn_ref[0], 1.0, 0.0)
    t_ref[...] += jnp.sum(h * tm, axis=0, keepdims=True)


def _tc_update_reduce(pooled, deg, cw, cb, x, tn):
    return pl.pallas_call(
        _update_reduce_body,
        grid=(N // BR,),
        in_specs=[
            pl.BlockSpec(memory_space=pltpu.SMEM),
            pl.BlockSpec((NC, BR, EMBED), lambda i: (0, i, 0)),
            pl.BlockSpec((NC, BR, 8), lambda i: (0, i, 0)),
            pl.BlockSpec((EMBED, EMBED), lambda i: (0, 0)),
            pl.BlockSpec((1, EMBED), lambda i: (0, 0)),
            pl.BlockSpec((BR, EMBED), lambda i: (i, 0)),
        ],
        out_specs=[
            pl.BlockSpec((BR, EMBED), lambda i: (i, 0)),
            pl.BlockSpec((1, EMBED), lambda i: (0, 0)),
            pl.BlockSpec((1, EMBED), lambda i: (0, 0)),
        ],
        out_shape=[
            jax.ShapeDtypeStruct((N, EMBED), F32),
            jax.ShapeDtypeStruct((1, EMBED), F32),
            jax.ShapeDtypeStruct((1, EMBED), F32),
        ],
    )(tn, pooled, deg, cw, cb, x)


def _score_body(h_ref, wa_ref, wb_ref, lb_ref, ow_ref, ob_ref, s_ref, t_ref,
                q_ref):
    g = s_ref[...] * (1.0 / N)
    beff = jnp.dot(g, wb_ref[...], preferred_element_type=F32,
                 precision=lax.Precision.HIGHEST) + lb_ref[...]
    hh = jnp.maximum(
        jnp.dot(h_ref[...], wa_ref[...], preferred_element_type=F32,
                 precision=lax.Precision.HIGHEST) + beff,
        0.0)
    ro = jnp.dot(hh, ow_ref[...], preferred_element_type=F32,
                 precision=lax.Precision.HIGHEST) + ob_ref[...]
    t = t_ref[...]
    q_ref[...] = lax.dot_general(ro, t, (((1,), (1,)), ((), ())),
                                 preferred_element_type=F32,
                 precision=lax.Precision.HIGHEST)


def _tc_score(h, wa, wb, lb, ow, ob, s, t):
    return pl.pallas_call(
        _score_body,
        grid=(N // BR,),
        in_specs=[
            pl.BlockSpec((BR, EMBED), lambda i: (i, 0)),
            pl.BlockSpec((EMBED, EMBED), lambda i: (0, 0)),
            pl.BlockSpec((EMBED, EMBED), lambda i: (0, 0)),
            pl.BlockSpec((1, EMBED), lambda i: (0, 0)),
            pl.BlockSpec((EMBED, EMBED), lambda i: (0, 0)),
            pl.BlockSpec((1, EMBED), lambda i: (0, 0)),
            pl.BlockSpec((1, EMBED), lambda i: (0, 0)),
            pl.BlockSpec((1, EMBED), lambda i: (0, 0)),
        ],
        out_specs=pl.BlockSpec((BR, 1), lambda i: (i, 0)),
        out_shape=jax.ShapeDtypeStruct((N, 1), F32),
    )(h, wa, wb, lb, ow, ob, s, t)



def kernel(node_features, edge_index, w_n2l, bias_n2l, bias_picked, conv_W,
           conv_b, lin1_W, lin1_b, out_W, out_b, target_node, picked_node):
    ei = edge_index.reshape(2, NCHR, CHUNK)
    pad_ids = (jnp.arange(NPAD * CHUNK, dtype=jnp.int32) % CHUNK)
    pads = jnp.stack([pad_ids, N + pad_ids]).reshape(2, NPAD, CHUNK)
    z64 = jnp.zeros((RPS, EMBED), F32)
    z8 = jnp.zeros((RPS, 8), F32)
    ones8 = jnp.ones((CHUNK, 8), F32)
    b_n2l = bias_n2l.reshape(1, EMBED)
    cb = conv_b.reshape(1, EMBED)
    lb = lin1_b.reshape(1, EMBED)
    ob = out_b.reshape(1, EMBED)
    pk = jnp.asarray(picked_node, jnp.int32).reshape(1)
    tn = jnp.asarray(target_node, jnp.int32).reshape(1)

    x, h0 = _tc_embed(node_features, w_n2l, b_n2l, bias_picked, pk)
    pooled1, deg = _sc_spmm_deg(h0, ei, pads, z64, z8, ones8)
    h1 = _tc_update(pooled1, deg, conv_W, cb, x)
    pooled2 = _sc_spmm(h1, ei, pads, z64, z8, ones8)
    if isinstance(pooled2, (list, tuple)):
        pooled2 = pooled2[0]
    h2, s, t = _tc_update_reduce(pooled2, deg, conv_W, cb, x, tn)
    q = _tc_score(h2, lin1_W[:EMBED], lin1_W[EMBED:], lb, out_W, ob, s, t)
    return q

# --- scband reference (transcript-rebuilt; emitter-appended) ---
"""Pipeline reference for scband-qnet-node-71554155152032 (READ-ONLY COPY).

The authoritative reference and input builder live on the scoring server;
editing this copy changes nothing except your own understanding.
"""

import jax, jax.numpy as jnp
import numpy as np

N = 10000
E = 320000
D_FEAT = 128
EMBED = 64
HID = 64
MAX_LV = 2


def setup_inputs(seed: int = 0) -> dict:
    key = jax.random.key(seed)
    ks = jax.random.split(key, 12)
    node_features = jax.random.normal(ks[0], (N, D_FEAT), dtype=jnp.float32)
    edge_index = jax.random.randint(ks[1], (2, E), 0, N, dtype=jnp.int32)
    # learned parameters (weights_init ~ glorot-style scaling)
    w_n2l = jax.random.normal(ks[2], (D_FEAT, EMBED), dtype=jnp.float32) / np.sqrt(D_FEAT)
    bias_n2l = jax.random.normal(ks[3], (EMBED,), dtype=jnp.float32) * 0.01
    bias_picked = jax.random.normal(ks[4], (1, EMBED), dtype=jnp.float32) * 0.01
    conv_W = jax.random.normal(ks[5], (EMBED, EMBED), dtype=jnp.float32) / np.sqrt(EMBED)
    conv_b = jnp.zeros((EMBED,), dtype=jnp.float32)
    lin1_W = jax.random.normal(ks[6], (2 * EMBED, HID), dtype=jnp.float32) / np.sqrt(2 * EMBED)
    lin1_b = jnp.zeros((HID,), dtype=jnp.float32)
    out_W = jax.random.normal(ks[7], (HID, EMBED), dtype=jnp.float32) / np.sqrt(HID)
    out_b = jnp.zeros((EMBED,), dtype=jnp.float32)
    return {
        'node_features': node_features,
        'edge_index': edge_index,
        'w_n2l': w_n2l,
        'bias_n2l': bias_n2l,
        'bias_picked': bias_picked,
        'conv_W': conv_W,
        'conv_b': conv_b,
        'lin1_W': lin1_W,
        'lin1_b': lin1_b,
        'out_W': out_W,
        'out_b': out_b,
        'target_node': 123,
        'picked_node': 456,
    }


def reference(node_features, edge_index, w_n2l, bias_n2l, bias_picked, conv_W, conv_b,
              lin1_W, lin1_b, out_W, out_b, target_node, picked_node):
    # QNetNode.forward with a single state (target_node, graph, picked_node),
    # region=None (full action space), actions=None (score every candidate node),
    # bilin_q=True, mlp_hidden=HID, max_lv message-passing levels.
    src = edge_index[0]
    dst = edge_index[1]
    # input_node_linear = node_features @ w_n2l + bias_n2l
    input_node_linear = node_features @ w_n2l + bias_n2l
    # node_embed += gnn_spmm(picked_sp, bias_picked)  (one-hot scatter-add)
    node_embed = input_node_linear.at[picked_node].add(bias_picked[0])
    input_message = node_embed
    node_embed = jax.nn.relu(input_message)
    # norm_tool.norm_extra -> degree-normalized adjacency (D^-1 A)
    deg = jax.ops.segment_sum(jnp.ones((E,), dtype=jnp.float32), dst, num_segments=N)
    coeff = 1.0 / jnp.clip(deg, 1.0, None)
    for _ in range(MAX_LV):
        msgs = node_embed[src]                                   # gather (sparse mm)
        pooled = jax.ops.segment_sum(msgs, dst, num_segments=N)  # scatter-add
        n2npool = pooled * coeff[:, None]
        node_linear = n2npool @ conv_W + conv_b
        node_embed = jax.nn.relu(node_linear + input_message)
    target_embed = node_embed[target_node][:, None]              # [EMBED, 1]
    graph_embed = jnp.mean(node_embed, axis=0, keepdims=True)
    graph_embed = jnp.broadcast_to(graph_embed, (N, EMBED))      # repeat over candidates
    embed_s_a = jnp.concatenate([node_embed, graph_embed], axis=1)
    h = jax.nn.relu(embed_s_a @ lin1_W + lin1_b)
    raw_pred = h @ out_W + out_b                                 # [N, EMBED]
    q = raw_pred @ target_embed                                  # bilinear Q: [N, 1]
    return q

if __name__ == "__main__":
    import jax
    _d = setup_inputs()
    print(jax.jit(kernel)(*tuple(_d.values())))

</pallas_src>

<mosaic_0001>
#map = affine_map<(d0, d1) -> (0, 0)>
#map1 = affine_map<(d0, d1) -> (0, 0, 0)>
module attributes {stable_mosaic.version = 14 : i64} {
  func.func @body(%arg0: i32, %arg1: i32, %arg2: memref<10000x64xf32, #tpu.memory_space<hbm>>, %arg3: memref<2x2500x128xi32, #tpu.memory_space<hbm>>, %arg4: memref<2x60x128xi32, #tpu.memory_space<hbm>>, %arg5: memref<640x64xf32, #tpu.memory_space<hbm>>, %arg6: memref<640x8xf32, #tpu.memory_space<hbm>>, %arg7: memref<128x8xf32, #tpu.memory_space<hbm>>, %arg8: memref<2x10240x64xf32, #tpu.memory_space<hbm>>, %arg9: memref<10240x64xf32, #tpu.memory_space<vmem_shared>>, %arg10: memref<80x128xi32, #tpu.memory_space<vmem>>, %arg11: memref<80x128xi32, #tpu.memory_space<vmem>>, %arg12: memref<5x128x64xf32, #tpu.memory_space<vmem>>, %arg13: memref<!tpu.dma_semaphore, #tpu.memory_space<semaphore_mem>>, %arg14: memref<!tpu.dma_semaphore, #tpu.memory_space<semaphore_mem>>, %arg15: memref<!tpu.dma_semaphore, #tpu.memory_space<semaphore_mem>>, %arg16: memref<!tpu.dma_semaphore, #tpu.memory_space<semaphore_mem>>, %arg17: memref<!tpu.dma_semaphore, #tpu.memory_space<semaphore_mem>>) attributes {dimension_semantics = [#tpu.dimension_semantics<core_parallel>, #tpu.dimension_semantics<subcore_parallel>], iteration_bounds = array<i64: 2, 16>, scalar_prefetch = 0 : i64, scratch_operands = 9 : i64, tpu.core_type = #tpu.core_type<sc_vector_subcore>, window_params = [{transform_indices = #map}, {transform_indices = #map1}, {transform_indices = #map1}, {transform_indices = #map}, {transform_indices = #map}, {transform_indices = #map}, {transform_indices = #map1}]} {
    %mul3A = arith.constant 640 : i32
    %mul3A_0 = arith.muli %arg1, %mul3A : i32
    %mul3A_1 = arith.constant 160 : i32
    %mul3A_2 = arith.muli %arg1, %mul3A_1 : i32
    %mul3A_3 = arith.constant 80 : i32
    %mul3A_4 = arith.muli %arg0, %mul3A_3 : i32
    %add3A = arith.addi %mul3A_2, %mul3A_4 : i32
    "tpu.region"() ({
      %run_scoped3A = tpu.sem_alloc : memref<!tpu.dma_semaphore, #tpu.memory_space<semaphore_mem>>
      %dma_start3A_113 = arith.constant 0 : i32
      %dma_start3A_114 = tpu.memref_slice %arg9[%mul3A_0, %dma_start3A_113] : memref<10240x64xf32, #tpu.memory_space<vmem_shared>> -> memref<640x64xf32, #tpu.memory_space<vmem_shared>>
      tpu.enqueue_dma source(%arg5 : memref<640x64xf32, #tpu.memory_space<hbm>>) target(%dma_start3A_114 : memref<640x64xf32, #tpu.memory_space<vmem_shared>>) target_semaphore(%run_scoped3A : memref<!tpu.dma_semaphore, #tpu.memory_space<semaphore_mem>>)
      %dma_wait3A_115 = arith.constant 0 : i32
      %dma_wait3A_116 = tpu.memref_slice %arg9[%mul3A_0, %dma_wait3A_115] : memref<10240x64xf32, #tpu.memory_space<vmem_shared>> -> memref<640x64xf32, #tpu.memory_space<vmem_shared>>
      tpu.wait_dma2 semaphore(%run_scoped3A : memref<!tpu.dma_semaphore, #tpu.memory_space<semaphore_mem>>) src(%arg5 : memref<640x64xf32, #tpu.memory_space<hbm>>) dst(%dma_wait3A_116 : memref<640x64xf32, #tpu.memory_space<vmem_shared>>)
      tpu.yield
    }) : () -> ()
    %eq3A = arith.constant 15 : i32
    %eq3A_5 = arith.cmpi eq, %arg1, %eq3A : i32
    %eq3A_6 = arith.constant 1 : i32
    %eq3A_7 = arith.cmpi eq, %arg0, %eq3A_6 : i32
    %and3A = arith.andi %eq3A_5, %eq3A_7 : i1
    %not3A = arith.constant true
    %not3A_8 = arith.xori %and3A, %not3A : i1
    %convert_element_type3A = arith.extui %not3A_8 : i1 to i32
    %cond3A = arith.constant 0 : i32
    %cond3A_9 = arith.cmpi ne, %convert_element_type3A, %cond3A : i32
    scf.if %cond3A_9 {
      %run_scoped3A = arith.constant 0 : i32
      "tpu.region"() ({
        %run_scoped3A_114 = tpu.sem_alloc : memref<!tpu.dma_semaphore, #tpu.memory_space<semaphore_mem>>
        %dma_start3A_115 = arith.constant 0 : i32
        %dma_start3A_116 = tpu.memref_slice %arg3[%run_scoped3A, %add3A, %dma_start3A_115] : memref<2x2500x128xi32, #tpu.memory_space<hbm>> -> memref<1x80x128xi32, #tpu.memory_space<hbm>>
        %dma_start3A_117 = tpu.memref_squeeze %dma_start3A_116 : memref<1x80x128xi32, #tpu.memory_space<hbm>> -> memref<80x128xi32, #tpu.memory_space<hbm>>
        %dma_start3A_118 = arith.constant 0 : i32
        %dma_start3A_119 = tpu.memref_slice %arg3[%run_scoped3A, %add3A, %dma_start3A_118] : memref<2x2500x128xi32, #tpu.memory_space<hbm>> -> memref<1x80x128xi32, #tpu.memory_space<hbm>>
        %dma_start3A_120 = tpu.memref_squeeze %dma_start3A_119 : memref<1x80x128xi32, #tpu.memory_space<hbm>> -> memref<80x128xi32, #tpu.memory_space<hbm>>
        tpu.enqueue_dma source(%dma_start3A_120 : memref<80x128xi32, #tpu.memory_space<hbm>>) target(%arg10 : memref<80x128xi32, #tpu.memory_space<vmem>>) target_semaphore(%run_scoped3A_114 : memref<!tpu.dma_semaphore, #tpu.memory_space<semaphore_mem>>)
        %dma_wait3A_121 = arith.constant 0 : i32
        %dma_wait3A_122 = tpu.memref_slice %arg3[%run_scoped3A, %add3A, %dma_wait3A_121] : memref<2x2500x128xi32, #tpu.memory_space<hbm>> -> memref<1x80x128xi32, #tpu.memory_space<hbm>>
        %dma_wait3A_123 = tpu.memref_squeeze %dma_wait3A_122 : memref<1x80x128xi32, #tpu.memory_space<hbm>> -> memref<80x128xi32, #tpu.memory_space<hbm>>
        %dma_wait3A_124 = arith.constant 0 : i32
        %dma_wait3A_125 = tpu.memref_slice %arg3[%run_scoped3A, %add3A, %dma_wait3A_124] : memref<2x2500x128xi32, #tpu.memory_space<hbm>> -> memref<1x80x128xi32, #tpu.memory_space<hbm>>
        %dma_wait3A_126 = tpu.memref_squeeze %dma_wait3A_125 : memref<1x80x128xi32, #tpu.memory_space<hbm>> -> memref<80x128xi32, #tpu.memory_space<hbm>>
        tpu.wait_dma2 semaphore(%run_scoped3A_114 : memref<!tpu.dma_semaphore, #tpu.memory_space<semaphore_mem>>) src(%dma_wait3A_126 : memref<80x128xi32, #tpu.memory_space<hbm>>) dst(%arg10 : memref<80x128xi32, #tpu.memory_space<vmem>>)
        tpu.yield
      }) : () -> ()
      %run_scoped3A_113 = arith.constant 1 : i32
      "tpu.region"() ({
        %run_scoped3A_114 = tpu.sem_alloc : memref<!tpu.dma_semaphore, #tpu.memory_space<semaphore_mem>>
        %dma_start3A_115 = arith.constant 0 : i32
        %dma_start3A_116 = tpu.memref_slice %arg3[%run_scoped3A_113, %add3A, %dma_start3A_115] : memref<2x2500x128xi32, #tpu.memory_space<hbm>> -> memref<1x80x128xi32, #tpu.memory_space<hbm>>
        %dma_start3A_117 = tpu.memref_squeeze %dma_start3A_116 : memref<1x80x128xi32, #tpu.memory_space<hbm>> -> memref<80x128xi32, #tpu.memory_space<hbm>>
        %dma_start3A_118 = arith.constant 0 : i32
        %dma_start3A_119 = tpu.memref_slice %arg3[%run_scoped3A_113, %add3A, %dma_start3A_118] : memref<2x2500x128xi32, #tpu.memory_space<hbm>> -> memref<1x80x128xi32, #tpu.memory_space<hbm>>
        %dma_start3A_120 = tpu.memref_squeeze %dma_start3A_119 : memref<1x80x128xi32, #tpu.memory_space<hbm>> -> memref<80x128xi32, #tpu.memory_space<hbm>>
        tpu.enqueue_dma source(%dma_start3A_120 : memref<80x128xi32, #tpu.memory_space<hbm>>) target(%arg11 : memref<80x128xi32, #tpu.memory_space<vmem>>) target_semaphore(%run_scoped3A_114 : memref<!tpu.dma_semaphore, #tpu.memory_space<semaphore_mem>>)
        %dma_wait3A_121 = arith.constant 0 : i32
        %dma_wait3A_122 = tpu.memref_slice %arg3[%run_scoped3A_113, %add3A, %dma_wait3A_121] : memref<2x2500x128xi32, #tpu.memory_space<hbm>> -> memref<1x80x128xi32, #tpu.memory_space<hbm>>
        %dma_wait3A_123 = tpu.memref_squeeze %dma_wait3A_122 : memref<1x80x128xi32, #tpu.memory_space<hbm>> -> memref<80x128xi32, #tpu.memory_space<hbm>>
        %dma_wait3A_124 = arith.constant 0 : i32
        %dma_wait3A_125 = tpu.memref_slice %arg3[%run_scoped3A_113, %add3A, %dma_wait3A_124] : memref<2x2500x128xi32, #tpu.memory_space<hbm>> -> memref<1x80x128xi32, #tpu.memory_space<hbm>>
        %dma_wait3A_126 = tpu.memref_squeeze %dma_wait3A_125 : memref<1x80x128xi32, #tpu.memory_space<hbm>> -> memref<80x128xi32, #tpu.memory_space<hbm>>
        tpu.wait_dma2 semaphore(%run_scoped3A_114 : memref<!tpu.dma_semaphore, #tpu.memory_space<semaphore_mem>>) src(%dma_wait3A_126 : memref<80x128xi32, #tpu.memory_space<hbm>>) dst(%arg11 : memref<80x128xi32, #tpu.memory_space<vmem>>)
        tpu.yield
      }) : () -> ()
    } else {
    }
    %convert_element_type3A_10 = arith.extui %and3A : i1 to i32
    %cond3A_11 = arith.constant 0 : i32
    %cond3A_12 = arith.cmpi ne, %convert_element_type3A_10, %cond3A_11 : i32
    scf.if %cond3A_12 {
      %run_scoped3A = arith.constant 0 : i32
      "tpu.region"() ({
        %run_scoped3A_116 = tpu.sem_alloc : memref<!tpu.dma_semaphore, #tpu.memory_space<semaphore_mem>>
        %dma_start3A_117 = arith.constant 0 : i32
        %dma_start3A_118 = arith.constant 0 : i32
        %dma_start3A_119 = tpu.memref_slice %arg10[%dma_start3A_117, %dma_start3A_118] : memref<80x128xi32, #tpu.memory_space<vmem>> -> memref<20x128xi32, #tpu.memory_space<vmem>>
        %dma_start3A_120 = arith.constant 2480 : i32
        %dma_start3A_121 = arith.constant 0 : i32
        %dma_start3A_122 = tpu.memref_slice %arg3[%run_scoped3A, %dma_start3A_120, %dma_start3A_121] : memref<2x2500x128xi32, #tpu.memory_space<hbm>> -> memref<1x20x128xi32, #tpu.memory_space<hbm>>
        %dma_start3A_123 = tpu.memref_squeeze %dma_start3A_122 : memref<1x20x128xi32, #tpu.memory_space<hbm>> -> memref<20x128xi32, #tpu.memory_space<hbm>>
        %dma_start3A_124 = arith.constant 0 : i32
        %dma_start3A_125 = arith.constant 0 : i32
        %dma_start3A_126 = tpu.memref_slice %arg10[%dma_start3A_124, %dma_start3A_125] : memref<80x128xi32, #tpu.memory_space<vmem>> -> memref<20x128xi32, #tpu.memory_space<vmem>>
        %dma_start3A_127 = arith.constant 2480 : i32
        %dma_start3A_128 = arith.constant 0 : i32
        %dma_start3A_129 = tpu.memref_slice %arg3[%run_scoped3A, %dma_start3A_127, %dma_start3A_128] : memref<2x2500x128xi32, #tpu.memory_space<hbm>> -> memref<1x20x128xi32, #tpu.memory_space<hbm>>
        %dma_start3A_130 = tpu.memref_squeeze %dma_start3A_129 : memref<1x20x128xi32, #tpu.memory_space<hbm>> -> memref<20x128xi32, #tpu.memory_space<hbm>>
        tpu.enqueue_dma source(%dma_start3A_130 : memref<20x128xi32, #tpu.memory_space<hbm>>) target(%dma_start3A_126 : memref<20x128xi32, #tpu.memory_space<vmem>>) target_semaphore(%run_scoped3A_116 : memref<!tpu.dma_semaphore, #tpu.memory_space<semaphore_mem>>)
        %dma_wait3A_131 = arith.constant 0 : i32
        %dma_wait3A_132 = arith.constant 0 : i32
        %dma_wait3A_133 = tpu.memref_slice %arg10[%dma_wait3A_131, %dma_wait3A_132] : memref<80x128xi32, #tpu.memory_space<vmem>> -> memref<20x128xi32, #tpu.memory_space<vmem>>
        %dma_wait3A_134 = arith.constant 2480 : i32
        %dma_wait3A_135 = arith.constant 0 : i32
        %dma_wait3A_136 = tpu.memref_slice %arg3[%run_scoped3A, %dma_wait3A_134, %dma_wait3A_135] : memref<2x2500x128xi32, #tpu.memory_space<hbm>> -> memref<1x20x128xi32, #tpu.memory_space<hbm>>
        %dma_wait3A_137 = tpu.memref_squeeze %dma_wait3A_136 : memref<1x20x128xi32, #tpu.memory_space<hbm>> -> memref<20x128xi32, #tpu.memory_space<hbm>>
        %dma_wait3A_138 = arith.constant 0 : i32
        %dma_wait3A_139 = arith.constant 0 : i32
        %dma_wait3A_140 = tpu.memref_slice %arg10[%dma_wait3A_138, %dma_wait3A_139] : memref<80x128xi32, #tpu.memory_space<vmem>> -> memref<20x128xi32, #tpu.memory_space<vmem>>
        %dma_wait3A_141 = arith.constant 2480 : i32
        %dma_wait3A_142 = arith.constant 0 : i32
        %dma_wait3A_143 = tpu.memref_slice %arg3[%run_scoped3A, %dma_wait3A_141, %dma_wait3A_142] : memref<2x2500x128xi32, #tpu.memory_space<hbm>> -> memref<1x20x128xi32, #tpu.memory_space<hbm>>
        %dma_wait3A_144 = tpu.memref_squeeze %dma_wait3A_143 : memref<1x20x128xi32, #tpu.memory_space<hbm>> -> memref<20x128xi32, #tpu.memory_space<hbm>>
        tpu.wait_dma2 semaphore(%run_scoped3A_116 : memref<!tpu.dma_semaphore, #tpu.memory_space<semaphore_mem>>) src(%dma_wait3A_144 : memref<20x128xi32, #tpu.memory_space<hbm>>) dst(%dma_wait3A_140 : memref<20x128xi32, #tpu.memory_space<vmem>>)
        tpu.yield
      }) : () -> ()
      %run_scoped3A_113 = arith.constant 0 : i32
      "tpu.region"() ({
        %run_scoped3A_116 = tpu.sem_alloc : memref<!tpu.dma_semaphore, #tpu.memory_space<semaphore_mem>>
        %dma_start3A_117 = arith.constant 20 : i32
        %dma_start3A_118 = arith.constant 0 : i32
        %dma_start3A_119 = tpu.memref_slice %arg10[%dma_start3A_117, %dma_start3A_118] : memref<80x128xi32, #tpu.memory_space<vmem>> -> memref<60x128xi32, #tpu.memory_space<vmem>>
        %dma_start3A_120 = arith.constant 0 : i32
        %dma_start3A_121 = arith.constant 0 : i32
        %dma_start3A_122 = tpu.memref_slice %arg4[%run_scoped3A_113, %dma_start3A_120, %dma_start3A_121] : memref<2x60x128xi32, #tpu.memory_space<hbm>> -> memref<1x60x128xi32, #tpu.memory_space<hbm>>
        %dma_start3A_123 = tpu.memref_squeeze %dma_start3A_122 : memref<1x60x128xi32, #tpu.memory_space<hbm>> -> memref<60x128xi32, #tpu.memory_space<hbm>>
        %dma_start3A_124 = arith.constant 20 : i32
        %dma_start3A_125 = arith.constant 0 : i32
        %dma_start3A_126 = tpu.memref_slice %arg10[%dma_start3A_124, %dma_start3A_125] : memref<80x128xi32, #tpu.memory_space<vmem>> -> memref<60x128xi32, #tpu.memory_space<vmem>>
        %dma_start3A_127 = arith.constant 0 : i32
        %dma_start3A_128 = arith.constant 0 : i32
        %dma_start3A_129 = tpu.memref_slice %arg4[%run_scoped3A_113, %dma_start3A_127, %dma_start3A_128] : memref<2x60x128xi32, #tpu.memory_space<hbm>> -> memref<1x60x128xi32, #tpu.memory_space<hbm>>
        %dma_start3A_130 = tpu.memref_squeeze %dma_start3A_129 : memref<1x60x128xi32, #tpu.memory_space<hbm>> -> memref<60x128xi32, #tpu.memory_space<hbm>>
        tpu.enqueue_dma source(%dma_start3A_130 : memref<60x128xi32, #tpu.memory_space<hbm>>) target(%dma_start3A_126 : memref<60x128xi32, #tpu.memory_space<vmem>>) target_semaphore(%run_scoped3A_116 : memref<!tpu.dma_semaphore, #tpu.memory_space<semaphore_mem>>)
        %dma_wait3A_131 = arith.constant 20 : i32
        %dma_wait3A_132 = arith.constant 0 : i32
        %dma_wait3A_133 = tpu.memref_slice %arg10[%dma_wait3A_131, %dma_wait3A_132] : memref<80x128xi32, #tpu.memory_space<vmem>> -> memref<60x128xi32, #tpu.memory_space<vmem>>
        %dma_wait3A_134 = arith.constant 0 : i32
        %dma_wait3A_135 = arith.constant 0 : i32
        %dma_wait3A_136 = tpu.memref_slice %arg4[%run_scoped3A_113, %dma_wait3A_134, %dma_wait3A_135] : memref<2x60x128xi32, #tpu.memory_space<hbm>> -> memref<1x60x128xi32, #tpu.memory_space<hbm>>
        %dma_wait3A_137 = tpu.memref_squeeze %dma_wait3A_136 : memref<1x60x128xi32, #tpu.memory_space<hbm>> -> memref<60x128xi32, #tpu.memory_space<hbm>>
        %dma_wait3A_138 = arith.constant 20 : i32
        %dma_wait3A_139 = arith.constant 0 : i32
        %dma_wait3A_140 = tpu.memref_slice %arg10[%dma_wait3A_138, %dma_wait3A_139] : memref<80x128xi32, #tpu.memory_space<vmem>> -> memref<60x128xi32, #tpu.memory_space<vmem>>
        %dma_wait3A_141 = arith.constant 0 : i32
        %dma_wait3A_142 = arith.constant 0 : i32
        %dma_wait3A_143 = tpu.memref_slice %arg4[%run_scoped3A_113, %dma_wait3A_141, %dma_wait3A_142] : memref<2x60x128xi32, #tpu.memory_space<hbm>> -> memref<1x60x128xi32, #tpu.memory_space<hbm>>
        %dma_wait3A_144 = tpu.memref_squeeze %dma_wait3A_143 : memref<1x60x128xi32, #tpu.memory_space<hbm>> -> memref<60x128xi32, #tpu.memory_space<hbm>>
        tpu.wait_dma2 semaphore(%run_scoped3A_116 : memref<!tpu.dma_semaphore, #tpu.memory_space<semaphore_mem>>) src(%dma_wait3A_144 : memref<60x128xi32, #tpu.memory_space<hbm>>) dst(%dma_wait3A_140 : memref<60x128xi32, #tpu.memory_space<vmem>>)
        tpu.yield
      }) : () -> ()
      %run_scoped3A_114 = arith.constant 1 : i32
      "tpu.region"() ({
        %run_scoped3A_116 = tpu.sem_alloc : memref<!tpu.dma_semaphore, #tpu.memory_space<semaphore_mem>>
        %dma_start3A_117 = arith.constant 0 : i32
        %dma_start3A_118 = arith.constant 0 : i32
        %dma_start3A_119 = tpu.memref_slice %arg11[%dma_start3A_117, %dma_start3A_118] : memref<80x128xi32, #tpu.memory_space<vmem>> -> memref<20x128xi32, #tpu.memory_space<vmem>>
        %dma_start3A_120 = arith.constant 2480 : i32
        %dma_start3A_121 = arith.constant 0 : i32
        %dma_start3A_122 = tpu.memref_slice %arg3[%run_scoped3A_114, %dma_start3A_120, %dma_start3A_121] : memref<2x2500x128xi32, #tpu.memory_space<hbm>> -> memref<1x20x128xi32, #tpu.memory_space<hbm>>
        %dma_start3A_123 = tpu.memref_squeeze %dma_start3A_122 : memref<1x20x128xi32, #tpu.memory_space<hbm>> -> memref<20x128xi32, #tpu.memory_space<hbm>>
        %dma_start3A_124 = arith.constant 0 : i32
        %dma_start3A_125 = arith.constant 0 : i32
        %dma_start3A_126 = tpu.memref_slice %arg11[%dma_start3A_124, %dma_start3A_125] : memref<80x128xi32, #tpu.memory_space<vmem>> -> memref<20x128xi32, #tpu.memory_space<vmem>>
        %dma_start3A_127 = arith.constant 2480 : i32
        %dma_start3A_128 = arith.constant 0 : i32
        %dma_start3A_129 = tpu.memref_slice %arg3[%run_scoped3A_114, %dma_start3A_127, %dma_start3A_128] : memref<2x2500x128xi32, #tpu.memory_space<hbm>> -> memref<1x20x128xi32, #tpu.memory_space<hbm>>
        %dma_start3A_130 = tpu.memref_squeeze %dma_start3A_129 : memref<1x20x128xi32, #tpu.memory_space<hbm>> -> memref<20x128xi32, #tpu.memory_space<hbm>>
        tpu.enqueue_dma source(%dma_start3A_130 : memref<20x128xi32, #tpu.memory_space<hbm>>) target(%dma_start3A_126 : memref<20x128xi32, #tpu.memory_space<vmem>>) target_semaphore(%run_scoped3A_116 : memref<!tpu.dma_semaphore, #tpu.memory_space<semaphore_mem>>)
        %dma_wait3A_131 = arith.constant 0 : i32
        %dma_wait3A_132 = arith.constant 0 : i32
        %dma_wait3A_133 = tpu.memref_slice %arg11[%dma_wait3A_131, %dma_wait3A_132] : memref<80x128xi32, #tpu.memory_space<vmem>> -> memref<20x128xi32, #tpu.memory_space<vmem>>
        %dma_wait3A_134 = arith.constant 2480 : i32
        %dma_wait3A_135 = arith.constant 0 : i32
        %dma_wait3A_136 = tpu.memref_slice %arg3[%run_scoped3A_114, %dma_wait3A_134, %dma_wait3A_135] : memref<2x2500x128xi32, #tpu.memory_space<hbm>> -> memref<1x20x128xi32, #tpu.memory_space<hbm>>
        %dma_wait3A_137 = tpu.memref_squeeze %dma_wait3A_136 : memref<1x20x128xi32, #tpu.memory_space<hbm>> -> memref<20x128xi32, #tpu.memory_space<hbm>>
        %dma_wait3A_138 = arith.constant 0 : i32
        %dma_wait3A_139 = arith.constant 0 : i32
        %dma_wait3A_140 = tpu.memref_slice %arg11[%dma_wait3A_138, %dma_wait3A_139] : memref<80x128xi32, #tpu.memory_space<vmem>> -> memref<20x128xi32, #tpu.memory_space<vmem>>
        %dma_wait3A_141 = arith.constant 2480 : i32
        %dma_wait3A_142 = arith.constant 0 : i32
        %dma_wait3A_143 = tpu.memref_slice %arg3[%run_scoped3A_114, %dma_wait3A_141, %dma_wait3A_142] : memref<2x2500x128xi32, #tpu.memory_space<hbm>> -> memref<1x20x128xi32, #tpu.memory_space<hbm>>
        %dma_wait3A_144 = tpu.memref_squeeze %dma_wait3A_143 : memref<1x20x128xi32, #tpu.memory_space<hbm>> -> memref<20x128xi32, #tpu.memory_space<hbm>>
        tpu.wait_dma2 semaphore(%run_scoped3A_116 : memref<!tpu.dma_semaphore, #tpu.memory_space<semaphore_mem>>) src(%dma_wait3A_144 : memref<20x128xi32, #tpu.memory_space<hbm>>) dst(%dma_wait3A_140 : memref<20x128xi32, #tpu.memory_space<vmem>>)
        tpu.yield
      }) : () -> ()
      %run_scoped3A_115 = arith.constant 1 : i32
      "tpu.region"() ({
        %run_scoped3A_116 = tpu.sem_alloc : memref<!tpu.dma_semaphore, #tpu.memory_space<semaphore_mem>>
        %dma_start3A_117 = arith.constant 20 : i32
        %dma_start3A_118 = arith.constant 0 : i32
        %dma_start3A_119 = tpu.memref_slice %arg11[%dma_start3A_117, %dma_start3A_118] : memref<80x128xi32, #tpu.memory_space<vmem>> -> memref<60x128xi32, #tpu.memory_space<vmem>>
        %dma_start3A_120 = arith.constant 0 : i32
        %dma_start3A_121 = arith.constant 0 : i32
        %dma_start3A_122 = tpu.memref_slice %arg4[%run_scoped3A_115, %dma_start3A_120, %dma_start3A_121] : memref<2x60x128xi32, #tpu.memory_space<hbm>> -> memref<1x60x128xi32, #tpu.memory_space<hbm>>
        %dma_start3A_123 = tpu.memref_squeeze %dma_start3A_122 : memref<1x60x128xi32, #tpu.memory_space<hbm>> -> memref<60x128xi32, #tpu.memory_space<hbm>>
        %dma_start3A_124 = arith.constant 20 : i32
        %dma_start3A_125 = arith.constant 0 : i32
        %dma_start3A_126 = tpu.memref_slice %arg11[%dma_start3A_124, %dma_start3A_125] : memref<80x128xi32, #tpu.memory_space<vmem>> -> memref<60x128xi32, #tpu.memory_space<vmem>>
        %dma_start3A_127 = arith.constant 0 : i32
        %dma_start3A_128 = arith.constant 0 : i32
        %dma_start3A_129 = tpu.memref_slice %arg4[%run_scoped3A_115, %dma_start3A_127, %dma_start3A_128] : memref<2x60x128xi32, #tpu.memory_space<hbm>> -> memref<1x60x128xi32, #tpu.memory_space<hbm>>
        %dma_start3A_130 = tpu.memref_squeeze %dma_start3A_129 : memref<1x60x128xi32, #tpu.memory_space<hbm>> -> memref<60x128xi32, #tpu.memory_space<hbm>>
        tpu.enqueue_dma source(%dma_start3A_130 : memref<60x128xi32, #tpu.memory_space<hbm>>) target(%dma_start3A_126 : memref<60x128xi32, #tpu.memory_space<vmem>>) target_semaphore(%run_scoped3A_116 : memref<!tpu.dma_semaphore, #tpu.memory_space<semaphore_mem>>)
        %dma_wait3A_131 = arith.constant 20 : i32
        %dma_wait3A_132 = arith.constant 0 : i32
        %dma_wait3A_133 = tpu.memref_slice %arg11[%dma_wait3A_131, %dma_wait3A_132] : memref<80x128xi32, #tpu.memory_space<vmem>> -> memref<60x128xi32, #tpu.memory_space<vmem>>
        %dma_wait3A_134 = arith.constant 0 : i32
        %dma_wait3A_135 = arith.constant 0 : i32
        %dma_wait3A_136 = tpu.memref_slice %arg4[%run_scoped3A_115, %dma_wait3A_134, %dma_wait3A_135] : memref<2x60x128xi32, #tpu.memory_space<hbm>> -> memref<1x60x128xi32, #tpu.memory_space<hbm>>
        %dma_wait3A_137 = tpu.memref_squeeze %dma_wait3A_136 : memref<1x60x128xi32, #tpu.memory_space<hbm>> -> memref<60x128xi32, #tpu.memory_space<hbm>>
        %dma_wait3A_138 = arith.constant 20 : i32
        %dma_wait3A_139 = arith.constant 0 : i32
        %dma_wait3A_140 = tpu.memref_slice %arg11[%dma_wait3A_138, %dma_wait3A_139] : memref<80x128xi32, #tpu.memory_space<vmem>> -> memref<60x128xi32, #tpu.memory_space<vmem>>
        %dma_wait3A_141 = arith.constant 0 : i32
        %dma_wait3A_142 = arith.constant 0 : i32
        %dma_wait3A_143 = tpu.memref_slice %arg4[%run_scoped3A_115, %dma_wait3A_141, %dma_wait3A_142] : memref<2x60x128xi32, #tpu.memory_space<hbm>> -> memref<1x60x128xi32, #tpu.memory_space<hbm>>
        %dma_wait3A_144 = tpu.memref_squeeze %dma_wait3A_143 : memref<1x60x128xi32, #tpu.memory_space<hbm>> -> memref<60x128xi32, #tpu.memory_space<hbm>>
        tpu.wait_dma2 semaphore(%run_scoped3A_116 : memref<!tpu.dma_semaphore, #tpu.memory_space<semaphore_mem>>) src(%dma_wait3A_144 : memref<60x128xi32, #tpu.memory_space<hbm>>) dst(%dma_wait3A_140 : memref<60x128xi32, #tpu.memory_space<vmem>>)
        tpu.yield
      }) : () -> ()
    } else {
    }
    %barrier3A = arith.constant 0 : index
    tpu.barrier barrier_id(%barrier3A)
    %dma_start3A = arith.constant 0 : i32
    %dma_start3A_13 = arith.constant 0 : i32
    %dma_start3A_14 = arith.constant 0 : i32
    %dma_start3A_15 = arith.constant 0 : i32
    %dma_start3A_16 = tpu.memref_slice %arg12[%dma_start3A_13, %dma_start3A_14, %dma_start3A_15] : memref<5x128x64xf32, #tpu.memory_space<vmem>> -> memref<1x128x64xf32, #tpu.memory_space<vmem>>
    %dma_start3A_17 = tpu.memref_squeeze %dma_start3A_16 : memref<1x128x64xf32, #tpu.memory_space<vmem>> -> memref<128x64xf32, #tpu.memory_space<vmem>>
    %dma_start3A_18 = arith.constant 0 : i32
    %dma_start3A_19 = tpu.memref_slice %arg10[%dma_start3A, %dma_start3A_18] : memref<80x128xi32, #tpu.memory_space<vmem>> -> memref<1x128xi32, #tpu.memory_space<vmem>>
    %dma_start3A_20 = tpu.memref_squeeze %dma_start3A_19 : memref<1x128xi32, #tpu.memory_space<vmem>> -> memref<128xi32, #tpu.memory_space<vmem>>
    %dma_start3A_21 = arith.constant 0 : i32
    %dma_start3A_22 = arith.constant 0 : i32
    %dma_start3A_23 = tpu.memref_slice %arg2[%dma_start3A_21, %dma_start3A_22] : memref<10000x64xf32, #tpu.memory_space<hbm>> -> memref<10000x64xf32, #tpu.memory_space<hbm>>
    tpu.enqueue_indirect_dma source(%dma_start3A_23 : memref<10000x64xf32, #tpu.memory_space<hbm>>) target(%dma_start3A_17 : memref<128x64xf32, #tpu.memory_space<vmem>>) offsets(%dma_start3A_20 : memref<128xi32, #tpu.memory_space<vmem>>) semaphore(%arg13 : memref<!tpu.dma_semaphore, #tpu.memory_space<semaphore_mem>>)
    %dma_start3A_24 = arith.constant 1 : i32
    %dma_start3A_25 = arith.constant 1 : i32
    %dma_start3A_26 = arith.constant 0 : i32
    %dma_start3A_27 = arith.constant 0 : i32
    %dma_start3A_28 = tpu.memref_slice %arg12[%dma_start3A_25, %dma_start3A_26, %dma_start3A_27] : memref<5x128x64xf32, #tpu.memory_space<vmem>> -> memref<1x128x64xf32, #tpu.memory_space<vmem>>
    %dma_start3A_29 = tpu.memref_squeeze %dma_start3A_28 : memref<1x128x64xf32, #tpu.memory_space<vmem>> -> memref<128x64xf32, #tpu.memory_space<vmem>>
    %dma_start3A_30 = arith.constant 0 : i32
    %dma_start3A_31 = tpu.memref_slice %arg10[%dma_start3A_24, %dma_start3A_30] : memref<80x128xi32, #tpu.memory_space<vmem>> -> memref<1x128xi32, #tpu.memory_space<vmem>>
    %dma_start3A_32 = tpu.memref_squeeze %dma_start3A_31 : memref<1x128xi32, #tpu.memory_space<vmem>> -> memref<128xi32, #tpu.memory_space<vmem>>
    %dma_start3A_33 = arith.constant 0 : i32
    %dma_start3A_34 = arith.constant 0 : i32
    %dma_start3A_35 = tpu.memref_slice %arg2[%dma_start3A_33, %dma_start3A_34] : memref<10000x64xf32, #tpu.memory_space<hbm>> -> memref<10000x64xf32, #tpu.memory_space<hbm>>
    tpu.enqueue_indirect_dma source(%dma_start3A_35 : memref<10000x64xf32, #tpu.memory_space<hbm>>) target(%dma_start3A_29 : memref<128x64xf32, #tpu.memory_space<vmem>>) offsets(%dma_start3A_32 : memref<128xi32, #tpu.memory_space<vmem>>) semaphore(%arg14 : memref<!tpu.dma_semaphore, #tpu.memory_space<semaphore_mem>>)
    %dma_start3A_36 = arith.constant 2 : i32
    %dma_start3A_37 = arith.constant 2 : i32
    %dma_start3A_38 = arith.constant 0 : i32
    %dma_start3A_39 = arith.constant 0 : i32
    %dma_start3A_40 = tpu.memref_slice %arg12[%dma_start3A_37, %dma_start3A_38, %dma_start3A_39] : memref<5x128x64xf32, #tpu.memory_space<vmem>> -> memref<1x128x64xf32, #tpu.memory_space<vmem>>
    %dma_start3A_41 = tpu.memref_squeeze %dma_start3A_40 : memref<1x128x64xf32, #tpu.memory_space<vmem>> -> memref<128x64xf32, #tpu.memory_space<vmem>>
    %dma_start3A_42 = arith.constant 0 : i32
    %dma_start3A_43 = tpu.memref_slice %arg10[%dma_start3A_36, %dma_start3A_42] : memref<80x128xi32, #tpu.memory_space<vmem>> -> memref<1x128xi32, #tpu.memory_space<vmem>>
    %dma_start3A_44 = tpu.memref_squeeze %dma_start3A_43 : memref<1x128xi32, #tpu.memory_space<vmem>> -> memref<128xi32, #tpu.memory_space<vmem>>
    %dma_start3A_45 = arith.constant 0 : i32
    %dma_start3A_46 = arith.constant 0 : i32
    %dma_start3A_47 = tpu.memref_slice %arg2[%dma_start3A_45, %dma_start3A_46] : memref<10000x64xf32, #tpu.memory_space<hbm>> -> memref<10000x64xf32, #tpu.memory_space<hbm>>
    tpu.enqueue_indirect_dma source(%dma_start3A_47 : memref<10000x64xf32, #tpu.memory_space<hbm>>) target(%dma_start3A_41 : memref<128x64xf32, #tpu.memory_space<vmem>>) offsets(%dma_start3A_44 : memref<128xi32, #tpu.memory_space<vmem>>) semaphore(%arg15 : memref<!tpu.dma_semaphore, #tpu.memory_space<semaphore_mem>>)
    %scan3A = arith.constant 0 : i32
    %scan3A_48 = arith.constant 0 : i32
    %scan3A_49 = arith.constant 16 : i32
    %scan3A_50 = arith.addi %scan3A_48, %scan3A_49 : i32
    %scan3A_51 = arith.constant 1 : i32
    scf.for %scan3A_113 = %scan3A_48 to %scan3A_50 step %scan3A_51  : i32 {
      %mul3A_114 = arith.constant 5 : i32
      %mul3A_115 = arith.muli %scan3A_113, %mul3A_114 : i32
      %add3A_116 = arith.constant 0 : i32
      %add3A_117 = arith.addi %mul3A_115, %add3A_116 : i32
      %add3A_118 = arith.constant 3 : i32
      %add3A_119 = arith.addi %add3A_117, %add3A_118 : i32
      %lt3A = arith.constant 80 : i32
      %lt3A_120 = arith.cmpi slt, %add3A_119, %lt3A : i32
      %convert_element_type3A_121 = arith.extui %lt3A_120 : i1 to i32
      %cond3A_122 = arith.constant 0 : i32
      %cond3A_123 = arith.cmpi ne, %convert_element_type3A_121, %cond3A_122 : i32
      scf.if %cond3A_123 {
        %ge3A = arith.constant 2 : i32
        %ge3A_283 = arith.cmpi sge, %add3A_117, %ge3A : i32
        %convert_element_type3A_284 = arith.extui %ge3A_283 : i1 to i32
        %cond3A_285 = arith.constant 0 : i32
        %cond3A_286 = arith.cmpi ne, %convert_element_type3A_284, %cond3A_285 : i32
        scf.if %cond3A_286 {
          %dma_wait3A_300 = arith.constant 3 : i32
          %dma_wait3A_301 = arith.constant 0 : i32
          %dma_wait3A_302 = arith.constant 0 : i32
          %dma_wait3A_303 = arith.constant 0 : i32
          %dma_wait3A_304 = tpu.memref_slice %arg12[%dma_wait3A_300, %dma_wait3A_302, %dma_wait3A_303] : memref<5x128x64xf32, #tpu.memory_space<vmem>> -> memref<1x128x64xf32, #tpu.memory_space<vmem>>
          %dma_wait3A_305 = tpu.memref_squeeze %dma_wait3A_304 : memref<1x128x64xf32, #tpu.memory_space<vmem>> -> memref<128x64xf32, #tpu.memory_space<vmem>>
          %dma_wait3A_306 = arith.constant 0 : i32
          %dma_wait3A_307 = tpu.memref_slice %arg11[%dma_wait3A_301, %dma_wait3A_306] : memref<80x128xi32, #tpu.memory_space<vmem>> -> memref<1x128xi32, #tpu.memory_space<vmem>>
          %dma_wait3A_308 = tpu.memref_squeeze %dma_wait3A_307 : memref<1x128xi32, #tpu.memory_space<vmem>> -> memref<128xi32, #tpu.memory_space<vmem>>
          %dma_wait3A_309 = arith.constant 0 : i32
          %dma_wait3A_310 = arith.constant 0 : i32
          %dma_wait3A_311 = tpu.memref_slice %arg9[%dma_wait3A_309, %dma_wait3A_310] : memref<10240x64xf32, #tpu.memory_space<vmem_shared>> -> memref<10240x64xf32, #tpu.memory_space<vmem_shared>>
          tpu.wait_indirect_dma semaphore(%arg16 : memref<!tpu.dma_semaphore, #tpu.memory_space<semaphore_mem>>) src(%dma_wait3A_305 : memref<128x64xf32, #tpu.memory_space<vmem>>) dst(%dma_wait3A_311 : memref<10240x64xf32, #tpu.memory_space<vmem_shared>>)
        } else {
        }
        %add3A_287 = arith.constant 3 : i32
        %add3A_288 = arith.addi %add3A_117, %add3A_287 : i32
        %dma_start3A_289 = arith.constant 3 : i32
        %dma_start3A_290 = arith.constant 0 : i32
        %dma_start3A_291 = arith.constant 0 : i32
        %dma_start3A_292 = tpu.memref_slice %arg12[%dma_start3A_289, %dma_start3A_290, %dma_start3A_291] : memref<5x128x64xf32, #tpu.memory_space<vmem>> -> memref<1x128x64xf32, #tpu.memory_space<vmem>>
        %dma_start3A_293 = tpu.memref_squeeze %dma_start3A_292 : memref<1x128x64xf32, #tpu.memory_space<vmem>> -> memref<128x64xf32, #tpu.memory_space<vmem>>
        %dma_start3A_294 = arith.constant 0 : i32
        %dma_start3A_295 = tpu.memref_slice %arg10[%add3A_288, %dma_start3A_294] : memref<80x128xi32, #tpu.memory_space<vmem>> -> memref<1x128xi32, #tpu.memory_space<vmem>>
        %dma_start3A_296 = tpu.memref_squeeze %dma_start3A_295 : memref<1x128xi32, #tpu.memory_space<vmem>> -> memref<128xi32, #tpu.memory_space<vmem>>
        %dma_start3A_297 = arith.constant 0 : i32
        %dma_start3A_298 = arith.constant 0 : i32
        %dma_start3A_299 = tpu.memref_slice %arg2[%dma_start3A_297, %dma_start3A_298] : memref<10000x64xf32, #tpu.memory_space<hbm>> -> memref<10000x64xf32, #tpu.memory_space<hbm>>
        tpu.enqueue_indirect_dma source(%dma_start3A_299 : memref<10000x64xf32, #tpu.memory_space<hbm>>) target(%dma_start3A_293 : memref<128x64xf32, #tpu.memory_space<vmem>>) offsets(%dma_start3A_296 : memref<128xi32, #tpu.memory_space<vmem>>) semaphore(%arg16 : memref<!tpu.dma_semaphore, #tpu.memory_space<semaphore_mem>>)
      } else {
      }
      %dma_wait3A_124 = arith.constant 0 : i32
      %dma_wait3A_125 = arith.constant 0 : i32
      %dma_wait3A_126 = arith.constant 0 : i32
      %dma_wait3A_127 = arith.constant 0 : i32
      %dma_wait3A_128 = tpu.memref_slice %arg12[%dma_wait3A_125, %dma_wait3A_126, %dma_wait3A_127] : memref<5x128x64xf32, #tpu.memory_space<vmem>> -> memref<1x128x64xf32, #tpu.memory_space<vmem>>
      %dma_wait3A_129 = tpu.memref_squeeze %dma_wait3A_128 : memref<1x128x64xf32, #tpu.memory_space<vmem>> -> memref<128x64xf32, #tpu.memory_space<vmem>>
      %dma_wait3A_130 = arith.constant 0 : i32
      %dma_wait3A_131 = tpu.memref_slice %arg10[%dma_wait3A_124, %dma_wait3A_130] : memref<80x128xi32, #tpu.memory_space<vmem>> -> memref<1x128xi32, #tpu.memory_space<vmem>>
      %dma_wait3A_132 = tpu.memref_squeeze %dma_wait3A_131 : memref<1x128xi32, #tpu.memory_space<vmem>> -> memref<128xi32, #tpu.memory_space<vmem>>
      %dma_wait3A_133 = arith.constant 0 : i32
      %dma_wait3A_134 = arith.constant 0 : i32
      %dma_wait3A_135 = tpu.memref_slice %arg2[%dma_wait3A_133, %dma_wait3A_134] : memref<10000x64xf32, #tpu.memory_space<hbm>> -> memref<10000x64xf32, #tpu.memory_space<hbm>>
      tpu.wait_indirect_dma semaphore(%arg13 : memref<!tpu.dma_semaphore, #tpu.memory_space<semaphore_mem>>) src(%dma_wait3A_135 : memref<10000x64xf32, #tpu.memory_space<hbm>>) dst(%dma_wait3A_129 : memref<128x64xf32, #tpu.memory_space<vmem>>)
      %dma_start3A_136 = arith.constant 0 : i32
      %dma_start3A_137 = arith.constant 0 : i32
      %dma_start3A_138 = arith.constant 0 : i32
      %dma_start3A_139 = tpu.memref_slice %arg12[%dma_start3A_136, %dma_start3A_137, %dma_start3A_138] : memref<5x128x64xf32, #tpu.memory_space<vmem>> -> memref<1x128x64xf32, #tpu.memory_space<vmem>>
      %dma_start3A_140 = tpu.memref_squeeze %dma_start3A_139 : memref<1x128x64xf32, #tpu.memory_space<vmem>> -> memref<128x64xf32, #tpu.memory_space<vmem>>
      %dma_start3A_141 = arith.constant 0 : i32
      %dma_start3A_142 = tpu.memref_slice %arg11[%add3A_117, %dma_start3A_141] : memref<80x128xi32, #tpu.memory_space<vmem>> -> memref<1x128xi32, #tpu.memory_space<vmem>>
      %dma_start3A_143 = tpu.memref_squeeze %dma_start3A_142 : memref<1x128xi32, #tpu.memory_space<vmem>> -> memref<128xi32, #tpu.memory_space<vmem>>
      %dma_start3A_144 = arith.constant 0 : i32
      %dma_start3A_145 = arith.constant 0 : i32
      %dma_start3A_146 = tpu.memref_slice %arg9[%dma_start3A_144, %dma_start3A_145] : memref<10240x64xf32, #tpu.memory_space<vmem_shared>> -> memref<10240x64xf32, #tpu.memory_space<vmem_shared>>
      tpu.enqueue_indirect_dma source(%dma_start3A_140 : memref<128x64xf32, #tpu.memory_space<vmem>>) target(%dma_start3A_146 : memref<10240x64xf32, #tpu.memory_space<vmem_shared>>) offsets(%dma_start3A_143 : memref<128xi32, #tpu.memory_space<vmem>>) semaphore(%arg13 : memref<!tpu.dma_semaphore, #tpu.memory_space<semaphore_mem>>) {add = true}
      %mul3A_147 = arith.constant 5 : i32
      %mul3A_148 = arith.muli %scan3A_113, %mul3A_147 : i32
      %add3A_149 = arith.constant 1 : i32
      %add3A_150 = arith.addi %mul3A_148, %add3A_149 : i32
      %add3A_151 = arith.constant 3 : i32
      %add3A_152 = arith.addi %add3A_150, %add3A_151 : i32
      %lt3A_153 = arith.constant 80 : i32
      %lt3A_154 = arith.cmpi slt, %add3A_152, %lt3A_153 : i32
      %convert_element_type3A_155 = arith.extui %lt3A_154 : i1 to i32
      %cond3A_156 = arith.constant 0 : i32
      %cond3A_157 = arith.cmpi ne, %convert_element_type3A_155, %cond3A_156 : i32
      scf.if %cond3A_157 {
        %ge3A = arith.constant 2 : i32
        %ge3A_283 = arith.cmpi sge, %add3A_150, %ge3A : i32
        %convert_element_type3A_284 = arith.extui %ge3A_283 : i1 to i32
        %cond3A_285 = arith.constant 0 : i32
        %cond3A_286 = arith.cmpi ne, %convert_element_type3A_284, %cond3A_285 : i32
        scf.if %cond3A_286 {
          %dma_wait3A_300 = arith.constant 4 : i32
          %dma_wait3A_301 = arith.constant 0 : i32
          %dma_wait3A_302 = arith.constant 0 : i32
          %dma_wait3A_303 = arith.constant 0 : i32
          %dma_wait3A_304 = tpu.memref_slice %arg12[%dma_wait3A_300, %dma_wait3A_302, %dma_wait3A_303] : memref<5x128x64xf32, #tpu.memory_space<vmem>> -> memref<1x128x64xf32, #tpu.memory_space<vmem>>
          %dma_wait3A_305 = tpu.memref_squeeze %dma_wait3A_304 : memref<1x128x64xf32, #tpu.memory_space<vmem>> -> memref<128x64xf32, #tpu.memory_space<vmem>>
          %dma_wait3A_306 = arith.constant 0 : i32
          %dma_wait3A_307 = tpu.memref_slice %arg11[%dma_wait3A_301, %dma_wait3A_306] : memref<80x128xi32, #tpu.memory_space<vmem>> -> memref<1x128xi32, #tpu.memory_space<vmem>>
          %dma_wait3A_308 = tpu.memref_squeeze %dma_wait3A_307 : memref<1x128xi32, #tpu.memory_space<vmem>> -> memref<128xi32, #tpu.memory_space<vmem>>
          %dma_wait3A_309 = arith.constant 0 : i32
          %dma_wait3A_310 = arith.constant 0 : i32
          %dma_wait3A_311 = tpu.memref_slice %arg9[%dma_wait3A_309, %dma_wait3A_310] : memref<10240x64xf32, #tpu.memory_space<vmem_shared>> -> memref<10240x64xf32, #tpu.memory_space<vmem_shared>>
          tpu.wait_indirect_dma semaphore(%arg17 : memref<!tpu.dma_semaphore, #tpu.memory_space<semaphore_mem>>) src(%dma_wait3A_305 : memref<128x64xf32, #tpu.memory_space<vmem>>) dst(%dma_wait3A_311 : memref<10240x64xf32, #tpu.memory_space<vmem_shared>>)
        } else {
        }
        %add3A_287 = arith.constant 3 : i32
        %add3A_288 = arith.addi %add3A_150, %add3A_287 : i32
        %dma_start3A_289 = arith.constant 4 : i32
        %dma_start3A_290 = arith.constant 0 : i32
        %dma_start3A_291 = arith.constant 0 : i32
        %dma_start3A_292 = tpu.memref_slice %arg12[%dma_start3A_289, %dma_start3A_290, %dma_start3A_291] : memref<5x128x64xf32, #tpu.memory_space<vmem>> -> memref<1x128x64xf32, #tpu.memory_space<vmem>>
        %dma_start3A_293 = tpu.memref_squeeze %dma_start3A_292 : memref<1x128x64xf32, #tpu.memory_space<vmem>> -> memref<128x64xf32, #tpu.memory_space<vmem>>
        %dma_start3A_294 = arith.constant 0 : i32
        %dma_start3A_295 = tpu.memref_slice %arg10[%add3A_288, %dma_start3A_294] : memref<80x128xi32, #tpu.memory_space<vmem>> -> memref<1x128xi32, #tpu.memory_space<vmem>>
        %dma_start3A_296 = tpu.memref_squeeze %dma_start3A_295 : memref<1x128xi32, #tpu.memory_space<vmem>> -> memref<128xi32, #tpu.memory_space<vmem>>
        %dma_start3A_297 = arith.constant 0 : i32
        %dma_start3A_298 = arith.constant 0 : i32
        %dma_start3A_299 = tpu.memref_slice %arg2[%dma_start3A_297, %dma_start3A_298] : memref<10000x64xf32, #tpu.memory_space<hbm>> -> memref<10000x64xf32, #tpu.memory_space<hbm>>
        tpu.enqueue_indirect_dma source(%dma_start3A_299 : memref<10000x64xf32, #tpu.memory_space<hbm>>) target(%dma_start3A_293 : memref<128x64xf32, #tpu.memory_space<vmem>>) offsets(%dma_start3A_296 : memref<128xi32, #tpu.memory_space<vmem>>) semaphore(%arg17 : memref<!tpu.dma_semaphore, #tpu.memory_space<semaphore_mem>>)
      } else {
      }
      %dma_wait3A_158 = arith.constant 0 : i32
      %dma_wait3A_159 = arith.constant 1 : i32
      %dma_wait3A_160 = arith.constant 0 : i32
      %dma_wait3A_161 = arith.constant 0 : i32
      %dma_wait3A_162 = tpu.memref_slice %arg12[%dma_wait3A_159, %dma_wait3A_160, %dma_wait3A_161] : memref<5x128x64xf32, #tpu.memory_space<vmem>> -> memref<1x128x64xf32, #tpu.memory_space<vmem>>
      %dma_wait3A_163 = tpu.memref_squeeze %dma_wait3A_162 : memref<1x128x64xf32, #tpu.memory_space<vmem>> -> memref<128x64xf32, #tpu.memory_space<vmem>>
      %dma_wait3A_164 = arith.constant 0 : i32
      %dma_wait3A_165 = tpu.memref_slice %arg10[%dma_wait3A_158, %dma_wait3A_164] : memref<80x128xi32, #tpu.memory_space<vmem>> -> memref<1x128xi32, #tpu.memory_space<vmem>>
      %dma_wait3A_166 = tpu.memref_squeeze %dma_wait3A_165 : memref<1x128xi32, #tpu.memory_space<vmem>> -> memref<128xi32, #tpu.memory_space<vmem>>
      %dma_wait3A_167 = arith.constant 0 : i32
      %dma_wait3A_168 = arith.constant 0 : i32
      %dma_wait3A_169 = tpu.memref_slice %arg2[%dma_wait3A_167, %dma_wait3A_168] : memref<10000x64xf32, #tpu.memory_space<hbm>> -> memref<10000x64xf32, #tpu.memory_space<hbm>>
      tpu.wait_indirect_dma semaphore(%arg14 : memref<!tpu.dma_semaphore, #tpu.memory_space<semaphore_mem>>) src(%dma_wait3A_169 : memref<10000x64xf32, #tpu.memory_space<hbm>>) dst(%dma_wait3A_163 : memref<128x64xf32, #tpu.memory_space<vmem>>)
      %dma_start3A_170 = arith.constant 1 : i32
      %dma_start3A_171 = arith.constant 0 : i32
      %dma_start3A_172 = arith.constant 0 : i32
      %dma_start3A_173 = tpu.memref_slice %arg12[%dma_start3A_170, %dma_start3A_171, %dma_start3A_172] : memref<5x128x64xf32, #tpu.memory_space<vmem>> -> memref<1x128x64xf32, #tpu.memory_space<vmem>>
      %dma_start3A_174 = tpu.memref_squeeze %dma_start3A_173 : memref<1x128x64xf32, #tpu.memory_space<vmem>> -> memref<128x64xf32, #tpu.memory_space<vmem>>
      %dma_start3A_175 = arith.constant 0 : i32
      %dma_start3A_176 = tpu.memref_slice %arg11[%add3A_150, %dma_start3A_175] : memref<80x128xi32, #tpu.memory_space<vmem>> -> memref<1x128xi32, #tpu.memory_space<vmem>>
      %dma_start3A_177 = tpu.memref_squeeze %dma_start3A_176 : memref<1x128xi32, #tpu.memory_space<vmem>> -> memref<128xi32, #tpu.memory_space<vmem>>
      %dma_start3A_178 = arith.constant 0 : i32
      %dma_start3A_179 = arith.constant 0 : i32
      %dma_start3A_180 = tpu.memref_slice %arg9[%dma_start3A_178, %dma_start3A_179] : memref<10240x64xf32, #tpu.memory_space<vmem_shared>> -> memref<10240x64xf32, #tpu.memory_space<vmem_shared>>
      tpu.enqueue_indirect_dma source(%dma_start3A_174 : memref<128x64xf32, #tpu.memory_space<vmem>>) target(%dma_start3A_180 : memref<10240x64xf32, #tpu.memory_space<vmem_shared>>) offsets(%dma_start3A_177 : memref<128xi32, #tpu.memory_space<vmem>>) semaphore(%arg14 : memref<!tpu.dma_semaphore, #tpu.memory_space<semaphore_mem>>) {add = true}
      %mul3A_181 = arith.constant 5 : i32
      %mul3A_182 = arith.muli %scan3A_113, %mul3A_181 : i32
      %add3A_183 = arith.constant 2 : i32
      %add3A_184 = arith.addi %mul3A_182, %add3A_183 : i32
      %add3A_185 = arith.constant 3 : i32
      %add3A_186 = arith.addi %add3A_184, %add3A_185 : i32
      %lt3A_187 = arith.constant 80 : i32
      %lt3A_188 = arith.cmpi slt, %add3A_186, %lt3A_187 : i32
      %convert_element_type3A_189 = arith.extui %lt3A_188 : i1 to i32
      %cond3A_190 = arith.constant 0 : i32
      %cond3A_191 = arith.cmpi ne, %convert_element_type3A_189, %cond3A_190 : i32
      scf.if %cond3A_191 {
        %ge3A = arith.constant 2 : i32
        %ge3A_283 = arith.cmpi sge, %add3A_184, %ge3A : i32
        %convert_element_type3A_284 = arith.extui %ge3A_283 : i1 to i32
        %cond3A_285 = arith.constant 0 : i32
        %cond3A_286 = arith.cmpi ne, %convert_element_type3A_284, %cond3A_285 : i32
        scf.if %cond3A_286 {
          %dma_wait3A_300 = arith.constant 0 : i32
          %dma_wait3A_301 = arith.constant 0 : i32
          %dma_wait3A_302 = arith.constant 0 : i32
          %dma_wait3A_303 = arith.constant 0 : i32
          %dma_wait3A_304 = tpu.memref_slice %arg12[%dma_wait3A_300, %dma_wait3A_302, %dma_wait3A_303] : memref<5x128x64xf32, #tpu.memory_space<vmem>> -> memref<1x128x64xf32, #tpu.memory_space<vmem>>
          %dma_wait3A_305 = tpu.memref_squeeze %dma_wait3A_304 : memref<1x128x64xf32, #tpu.memory_space<vmem>> -> memref<128x64xf32, #tpu.memory_space<vmem>>
          %dma_wait3A_306 = arith.constant 0 : i32
          %dma_wait3A_307 = tpu.memref_slice %arg11[%dma_wait3A_301, %dma_wait3A_306] : memref<80x128xi32, #tpu.memory_space<vmem>> -> memref<1x128xi32, #tpu.memory_space<vmem>>
          %dma_wait3A_308 = tpu.memref_squeeze %dma_wait3A_307 : memref<1x128xi32, #tpu.memory_space<vmem>> -> memref<128xi32, #tpu.memory_space<vmem>>
          %dma_wait3A_309 = arith.constant 0 : i32
          %dma_wait3A_310 = arith.constant 0 : i32
          %dma_wait3A_311 = tpu.memref_slice %arg9[%dma_wait3A_309, %dma_wait3A_310] : memref<10240x64xf32, #tpu.memory_space<vmem_shared>> -> memref<10240x64xf32, #tpu.memory_space<vmem_shared>>
          tpu.wait_indirect_dma semaphore(%arg13 : memref<!tpu.dma_semaphore, #tpu.memory_space<semaphore_mem>>) src(%dma_wait3A_305 : memref<128x64xf32, #tpu.memory_space<vmem>>) dst(%dma_wait3A_311 : memref<10240x64xf32, #tpu.memory_space<vmem_shared>>)
        } else {
        }
        %add3A_287 = arith.constant 3 : i32
        %add3A_288 = arith.addi %add3A_184, %add3A_287 : i32
        %dma_start3A_289 = arith.constant 0 : i32
        %dma_start3A_290 = arith.constant 0 : i32
        %dma_start3A_291 = arith.constant 0 : i32
        %dma_start3A_292 = tpu.memref_slice %arg12[%dma_start3A_289, %dma_start3A_290, %dma_start3A_291] : memref<5x128x64xf32, #tpu.memory_space<vmem>> -> memref<1x128x64xf32, #tpu.memory_space<vmem>>
        %dma_start3A_293 = tpu.memref_squeeze %dma_start3A_292 : memref<1x128x64xf32, #tpu.memory_space<vmem>> -> memref<128x64xf32, #tpu.memory_space<vmem>>
        %dma_start3A_294 = arith.constant 0 : i32
        %dma_start3A_295 = tpu.memref_slice %arg10[%add3A_288, %dma_start3A_294] : memref<80x128xi32, #tpu.memory_space<vmem>> -> memref<1x128xi32, #tpu.memory_space<vmem>>
        %dma_start3A_296 = tpu.memref_squeeze %dma_start3A_295 : memref<1x128xi32, #tpu.memory_space<vmem>> -> memref<128xi32, #tpu.memory_space<vmem>>
        %dma_start3A_297 = arith.constant 0 : i32
        %dma_start3A_298 = arith.constant 0 : i32
        %dma_start3A_299 = tpu.memref_slice %arg2[%dma_start3A_297, %dma_start3A_298] : memref<10000x64xf32, #tpu.memory_space<hbm>> -> memref<10000x64xf32, #tpu.memory_space<hbm>>
        tpu.enqueue_indirect_dma source(%dma_start3A_299 : memref<10000x64xf32, #tpu.memory_space<hbm>>) target(%dma_start3A_293 : memref<128x64xf32, #tpu.memory_space<vmem>>) offsets(%dma_start3A_296 : memref<128xi32, #tpu.memory_space<vmem>>) semaphore(%arg13 : memref<!tpu.dma_semaphore, #tpu.memory_space<semaphore_mem>>)
      } else {
      }
      %dma_wait3A_192 = arith.constant 0 : i32
      %dma_wait3A_193 = arith.constant 2 : i32
      %dma_wait3A_194 = arith.constant 0 : i32
      %dma_wait3A_195 = arith.constant 0 : i32
      %dma_wait3A_196 = tpu.memref_slice %arg12[%dma_wait3A_193, %dma_wait3A_194, %dma_wait3A_195] : memref<5x128x64xf32, #tpu.memory_space<vmem>> -> memref<1x128x64xf32, #tpu.memory_space<vmem>>
      %dma_wait3A_197 = tpu.memref_squeeze %dma_wait3A_196 : memref<1x128x64xf32, #tpu.memory_space<vmem>> -> memref<128x64xf32, #tpu.memory_space<vmem>>
      %dma_wait3A_198 = arith.constant 0 : i32
      %dma_wait3A_199 = tpu.memref_slice %arg10[%dma_wait3A_192, %dma_wait3A_198] : memref<80x128xi32, #tpu.memory_space<vmem>> -> memref<1x128xi32, #tpu.memory_space<vmem>>
      %dma_wait3A_200 = tpu.memref_squeeze %dma_wait3A_199 : memref<1x128xi32, #tpu.memory_space<vmem>> -> memref<128xi32, #tpu.memory_space<vmem>>
      %dma_wait3A_201 = arith.constant 0 : i32
      %dma_wait3A_202 = arith.constant 0 : i32
      %dma_wait3A_203 = tpu.memref_slice %arg2[%dma_wait3A_201, %dma_wait3A_202] : memref<10000x64xf32, #tpu.memory_space<hbm>> -> memref<10000x64xf32, #tpu.memory_space<hbm>>
      tpu.wait_indirect_dma semaphore(%arg15 : memref<!tpu.dma_semaphore, #tpu.memory_space<semaphore_mem>>) src(%dma_wait3A_203 : memref<10000x64xf32, #tpu.memory_space<hbm>>) dst(%dma_wait3A_197 : memref<128x64xf32, #tpu.memory_space<vmem>>)
      %dma_start3A_204 = arith.constant 2 : i32
      %dma_start3A_205 = arith.constant 0 : i32
      %dma_start3A_206 = arith.constant 0 : i32
      %dma_start3A_207 = tpu.memref_slice %arg12[%dma_start3A_204, %dma_start3A_205, %dma_start3A_206] : memref<5x128x64xf32, #tpu.memory_space<vmem>> -> memref<1x128x64xf32, #tpu.memory_space<vmem>>
      %dma_start3A_208 = tpu.memref_squeeze %dma_start3A_207 : memref<1x128x64xf32, #tpu.memory_space<vmem>> -> memref<128x64xf32, #tpu.memory_space<vmem>>
      %dma_start3A_209 = arith.constant 0 : i32
      %dma_start3A_210 = tpu.memref_slice %arg11[%add3A_184, %dma_start3A_209] : memref<80x128xi32, #tpu.memory_space<vmem>> -> memref<1x128xi32, #tpu.memory_space<vmem>>
      %dma_start3A_211 = tpu.memref_squeeze %dma_start3A_210 : memref<1x128xi32, #tpu.memory_space<vmem>> -> memref<128xi32, #tpu.memory_space<vmem>>
      %dma_start3A_212 = arith.constant 0 : i32
      %dma_start3A_213 = arith.constant 0 : i32
      %dma_start3A_214 = tpu.memref_slice %arg9[%dma_start3A_212, %dma_start3A_213] : memref<10240x64xf32, #tpu.memory_space<vmem_shared>> -> memref<10240x64xf32, #tpu.memory_space<vmem_shared>>
      tpu.enqueue_indirect_dma source(%dma_start3A_208 : memref<128x64xf32, #tpu.memory_space<vmem>>) target(%dma_start3A_214 : memref<10240x64xf32, #tpu.memory_space<vmem_shared>>) offsets(%dma_start3A_211 : memref<128xi32, #tpu.memory_space<vmem>>) semaphore(%arg15 : memref<!tpu.dma_semaphore, #tpu.memory_space<semaphore_mem>>) {add = true}
      %mul3A_215 = arith.constant 5 : i32
      %mul3A_216 = arith.muli %scan3A_113, %mul3A_215 : i32
      %add3A_217 = arith.constant 3 : i32
      %add3A_218 = arith.addi %mul3A_216, %add3A_217 : i32
      %add3A_219 = arith.constant 3 : i32
      %add3A_220 = arith.addi %add3A_218, %add3A_219 : i32
      %lt3A_221 = arith.constant 80 : i32
      %lt3A_222 = arith.cmpi slt, %add3A_220, %lt3A_221 : i32
      %convert_element_type3A_223 = arith.extui %lt3A_222 : i1 to i32
      %cond3A_224 = arith.constant 0 : i32
      %cond3A_225 = arith.cmpi ne, %convert_element_type3A_223, %cond3A_224 : i32
      scf.if %cond3A_225 {
        %ge3A = arith.constant 2 : i32
        %ge3A_283 = arith.cmpi sge, %add3A_218, %ge3A : i32
        %convert_element_type3A_284 = arith.extui %ge3A_283 : i1 to i32
        %cond3A_285 = arith.constant 0 : i32
        %cond3A_286 = arith.cmpi ne, %convert_element_type3A_284, %cond3A_285 : i32
        scf.if %cond3A_286 {
          %dma_wait3A_300 = arith.constant 1 : i32
          %dma_wait3A_301 = arith.constant 0 : i32
          %dma_wait3A_302 = arith.constant 0 : i32
          %dma_wait3A_303 = arith.constant 0 : i32
          %dma_wait3A_304 = tpu.memref_slice %arg12[%dma_wait3A_300, %dma_wait3A_302, %dma_wait3A_303] : memref<5x128x64xf32, #tpu.memory_space<vmem>> -> memref<1x128x64xf32, #tpu.memory_space<vmem>>
          %dma_wait3A_305 = tpu.memref_squeeze %dma_wait3A_304 : memref<1x128x64xf32, #tpu.memory_space<vmem>> -> memref<128x64xf32, #tpu.memory_space<vmem>>
          %dma_wait3A_306 = arith.constant 0 : i32
          %dma_wait3A_307 = tpu.memref_slice %arg11[%dma_wait3A_301, %dma_wait3A_306] : memref<80x128xi32, #tpu.memory_space<vmem>> -> memref<1x128xi32, #tpu.memory_space<vmem>>
          %dma_wait3A_308 = tpu.memref_squeeze %dma_wait3A_307 : memref<1x128xi32, #tpu.memory_space<vmem>> -> memref<128xi32, #tpu.memory_space<vmem>>
          %dma_wait3A_309 = arith.constant 0 : i32
          %dma_wait3A_310 = arith.constant 0 : i32
          %dma_wait3A_311 = tpu.memref_slice %arg9[%dma_wait3A_309, %dma_wait3A_310] : memref<10240x64xf32, #tpu.memory_space<vmem_shared>> -> memref<10240x64xf32, #tpu.memory_space<vmem_shared>>
          tpu.wait_indirect_dma semaphore(%arg14 : memref<!tpu.dma_semaphore, #tpu.memory_space<semaphore_mem>>) src(%dma_wait3A_305 : memref<128x64xf32, #tpu.memory_space<vmem>>) dst(%dma_wait3A_311 : memref<10240x64xf32, #tpu.memory_space<vmem_shared>>)
        } else {
        }
        %add3A_287 = arith.constant 3 : i32
        %add3A_288 = arith.addi %add3A_218, %add3A_287 : i32
        %dma_start3A_289 = arith.constant 1 : i32
        %dma_start3A_290 = arith.constant 0 : i32
        %dma_start3A_291 = arith.constant 0 : i32
        %dma_start3A_292 = tpu.memref_slice %arg12[%dma_start3A_289, %dma_start3A_290, %dma_start3A_291] : memref<5x128x64xf32, #tpu.memory_space<vmem>> -> memref<1x128x64xf32, #tpu.memory_space<vmem>>
        %dma_start3A_293 = tpu.memref_squeeze %dma_start3A_292 : memref<1x128x64xf32, #tpu.memory_space<vmem>> -> memref<128x64xf32, #tpu.memory_space<vmem>>
        %dma_start3A_294 = arith.constant 0 : i32
        %dma_start3A_295 = tpu.memref_slice %arg10[%add3A_288, %dma_start3A_294] : memref<80x128xi32, #tpu.memory_space<vmem>> -> memref<1x128xi32, #tpu.memory_space<vmem>>
        %dma_start3A_296 = tpu.memref_squeeze %dma_start3A_295 : memref<1x128xi32, #tpu.memory_space<vmem>> -> memref<128xi32, #tpu.memory_space<vmem>>
        %dma_start3A_297 = arith.constant 0 : i32
        %dma_start3A_298 = arith.constant 0 : i32
        %dma_start3A_299 = tpu.memref_slice %arg2[%dma_start3A_297, %dma_start3A_298] : memref<10000x64xf32, #tpu.memory_space<hbm>> -> memref<10000x64xf32, #tpu.memory_space<hbm>>
        tpu.enqueue_indirect_dma source(%dma_start3A_299 : memref<10000x64xf32, #tpu.memory_space<hbm>>) target(%dma_start3A_293 : memref<128x64xf32, #tpu.memory_space<vmem>>) offsets(%dma_start3A_296 : memref<128xi32, #tpu.memory_space<vmem>>) semaphore(%arg14 : memref<!tpu.dma_semaphore, #tpu.memory_space<semaphore_mem>>)
      } else {
      }
      %dma_wait3A_226 = arith.constant 0 : i32
      %dma_wait3A_227 = arith.constant 3 : i32
      %dma_wait3A_228 = arith.constant 0 : i32
      %dma_wait3A_229 = arith.constant 0 : i32
      %dma_wait3A_230 = tpu.memref_slice %arg12[%dma_wait3A_227, %dma_wait3A_228, %dma_wait3A_229] : memref<5x128x64xf32, #tpu.memory_space<vmem>> -> memref<1x128x64xf32, #tpu.memory_space<vmem>>
      %dma_wait3A_231 = tpu.memref_squeeze %dma_wait3A_230 : memref<1x128x64xf32, #tpu.memory_space<vmem>> -> memref<128x64xf32, #tpu.memory_space<vmem>>
      %dma_wait3A_232 = arith.constant 0 : i32
      %dma_wait3A_233 = tpu.memref_slice %arg10[%dma_wait3A_226, %dma_wait3A_232] : memref<80x128xi32, #tpu.memory_space<vmem>> -> memref<1x128xi32, #tpu.memory_space<vmem>>
      %dma_wait3A_234 = tpu.memref_squeeze %dma_wait3A_233 : memref<1x128xi32, #tpu.memory_space<vmem>> -> memref<128xi32, #tpu.memory_space<vmem>>
      %dma_wait3A_235 = arith.constant 0 : i32
      %dma_wait3A_236 = arith.constant 0 : i32
      %dma_wait3A_237 = tpu.memref_slice %arg2[%dma_wait3A_235, %dma_wait3A_236] : memref<10000x64xf32, #tpu.memory_space<hbm>> -> memref<10000x64xf32, #tpu.memory_space<hbm>>
      tpu.wait_indirect_dma semaphore(%arg16 : memref<!tpu.dma_semaphore, #tpu.memory_space<semaphore_mem>>) src(%dma_wait3A_237 : memref<10000x64xf32, #tpu.memory_space<hbm>>) dst(%dma_wait3A_231 : memref<128x64xf32, #tpu.memory_space<vmem>>)
      %dma_start3A_238 = arith.constant 3 : i32
      %dma_start3A_239 = arith.constant 0 : i32
      %dma_start3A_240 = arith.constant 0 : i32
      %dma_start3A_241 = tpu.memref_slice %arg12[%dma_start3A_238, %dma_start3A_239, %dma_start3A_240] : memref<5x128x64xf32, #tpu.memory_space<vmem>> -> memref<1x128x64xf32, #tpu.memory_space<vmem>>
      %dma_start3A_242 = tpu.memref_squeeze %dma_start3A_241 : memref<1x128x64xf32, #tpu.memory_space<vmem>> -> memref<128x64xf32, #tpu.memory_space<vmem>>
      %dma_start3A_243 = arith.constant 0 : i32
      %dma_start3A_244 = tpu.memref_slice %arg11[%add3A_218, %dma_start3A_243] : memref<80x128xi32, #tpu.memory_space<vmem>> -> memref<1x128xi32, #tpu.memory_space<vmem>>
      %dma_start3A_245 = tpu.memref_squeeze %dma_start3A_244 : memref<1x128xi32, #tpu.memory_space<vmem>> -> memref<128xi32, #tpu.memory_space<vmem>>
      %dma_start3A_246 = arith.constant 0 : i32
      %dma_start3A_247 = arith.constant 0 : i32
      %dma_start3A_248 = tpu.memref_slice %arg9[%dma_start3A_246, %dma_start3A_247] : memref<10240x64xf32, #tpu.memory_space<vmem_shared>> -> memref<10240x64xf32, #tpu.memory_space<vmem_shared>>
      tpu.enqueue_indirect_dma source(%dma_start3A_242 : memref<128x64xf32, #tpu.memory_space<vmem>>) target(%dma_start3A_248 : memref<10240x64xf32, #tpu.memory_space<vmem_shared>>) offsets(%dma_start3A_245 : memref<128xi32, #tpu.memory_space<vmem>>) semaphore(%arg16 : memref<!tpu.dma_semaphore, #tpu.memory_space<semaphore_mem>>) {add = true}
      %mul3A_249 = arith.constant 5 : i32
      %mul3A_250 = arith.muli %scan3A_113, %mul3A_249 : i32
      %add3A_251 = arith.constant 4 : i32
      %add3A_252 = arith.addi %mul3A_250, %add3A_251 : i32
      %add3A_253 = arith.constant 3 : i32
      %add3A_254 = arith.addi %add3A_252, %add3A_253 : i32
      %lt3A_255 = arith.constant 80 : i32
      %lt3A_256 = arith.cmpi slt, %add3A_254, %lt3A_255 : i32
      %convert_element_type3A_257 = arith.extui %lt3A_256 : i1 to i32
      %cond3A_258 = arith.constant 0 : i32
      %cond3A_259 = arith.cmpi ne, %convert_element_type3A_257, %cond3A_258 : i32
      scf.if %cond3A_259 {
        %ge3A = arith.constant 2 : i32
        %ge3A_283 = arith.cmpi sge, %add3A_252, %ge3A : i32
        %convert_element_type3A_284 = arith.extui %ge3A_283 : i1 to i32
        %cond3A_285 = arith.constant 0 : i32
        %cond3A_286 = arith.cmpi ne, %convert_element_type3A_284, %cond3A_285 : i32
        scf.if %cond3A_286 {
          %dma_wait3A_300 = arith.constant 2 : i32
          %dma_wait3A_301 = arith.constant 0 : i32
          %dma_wait3A_302 = arith.constant 0 : i32
          %dma_wait3A_303 = arith.constant 0 : i32
          %dma_wait3A_304 = tpu.memref_slice %arg12[%dma_wait3A_300, %dma_wait3A_302, %dma_wait3A_303] : memref<5x128x64xf32, #tpu.memory_space<vmem>> -> memref<1x128x64xf32, #tpu.memory_space<vmem>>
          %dma_wait3A_305 = tpu.memref_squeeze %dma_wait3A_304 : memref<1x128x64xf32, #tpu.memory_space<vmem>> -> memref<128x64xf32, #tpu.memory_space<vmem>>
          %dma_wait3A_306 = arith.constant 0 : i32
          %dma_wait3A_307 = tpu.memref_slice %arg11[%dma_wait3A_301, %dma_wait3A_306] : memref<80x128xi32, #tpu.memory_space<vmem>> -> memref<1x128xi32, #tpu.memory_space<vmem>>
          %dma_wait3A_308 = tpu.memref_squeeze %dma_wait3A_307 : memref<1x128xi32, #tpu.memory_space<vmem>> -> memref<128xi32, #tpu.memory_space<vmem>>
          %dma_wait3A_309 = arith.constant 0 : i32
          %dma_wait3A_310 = arith.constant 0 : i32
          %dma_wait3A_311 = tpu.memref_slice %arg9[%dma_wait3A_309, %dma_wait3A_310] : memref<10240x64xf32, #tpu.memory_space<vmem_shared>> -> memref<10240x64xf32, #tpu.memory_space<vmem_shared>>
          tpu.wait_indirect_dma semaphore(%arg15 : memref<!tpu.dma_semaphore, #tpu.memory_space<semaphore_mem>>) src(%dma_wait3A_305 : memref<128x64xf32, #tpu.memory_space<vmem>>) dst(%dma_wait3A_311 : memref<10240x64xf32, #tpu.memory_space<vmem_shared>>)
        } else {
        }
        %add3A_287 = arith.constant 3 : i32
        %add3A_288 = arith.addi %add3A_252, %add3A_287 : i32
        %dma_start3A_289 = arith.constant 2 : i32
        %dma_start3A_290 = arith.constant 0 : i32
        %dma_start3A_291 = arith.constant 0 : i32
        %dma_start3A_292 = tpu.memref_slice %arg12[%dma_start3A_289, %dma_start3A_290, %dma_start3A_291] : memref<5x128x64xf32, #tpu.memory_space<vmem>> -> memref<1x128x64xf32, #tpu.memory_space<vmem>>
        %dma_start3A_293 = tpu.memref_squeeze %dma_start3A_292 : memref<1x128x64xf32, #tpu.memory_space<vmem>> -> memref<128x64xf32, #tpu.memory_space<vmem>>
        %dma_start3A_294 = arith.constant 0 : i32
        %dma_start3A_295 = tpu.memref_slice %arg10[%add3A_288, %dma_start3A_294] : memref<80x128xi32, #tpu.memory_space<vmem>> -> memref<1x128xi32, #tpu.memory_space<vmem>>
        %dma_start3A_296 = tpu.memref_squeeze %dma_start3A_295 : memref<1x128xi32, #tpu.memory_space<vmem>> -> memref<128xi32, #tpu.memory_space<vmem>>
        %dma_start3A_297 = arith.constant 0 : i32
        %dma_start3A_298 = arith.constant 0 : i32
        %dma_start3A_299 = tpu.memref_slice %arg2[%dma_start3A_297, %dma_start3A_298] : memref<10000x64xf32, #tpu.memory_space<hbm>> -> memref<10000x64xf32, #tpu.memory_space<hbm>>
        tpu.enqueue_indirect_dma source(%dma_start3A_299 : memref<10000x64xf32, #tpu.memory_space<hbm>>) target(%dma_start3A_293 : memref<128x64xf32, #tpu.memory_space<vmem>>) offsets(%dma_start3A_296 : memref<128xi32, #tpu.memory_space<vmem>>) semaphore(%arg15 : memref<!tpu.dma_semaphore, #tpu.memory_space<semaphore_mem>>)
      } else {
      }
      %dma_wait3A_260 = arith.constant 0 : i32
      %dma_wait3A_261 = arith.constant 4 : i32
      %dma_wait3A_262 = arith.constant 0 : i32
      %dma_wait3A_263 = arith.constant 0 : i32
      %dma_wait3A_264 = tpu.memref_slice %arg12[%dma_wait3A_261, %dma_wait3A_262, %dma_wait3A_263] : memref<5x128x64xf32, #tpu.memory_space<vmem>> -> memref<1x128x64xf32, #tpu.memory_space<vmem>>
      %dma_wait3A_265 = tpu.memref_squeeze %dma_wait3A_264 : memref<1x128x64xf32, #tpu.memory_space<vmem>> -> memref<128x64xf32, #tpu.memory_space<vmem>>
      %dma_wait3A_266 = arith.constant 0 : i32
      %dma_wait3A_267 = tpu.memref_slice %arg10[%dma_wait3A_260, %dma_wait3A_266] : memref<80x128xi32, #tpu.memory_space<vmem>> -> memref<1x128xi32, #tpu.memory_space<vmem>>
      %dma_wait3A_268 = tpu.memref_squeeze %dma_wait3A_267 : memref<1x128xi32, #tpu.memory_space<vmem>> -> memref<128xi32, #tpu.memory_space<vmem>>
      %dma_wait3A_269 = arith.constant 0 : i32
      %dma_wait3A_270 = arith.constant 0 : i32
      %dma_wait3A_271 = tpu.memref_slice %arg2[%dma_wait3A_269, %dma_wait3A_270] : memref<10000x64xf32, #tpu.memory_space<hbm>> -> memref<10000x64xf32, #tpu.memory_space<hbm>>
      tpu.wait_indirect_dma semaphore(%arg17 : memref<!tpu.dma_semaphore, #tpu.memory_space<semaphore_mem>>) src(%dma_wait3A_271 : memref<10000x64xf32, #tpu.memory_space<hbm>>) dst(%dma_wait3A_265 : memref<128x64xf32, #tpu.memory_space<vmem>>)
      %dma_start3A_272 = arith.constant 4 : i32
      %dma_start3A_273 = arith.constant 0 : i32
      %dma_start3A_274 = arith.constant 0 : i32
      %dma_start3A_275 = tpu.memref_slice %arg12[%dma_start3A_272, %dma_start3A_273, %dma_start3A_274] : memref<5x128x64xf32, #tpu.memory_space<vmem>> -> memref<1x128x64xf32, #tpu.memory_space<vmem>>
      %dma_start3A_276 = tpu.memref_squeeze %dma_start3A_275 : memref<1x128x64xf32, #tpu.memory_space<vmem>> -> memref<128x64xf32, #tpu.memory_space<vmem>>
      %dma_start3A_277 = arith.constant 0 : i32
      %dma_start3A_278 = tpu.memref_slice %arg11[%add3A_252, %dma_start3A_277] : memref<80x128xi32, #tpu.memory_space<vmem>> -> memref<1x128xi32, #tpu.memory_space<vmem>>
      %dma_start3A_279 = tpu.memref_squeeze %dma_start3A_278 : memref<1x128xi32, #tpu.memory_space<vmem>> -> memref<128xi32, #tpu.memory_space<vmem>>
      %dma_start3A_280 = arith.constant 0 : i32
      %dma_start3A_281 = arith.constant 0 : i32
      %dma_start3A_282 = tpu.memref_slice %arg9[%dma_start3A_280, %dma_start3A_281] : memref<10240x64xf32, #tpu.memory_space<vmem_shared>> -> memref<10240x64xf32, #tpu.memory_space<vmem_shared>>
      tpu.enqueue_indirect_dma source(%dma_start3A_276 : memref<128x64xf32, #tpu.memory_space<vmem>>) target(%dma_start3A_282 : memref<10240x64xf32, #tpu.memory_space<vmem_shared>>) offsets(%dma_start3A_279 : memref<128xi32, #tpu.memory_space<vmem>>) semaphore(%arg17 : memref<!tpu.dma_semaphore, #tpu.memory_space<semaphore_mem>>) {add = true}
    }
    %scan3A_52 = arith.constant 16 : i32
    %dma_wait3A = arith.constant 0 : i32
    %dma_wait3A_53 = arith.constant 0 : i32
    %dma_wait3A_54 = arith.constant 0 : i32
    %dma_wait3A_55 = arith.constant 0 : i32
    %dma_wait3A_56 = tpu.memref_slice %arg12[%dma_wait3A, %dma_wait3A_54, %dma_wait3A_55] : memref<5x128x64xf32, #tpu.memory_space<vmem>> -> memref<1x128x64xf32, #tpu.memory_space<vmem>>
    %dma_wait3A_57 = tpu.memref_squeeze %dma_wait3A_56 : memref<1x128x64xf32, #tpu.memory_space<vmem>> -> memref<128x64xf32, #tpu.memory_space<vmem>>
    %dma_wait3A_58 = arith.constant 0 : i32
    %dma_wait3A_59 = tpu.memref_slice %arg11[%dma_wait3A_53, %dma_wait3A_58] : memref<80x128xi32, #tpu.memory_space<vmem>> -> memref<1x128xi32, #tpu.memory_space<vmem>>
    %dma_wait3A_60 = tpu.memref_squeeze %dma_wait3A_59 : memref<1x128xi32, #tpu.memory_space<vmem>> -> memref<128xi32, #tpu.memory_space<vmem>>
    %dma_wait3A_61 = arith.constant 0 : i32
    %dma_wait3A_62 = arith.constant 0 : i32
    %dma_wait3A_63 = tpu.memref_slice %arg9[%dma_wait3A_61, %dma_wait3A_62] : memref<10240x64xf32, #tpu.memory_space<vmem_shared>> -> memref<10240x64xf32, #tpu.memory_space<vmem_shared>>
    tpu.wait_indirect_dma semaphore(%arg13 : memref<!tpu.dma_semaphore, #tpu.memory_space<semaphore_mem>>) src(%dma_wait3A_57 : memref<128x64xf32, #tpu.memory_space<vmem>>) dst(%dma_wait3A_63 : memref<10240x64xf32, #tpu.memory_space<vmem_shared>>)
    %dma_wait3A_64 = arith.constant 1 : i32
    %dma_wait3A_65 = arith.constant 0 : i32
    %dma_wait3A_66 = arith.constant 0 : i32
    %dma_wait3A_67 = arith.constant 0 : i32
    %dma_wait3A_68 = tpu.memref_slice %arg12[%dma_wait3A_64, %dma_wait3A_66, %dma_wait3A_67] : memref<5x128x64xf32, #tpu.memory_space<vmem>> -> memref<1x128x64xf32, #tpu.memory_space<vmem>>
    %dma_wait3A_69 = tpu.memref_squeeze %dma_wait3A_68 : memref<1x128x64xf32, #tpu.memory_space<vmem>> -> memref<128x64xf32, #tpu.memory_space<vmem>>
    %dma_wait3A_70 = arith.constant 0 : i32
    %dma_wait3A_71 = tpu.memref_slice %arg11[%dma_wait3A_65, %dma_wait3A_70] : memref<80x128xi32, #tpu.memory_space<vmem>> -> memref<1x128xi32, #tpu.memory_space<vmem>>
    %dma_wait3A_72 = tpu.memref_squeeze %dma_wait3A_71 : memref<1x128xi32, #tpu.memory_space<vmem>> -> memref<128xi32, #tpu.memory_space<vmem>>
    %dma_wait3A_73 = arith.constant 0 : i32
    %dma_wait3A_74 = arith.constant 0 : i32
    %dma_wait3A_75 = tpu.memref_slice %arg9[%dma_wait3A_73, %dma_wait3A_74] : memref<10240x64xf32, #tpu.memory_space<vmem_shared>> -> memref<10240x64xf32, #tpu.memory_space<vmem_shared>>
    tpu.wait_indirect_dma semaphore(%arg14 : memref<!tpu.dma_semaphore, #tpu.memory_space<semaphore_mem>>) src(%dma_wait3A_69 : memref<128x64xf32, #tpu.memory_space<vmem>>) dst(%dma_wait3A_75 : memref<10240x64xf32, #tpu.memory_space<vmem_shared>>)
    %dma_wait3A_76 = arith.constant 2 : i32
    %dma_wait3A_77 = arith.constant 0 : i32
    %dma_wait3A_78 = arith.constant 0 : i32
    %dma_wait3A_79 = arith.constant 0 : i32
    %dma_wait3A_80 = tpu.memref_slice %arg12[%dma_wait3A_76, %dma_wait3A_78, %dma_wait3A_79] : memref<5x128x64xf32, #tpu.memory_space<vmem>> -> memref<1x128x64xf32, #tpu.memory_space<vmem>>
    %dma_wait3A_81 = tpu.memref_squeeze %dma_wait3A_80 : memref<1x128x64xf32, #tpu.memory_space<vmem>> -> memref<128x64xf32, #tpu.memory_space<vmem>>
    %dma_wait3A_82 = arith.constant 0 : i32
    %dma_wait3A_83 = tpu.memref_slice %arg11[%dma_wait3A_77, %dma_wait3A_82] : memref<80x128xi32, #tpu.memory_space<vmem>> -> memref<1x128xi32, #tpu.memory_space<vmem>>
    %dma_wait3A_84 = tpu.memref_squeeze %dma_wait3A_83 : memref<1x128xi32, #tpu.memory_space<vmem>> -> memref<128xi32, #tpu.memory_space<vmem>>
    %dma_wait3A_85 = arith.constant 0 : i32
    %dma_wait3A_86 = arith.constant 0 : i32
    %dma_wait3A_87 = tpu.memref_slice %arg9[%dma_wait3A_85, %dma_wait3A_86] : memref<10240x64xf32, #tpu.memory_space<vmem_shared>> -> memref<10240x64xf32, #tpu.memory_space<vmem_shared>>
    tpu.wait_indirect_dma semaphore(%arg15 : memref<!tpu.dma_semaphore, #tpu.memory_space<semaphore_mem>>) src(%dma_wait3A_81 : memref<128x64xf32, #tpu.memory_space<vmem>>) dst(%dma_wait3A_87 : memref<10240x64xf32, #tpu.memory_space<vmem_shared>>)
    %dma_wait3A_88 = arith.constant 3 : i32
    %dma_wait3A_89 = arith.constant 0 : i32
    %dma_wait3A_90 = arith.constant 0 : i32
    %dma_wait3A_91 = arith.constant 0 : i32
    %dma_wait3A_92 = tpu.memref_slice %arg12[%dma_wait3A_88, %dma_wait3A_90, %dma_wait3A_91] : memref<5x128x64xf32, #tpu.memory_space<vmem>> -> memref<1x128x64xf32, #tpu.memory_space<vmem>>
    %dma_wait3A_93 = tpu.memref_squeeze %dma_wait3A_92 : memref<1x128x64xf32, #tpu.memory_space<vmem>> -> memref<128x64xf32, #tpu.memory_space<vmem>>
    %dma_wait3A_94 = arith.constant 0 : i32
    %dma_wait3A_95 = tpu.memref_slice %arg11[%dma_wait3A_89, %dma_wait3A_94] : memref<80x128xi32, #tpu.memory_space<vmem>> -> memref<1x128xi32, #tpu.memory_space<vmem>>
    %dma_wait3A_96 = tpu.memref_squeeze %dma_wait3A_95 : memref<1x128xi32, #tpu.memory_space<vmem>> -> memref<128xi32, #tpu.memory_space<vmem>>
    %dma_wait3A_97 = arith.constant 0 : i32
    %dma_wait3A_98 = arith.constant 0 : i32
    %dma_wait3A_99 = tpu.memref_slice %arg9[%dma_wait3A_97, %dma_wait3A_98] : memref<10240x64xf32, #tpu.memory_space<vmem_shared>> -> memref<10240x64xf32, #tpu.memory_space<vmem_shared>>
    tpu.wait_indirect_dma semaphore(%arg16 : memref<!tpu.dma_semaphore, #tpu.memory_space<semaphore_mem>>) src(%dma_wait3A_93 : memref<128x64xf32, #tpu.memory_space<vmem>>) dst(%dma_wait3A_99 : memref<10240x64xf32, #tpu.memory_space<vmem_shared>>)
    %dma_wait3A_100 = arith.constant 4 : i32
    %dma_wait3A_101 = arith.constant 0 : i32
    %dma_wait3A_102 = arith.constant 0 : i32
    %dma_wait3A_103 = arith.constant 0 : i32
    %dma_wait3A_104 = tpu.memref_slice %arg12[%dma_wait3A_100, %dma_wait3A_102, %dma_wait3A_103] : memref<5x128x64xf32, #tpu.memory_space<vmem>> -> memref<1x128x64xf32, #tpu.memory_space<vmem>>
    %dma_wait3A_105 = tpu.memref_squeeze %dma_wait3A_104 : memref<1x128x64xf32, #tpu.memory_space<vmem>> -> memref<128x64xf32, #tpu.memory_space<vmem>>
    %dma_wait3A_106 = arith.constant 0 : i32
    %dma_wait3A_107 = tpu.memref_slice %arg11[%dma_wait3A_101, %dma_wait3A_106] : memref<80x128xi32, #tpu.memory_space<vmem>> -> memref<1x128xi32, #tpu.memory_space<vmem>>
    %dma_wait3A_108 = tpu.memref_squeeze %dma_wait3A_107 : memref<1x128xi32, #tpu.memory_space<vmem>> -> memref<128xi32, #tpu.memory_space<vmem>>
    %dma_wait3A_109 = arith.constant 0 : i32
    %dma_wait3A_110 = arith.constant 0 : i32
    %dma_wait3A_111 = tpu.memref_slice %arg9[%dma_wait3A_109, %dma_wait3A_110] : memref<10240x64xf32, #tpu.memory_space<vmem_shared>> -> memref<10240x64xf32, #tpu.memory_space<vmem_shared>>
    tpu.wait_indirect_dma semaphore(%arg17 : memref<!tpu.dma_semaphore, #tpu.memory_space<semaphore_mem>>) src(%dma_wait3A_105 : memref<128x64xf32, #tpu.memory_space<vmem>>) dst(%dma_wait3A_111 : memref<10240x64xf32, #tpu.memory_space<vmem_shared>>)
    %barrier3A_112 = arith.constant 0 : index
    tpu.barrier barrier_id(%barrier3A_112)
    "tpu.region"() ({
      %run_scoped3A = tpu.sem_alloc : memref<!tpu.dma_semaphore, #tpu.memory_space<semaphore_mem>>
      %dma_start3A_113 = arith.constant 0 : i32
      %dma_start3A_114 = tpu.memref_slice %arg8[%arg0, %mul3A_0, %dma_start3A_113] : memref<2x10240x64xf32, #tpu.memory_space<hbm>> -> memref<1x640x64xf32, #tpu.memory_space<hbm>>
      %dma_start3A_115 = tpu.memref_squeeze %dma_start3A_114 : memref<1x640x64xf32, #tpu.memory_space<hbm>> -> memref<640x64xf32, #tpu.memory_space<hbm>>
      %dma_start3A_116 = arith.constant 0 : i32
      %dma_start3A_117 = tpu.memref_slice %arg9[%mul3A_0, %dma_start3A_116] : memref<10240x64xf32, #tpu.memory_space<vmem_shared>> -> memref<640x64xf32, #tpu.memory_space<vmem_shared>>
      tpu.enqueue_dma source(%dma_start3A_117 : memref<640x64xf32, #tpu.memory_space<vmem_shared>>) target(%dma_start3A_115 : memref<640x64xf32, #tpu.memory_space<hbm>>) target_semaphore(%run_scoped3A : memref<!tpu.dma_semaphore, #tpu.memory_space<semaphore_mem>>)
      %dma_wait3A_118 = arith.constant 0 : i32
      %dma_wait3A_119 = tpu.memref_slice %arg8[%arg0, %mul3A_0, %dma_wait3A_118] : memref<2x10240x64xf32, #tpu.memory_space<hbm>> -> memref<1x640x64xf32, #tpu.memory_space<hbm>>
      %dma_wait3A_120 = tpu.memref_squeeze %dma_wait3A_119 : memref<1x640x64xf32, #tpu.memory_space<hbm>> -> memref<640x64xf32, #tpu.memory_space<hbm>>
      %dma_wait3A_121 = arith.constant 0 : i32
      %dma_wait3A_122 = tpu.memref_slice %arg9[%mul3A_0, %dma_wait3A_121] : memref<10240x64xf32, #tpu.memory_space<vmem_shared>> -> memref<640x64xf32, #tpu.memory_space<vmem_shared>>
      tpu.wait_dma2 semaphore(%run_scoped3A : memref<!tpu.dma_semaphore, #tpu.memory_space<semaphore_mem>>) src(%dma_wait3A_122 : memref<640x64xf32, #tpu.memory_space<vmem_shared>>) dst(%dma_wait3A_120 : memref<640x64xf32, #tpu.memory_space<hbm>>)
      tpu.yield
    }) : () -> ()
    return
  }
}

#map = affine_map<(d0, d1) -> (0, 0)>
#map1 = affine_map<(d0, d1) -> (0, 0, 0)>
module attributes {stable_mosaic.version = 14 : i64} {
  func.func @body(%arg0: i32, %arg1: i32, %arg2: memref<10000x64xf32, #tpu.memory_space<hbm>>, %arg3: memref<2x2500x128xi32, #tpu.memory_space<hbm>>, %arg4: memref<2x60x128xi32, #tpu.memory_space<hbm>>, %arg5: memref<640x64xf32, #tpu.memory_space<hbm>>, %arg6: memref<640x8xf32, #tpu.memory_space<hbm>>, %arg7: memref<128x8xf32, #tpu.memory_space<hbm>>, %arg8: memref<2x10240x64xf32, #tpu.memory_space<hbm>>, %arg9: memref<2x10240x8xf32, #tpu.memory_space<hbm>>, %arg10: memref<10240x64xf32, #tpu.memory_space<vmem_shared>>, %arg11: memref<80x128xi32, #tpu.memory_space<vmem>>, %arg12: memref<80x128xi32, #tpu.memory_space<vmem>>, %arg13: memref<5x128x64xf32, #tpu.memory_space<vmem>>, %arg14: memref<!tpu.dma_semaphore, #tpu.memory_space<semaphore_mem>>, %arg15: memref<!tpu.dma_semaphore, #tpu.memory_space<semaphore_mem>>, %arg16: memref<!tpu.dma_semaphore, #tpu.memory_space<semaphore_mem>>, %arg17: memref<!tpu.dma_semaphore, #tpu.memory_space<semaphore_mem>>, %arg18: memref<!tpu.dma_semaphore, #tpu.memory_space<semaphore_mem>>, %arg19: memref<10240x8xf32, #tpu.memory_space<vmem_shared>>, %arg20: memref<128x8xf32, #tpu.memory_space<vmem>>) attributes {dimension_semantics = [#tpu.dimension_semantics<core_parallel>, #tpu.dimension_semantics<subcore_parallel>], iteration_bounds = array<i64: 2, 16>, scalar_prefetch = 0 : i64, scratch_operands = 11 : i64, tpu.core_type = #tpu.core_type<sc_vector_subcore>, window_params = [{transform_indices = #map}, {transform_indices = #map1}, {transform_indices = #map1}, {transform_indices = #map}, {transform_indices = #map}, {transform_indices = #map}, {transform_indices = #map1}, {transform_indices = #map1}]} {
    %mul3A = arith.constant 640 : i32
    %mul3A_0 = arith.muli %arg1, %mul3A : i32
    %mul3A_1 = arith.constant 160 : i32
    %mul3A_2 = arith.muli %arg1, %mul3A_1 : i32
    %mul3A_3 = arith.constant 80 : i32
    %mul3A_4 = arith.muli %arg0, %mul3A_3 : i32
    %add3A = arith.addi %mul3A_2, %mul3A_4 : i32
    "tpu.region"() ({
      %run_scoped3A = tpu.sem_alloc : memref<!tpu.dma_semaphore, #tpu.memory_space<semaphore_mem>>
      %dma_start3A_148 = arith.constant 0 : i32
      %dma_start3A_149 = tpu.memref_slice %arg10[%mul3A_0, %dma_start3A_148] : memref<10240x64xf32, #tpu.memory_space<vmem_shared>> -> memref<640x64xf32, #tpu.memory_space<vmem_shared>>
      tpu.enqueue_dma source(%arg5 : memref<640x64xf32, #tpu.memory_space<hbm>>) target(%dma_start3A_149 : memref<640x64xf32, #tpu.memory_space<vmem_shared>>) target_semaphore(%run_scoped3A : memref<!tpu.dma_semaphore, #tpu.memory_space<semaphore_mem>>)
      %dma_wait3A_150 = arith.constant 0 : i32
      %dma_wait3A_151 = tpu.memref_slice %arg10[%mul3A_0, %dma_wait3A_150] : memref<10240x64xf32, #tpu.memory_space<vmem_shared>> -> memref<640x64xf32, #tpu.memory_space<vmem_shared>>
      tpu.wait_dma2 semaphore(%run_scoped3A : memref<!tpu.dma_semaphore, #tpu.memory_space<semaphore_mem>>) src(%arg5 : memref<640x64xf32, #tpu.memory_space<hbm>>) dst(%dma_wait3A_151 : memref<640x64xf32, #tpu.memory_space<vmem_shared>>)
      tpu.yield
    }) : () -> ()
    %eq3A = arith.constant 15 : i32
    %eq3A_5 = arith.cmpi eq, %arg1, %eq3A : i32
    %eq3A_6 = arith.constant 1 : i32
    %eq3A_7 = arith.cmpi eq, %arg0, %eq3A_6 : i32
    %and3A = arith.andi %eq3A_5, %eq3A_7 : i1
    %not3A = arith.constant true
    %not3A_8 = arith.xori %and3A, %not3A : i1
    %convert_element_type3A = arith.extui %not3A_8 : i1 to i32
    %cond3A = arith.constant 0 : i32
    %cond3A_9 = arith.cmpi ne, %convert_element_type3A, %cond3A : i32
    scf.if %cond3A_9 {
      %run_scoped3A = arith.constant 0 : i32
      "tpu.region"() ({
        %run_scoped3A_149 = tpu.sem_alloc : memref<!tpu.dma_semaphore, #tpu.memory_space<semaphore_mem>>
        %dma_start3A_150 = arith.constant 0 : i32
        %dma_start3A_151 = tpu.memref_slice %arg3[%run_scoped3A, %add3A, %dma_start3A_150] : memref<2x2500x128xi32, #tpu.memory_space<hbm>> -> memref<1x80x128xi32, #tpu.memory_space<hbm>>
        %dma_start3A_152 = tpu.memref_squeeze %dma_start3A_151 : memref<1x80x128xi32, #tpu.memory_space<hbm>> -> memref<80x128xi32, #tpu.memory_space<hbm>>
        %dma_start3A_153 = arith.constant 0 : i32
        %dma_start3A_154 = tpu.memref_slice %arg3[%run_scoped3A, %add3A, %dma_start3A_153] : memref<2x2500x128xi32, #tpu.memory_space<hbm>> -> memref<1x80x128xi32, #tpu.memory_space<hbm>>
        %dma_start3A_155 = tpu.memref_squeeze %dma_start3A_154 : memref<1x80x128xi32, #tpu.memory_space<hbm>> -> memref<80x128xi32, #tpu.memory_space<hbm>>
        tpu.enqueue_dma source(%dma_start3A_155 : memref<80x128xi32, #tpu.memory_space<hbm>>) target(%arg11 : memref<80x128xi32, #tpu.memory_space<vmem>>) target_semaphore(%run_scoped3A_149 : memref<!tpu.dma_semaphore, #tpu.memory_space<semaphore_mem>>)
        %dma_wait3A_156 = arith.constant 0 : i32
        %dma_wait3A_157 = tpu.memref_slice %arg3[%run_scoped3A, %add3A, %dma_wait3A_156] : memref<2x2500x128xi32, #tpu.memory_space<hbm>> -> memref<1x80x128xi32, #tpu.memory_space<hbm>>
        %dma_wait3A_158 = tpu.memref_squeeze %dma_wait3A_157 : memref<1x80x128xi32, #tpu.memory_space<hbm>> -> memref<80x128xi32, #tpu.memory_space<hbm>>
        %dma_wait3A_159 = arith.constant 0 : i32
        %dma_wait3A_160 = tpu.memref_slice %arg3[%run_scoped3A, %add3A, %dma_wait3A_159] : memref<2x2500x128xi32, #tpu.memory_space<hbm>> -> memref<1x80x128xi32, #tpu.memory_space<hbm>>
        %dma_wait3A_161 = tpu.memref_squeeze %dma_wait3A_160 : memref<1x80x128xi32, #tpu.memory_space<hbm>> -> memref<80x128xi32, #tpu.memory_space<hbm>>
        tpu.wait_dma2 semaphore(%run_scoped3A_149 : memref<!tpu.dma_semaphore, #tpu.memory_space<semaphore_mem>>) src(%dma_wait3A_161 : memref<80x128xi32, #tpu.memory_space<hbm>>) dst(%arg11 : memref<80x128xi32, #tpu.memory_space<vmem>>)
        tpu.yield
      }) : () -> ()
      %run_scoped3A_148 = arith.constant 1 : i32
      "tpu.region"() ({
        %run_scoped3A_149 = tpu.sem_alloc : memref<!tpu.dma_semaphore, #tpu.memory_space<semaphore_mem>>
        %dma_start3A_150 = arith.constant 0 : i32
        %dma_start3A_151 = tpu.memref_slice %arg3[%run_scoped3A_148, %add3A, %dma_start3A_150] : memref<2x2500x128xi32, #tpu.memory_space<hbm>> -> memref<1x80x128xi32, #tpu.memory_space<hbm>>
        %dma_start3A_152 = tpu.memref_squeeze %dma_start3A_151 : memref<1x80x128xi32, #tpu.memory_space<hbm>> -> memref<80x128xi32, #tpu.memory_space<hbm>>
        %dma_start3A_153 = arith.constant 0 : i32
        %dma_start3A_154 = tpu.memref_slice %arg3[%run_scoped3A_148, %add3A, %dma_start3A_153] : memref<2x2500x128xi32, #tpu.memory_space<hbm>> -> memref<1x80x128xi32, #tpu.memory_space<hbm>>
        %dma_start3A_155 = tpu.memref_squeeze %dma_start3A_154 : memref<1x80x128xi32, #tpu.memory_space<hbm>> -> memref<80x128xi32, #tpu.memory_space<hbm>>
        tpu.enqueue_dma source(%dma_start3A_155 : memref<80x128xi32, #tpu.memory_space<hbm>>) target(%arg12 : memref<80x128xi32, #tpu.memory_space<vmem>>) target_semaphore(%run_scoped3A_149 : memref<!tpu.dma_semaphore, #tpu.memory_space<semaphore_mem>>)
        %dma_wait3A_156 = arith.constant 0 : i32
        %dma_wait3A_157 = tpu.memref_slice %arg3[%run_scoped3A_148, %add3A, %dma_wait3A_156] : memref<2x2500x128xi32, #tpu.memory_space<hbm>> -> memref<1x80x128xi32, #tpu.memory_space<hbm>>
        %dma_wait3A_158 = tpu.memref_squeeze %dma_wait3A_157 : memref<1x80x128xi32, #tpu.memory_space<hbm>> -> memref<80x128xi32, #tpu.memory_space<hbm>>
        %dma_wait3A_159 = arith.constant 0 : i32
        %dma_wait3A_160 = tpu.memref_slice %arg3[%run_scoped3A_148, %add3A, %dma_wait3A_159] : memref<2x2500x128xi32, #tpu.memory_space<hbm>> -> memref<1x80x128xi32, #tpu.memory_space<hbm>>
        %dma_wait3A_161 = tpu.memref_squeeze %dma_wait3A_160 : memref<1x80x128xi32, #tpu.memory_space<hbm>> -> memref<80x128xi32, #tpu.memory_space<hbm>>
        tpu.wait_dma2 semaphore(%run_scoped3A_149 : memref<!tpu.dma_semaphore, #tpu.memory_space<semaphore_mem>>) src(%dma_wait3A_161 : memref<80x128xi32, #tpu.memory_space<hbm>>) dst(%arg12 : memref<80x128xi32, #tpu.memory_space<vmem>>)
        tpu.yield
      }) : () -> ()
    } else {
    }
    %convert_element_type3A_10 = arith.extui %and3A : i1 to i32
    %cond3A_11 = arith.constant 0 : i32
    %cond3A_12 = arith.cmpi ne, %convert_element_type3A_10, %cond3A_11 : i32
    scf.if %cond3A_12 {
      %run_scoped3A = arith.constant 0 : i32
      "tpu.region"() ({
        %run_scoped3A_151 = tpu.sem_alloc : memref<!tpu.dma_semaphore, #tpu.memory_space<semaphore_mem>>
        %dma_start3A_152 = arith.constant 0 : i32
        %dma_start3A_153 = arith.constant 0 : i32
        %dma_start3A_154 = tpu.memref_slice %arg11[%dma_start3A_152, %dma_start3A_153] : memref<80x128xi32, #tpu.memory_space<vmem>> -> memref<20x128xi32, #tpu.memory_space<vmem>>
        %dma_start3A_155 = arith.constant 2480 : i32
        %dma_start3A_156 = arith.constant 0 : i32
        %dma_start3A_157 = tpu.memref_slice %arg3[%run_scoped3A, %dma_start3A_155, %dma_start3A_156] : memref<2x2500x128xi32, #tpu.memory_space<hbm>> -> memref<1x20x128xi32, #tpu.memory_space<hbm>>
        %dma_start3A_158 = tpu.memref_squeeze %dma_start3A_157 : memref<1x20x128xi32, #tpu.memory_space<hbm>> -> memref<20x128xi32, #tpu.memory_space<hbm>>
        %dma_start3A_159 = arith.constant 0 : i32
        %dma_start3A_160 = arith.constant 0 : i32
        %dma_start3A_161 = tpu.memref_slice %arg11[%dma_start3A_159, %dma_start3A_160] : memref<80x128xi32, #tpu.memory_space<vmem>> -> memref<20x128xi32, #tpu.memory_space<vmem>>
        %dma_start3A_162 = arith.constant 2480 : i32
        %dma_start3A_163 = arith.constant 0 : i32
        %dma_start3A_164 = tpu.memref_slice %arg3[%run_scoped3A, %dma_start3A_162, %dma_start3A_163] : memref<2x2500x128xi32, #tpu.memory_space<hbm>> -> memref<1x20x128xi32, #tpu.memory_space<hbm>>
        %dma_start3A_165 = tpu.memref_squeeze %dma_start3A_164 : memref<1x20x128xi32, #tpu.memory_space<hbm>> -> memref<20x128xi32, #tpu.memory_space<hbm>>
        tpu.enqueue_dma source(%dma_start3A_165 : memref<20x128xi32, #tpu.memory_space<hbm>>) target(%dma_start3A_161 : memref<20x128xi32, #tpu.memory_space<vmem>>) target_semaphore(%run_scoped3A_151 : memref<!tpu.dma_semaphore, #tpu.memory_space<semaphore_mem>>)
        %dma_wait3A_166 = arith.constant 0 : i32
        %dma_wait3A_167 = arith.constant 0 : i32
        %dma_wait3A_168 = tpu.memref_slice %arg11[%dma_wait3A_166, %dma_wait3A_167] : memref<80x128xi32, #tpu.memory_space<vmem>> -> memref<20x128xi32, #tpu.memory_space<vmem>>
        %dma_wait3A_169 = arith.constant 2480 : i32
        %dma_wait3A_170 = arith.constant 0 : i32
        %dma_wait3A_171 = tpu.memref_slice %arg3[%run_scoped3A, %dma_wait3A_169, %dma_wait3A_170] : memref<2x2500x128xi32, #tpu.memory_space<hbm>> -> memref<1x20x128xi32, #tpu.memory_space<hbm>>
        %dma_wait3A_172 = tpu.memref_squeeze %dma_wait3A_171 : memref<1x20x128xi32, #tpu.memory_space<hbm>> -> memref<20x128xi32, #tpu.memory_space<hbm>>
        %dma_wait3A_173 = arith.constant 0 : i32
        %dma_wait3A_174 = arith.constant 0 : i32
        %dma_wait3A_175 = tpu.memref_slice %arg11[%dma_wait3A_173, %dma_wait3A_174] : memref<80x128xi32, #tpu.memory_space<vmem>> -> memref<20x128xi32, #tpu.memory_space<vmem>>
        %dma_wait3A_176 = arith.constant 2480 : i32
        %dma_wait3A_177 = arith.constant 0 : i32
        %dma_wait3A_178 = tpu.memref_slice %arg3[%run_scoped3A, %dma_wait3A_176, %dma_wait3A_177] : memref<2x2500x128xi32, #tpu.memory_space<hbm>> -> memref<1x20x128xi32, #tpu.memory_space<hbm>>
        %dma_wait3A_179 = tpu.memref_squeeze %dma_wait3A_178 : memref<1x20x128xi32, #tpu.memory_space<hbm>> -> memref<20x128xi32, #tpu.memory_space<hbm>>
        tpu.wait_dma2 semaphore(%run_scoped3A_151 : memref<!tpu.dma_semaphore, #tpu.memory_space<semaphore_mem>>) src(%dma_wait3A_179 : memref<20x128xi32, #tpu.memory_space<hbm>>) dst(%dma_wait3A_175 : memref<20x128xi32, #tpu.memory_space<vmem>>)
        tpu.yield
      }) : () -> ()
      %run_scoped3A_148 = arith.constant 0 : i32
      "tpu.region"() ({
        %run_scoped3A_151 = tpu.sem_alloc : memref<!tpu.dma_semaphore, #tpu.memory_space<semaphore_mem>>
        %dma_start3A_152 = arith.constant 20 : i32
        %dma_start3A_153 = arith.constant 0 : i32
        %dma_start3A_154 = tpu.memref_slice %arg11[%dma_start3A_152, %dma_start3A_153] : memref<80x128xi32, #tpu.memory_space<vmem>> -> memref<60x128xi32, #tpu.memory_space<vmem>>
        %dma_start3A_155 = arith.constant 0 : i32
        %dma_start3A_156 = arith.constant 0 : i32
        %dma_start3A_157 = tpu.memref_slice %arg4[%run_scoped3A_148, %dma_start3A_155, %dma_start3A_156] : memref<2x60x128xi32, #tpu.memory_space<hbm>> -> memref<1x60x128xi32, #tpu.memory_space<hbm>>
        %dma_start3A_158 = tpu.memref_squeeze %dma_start3A_157 : memref<1x60x128xi32, #tpu.memory_space<hbm>> -> memref<60x128xi32, #tpu.memory_space<hbm>>
        %dma_start3A_159 = arith.constant 20 : i32
        %dma_start3A_160 = arith.constant 0 : i32
        %dma_start3A_161 = tpu.memref_slice %arg11[%dma_start3A_159, %dma_start3A_160] : memref<80x128xi32, #tpu.memory_space<vmem>> -> memref<60x128xi32, #tpu.memory_space<vmem>>
        %dma_start3A_162 = arith.constant 0 : i32
        %dma_start3A_163 = arith.constant 0 : i32
        %dma_start3A_164 = tpu.memref_slice %arg4[%run_scoped3A_148, %dma_start3A_162, %dma_start3A_163] : memref<2x60x128xi32, #tpu.memory_space<hbm>> -> memref<1x60x128xi32, #tpu.memory_space<hbm>>
        %dma_start3A_165 = tpu.memref_squeeze %dma_start3A_164 : memref<1x60x128xi32, #tpu.memory_space<hbm>> -> memref<60x128xi32, #tpu.memory_space<hbm>>
        tpu.enqueue_dma source(%dma_start3A_165 : memref<60x128xi32, #tpu.memory_space<hbm>>) target(%dma_start3A_161 : memref<60x128xi32, #tpu.memory_space<vmem>>) target_semaphore(%run_scoped3A_151 : memref<!tpu.dma_semaphore, #tpu.memory_space<semaphore_mem>>)
        %dma_wait3A_166 = arith.constant 20 : i32
        %dma_wait3A_167 = arith.constant 0 : i32
        %dma_wait3A_168 = tpu.memref_slice %arg11[%dma_wait3A_166, %dma_wait3A_167] : memref<80x128xi32, #tpu.memory_space<vmem>> -> memref<60x128xi32, #tpu.memory_space<vmem>>
        %dma_wait3A_169 = arith.constant 0 : i32
        %dma_wait3A_170 = arith.constant 0 : i32
        %dma_wait3A_171 = tpu.memref_slice %arg4[%run_scoped3A_148, %dma_wait3A_169, %dma_wait3A_170] : memref<2x60x128xi32, #tpu.memory_space<hbm>> -> memref<1x60x128xi32, #tpu.memory_space<hbm>>
        %dma_wait3A_172 = tpu.memref_squeeze %dma_wait3A_171 : memref<1x60x128xi32, #tpu.memory_space<hbm>> -> memref<60x128xi32, #tpu.memory_space<hbm>>
        %dma_wait3A_173 = arith.constant 20 : i32
        %dma_wait3A_174 = arith.constant 0 : i32
        %dma_wait3A_175 = tpu.memref_slice %arg11[%dma_wait3A_173, %dma_wait3A_174] : memref<80x128xi32, #tpu.memory_space<vmem>> -> memref<60x128xi32, #tpu.memory_space<vmem>>
        %dma_wait3A_176 = arith.constant 0 : i32
        %dma_wait3A_177 = arith.constant 0 : i32
        %dma_wait3A_178 = tpu.memref_slice %arg4[%run_scoped3A_148, %dma_wait3A_176, %dma_wait3A_177] : memref<2x60x128xi32, #tpu.memory_space<hbm>> -> memref<1x60x128xi32, #tpu.memory_space<hbm>>
        %dma_wait3A_179 = tpu.memref_squeeze %dma_wait3A_178 : memref<1x60x128xi32, #tpu.memory_space<hbm>> -> memref<60x128xi32, #tpu.memory_space<hbm>>
        tpu.wait_dma2 semaphore(%run_scoped3A_151 : memref<!tpu.dma_semaphore, #tpu.memory_space<semaphore_mem>>) src(%dma_wait3A_179 : memref<60x128xi32, #tpu.memory_space<hbm>>) dst(%dma_wait3A_175 : memref<60x128xi32, #tpu.memory_space<vmem>>)
        tpu.yield
      }) : () -> ()
      %run_scoped3A_149 = arith.constant 1 : i32
      "tpu.region"() ({
        %run_scoped3A_151 = tpu.sem_alloc : memref<!tpu.dma_semaphore, #tpu.memory_space<semaphore_mem>>
        %dma_start3A_152 = arith.constant 0 : i32
        %dma_start3A_153 = arith.constant 0 : i32
        %dma_start3A_154 = tpu.memref_slice %arg12[%dma_start3A_152, %dma_start3A_153] : memref<80x128xi32, #tpu.memory_space<vmem>> -> memref<20x128xi32, #tpu.memory_space<vmem>>
        %dma_start3A_155 = arith.constant 2480 : i32
        %dma_start3A_156 = arith.constant 0 : i32
        %dma_start3A_157 = tpu.memref_slice %arg3[%run_scoped3A_149, %dma_start3A_155, %dma_start3A_156] : memref<2x2500x128xi32, #tpu.memory_space<hbm>> -> memref<1x20x128xi32, #tpu.memory_space<hbm>>
        %dma_start3A_158 = tpu.memref_squeeze %dma_start3A_157 : memref<1x20x128xi32, #tpu.memory_space<hbm>> -> memref<20x128xi32, #tpu.memory_space<hbm>>
        %dma_start3A_159 = arith.constant 0 : i32
        %dma_start3A_160 = arith.constant 0 : i32
        %dma_start3A_161 = tpu.memref_slice %arg12[%dma_start3A_159, %dma_start3A_160] : memref<80x128xi32, #tpu.memory_space<vmem>> -> memref<20x128xi32, #tpu.memory_space<vmem>>
        %dma_start3A_162 = arith.constant 2480 : i32
        %dma_start3A_163 = arith.constant 0 : i32
        %dma_start3A_164 = tpu.memref_slice %arg3[%run_scoped3A_149, %dma_start3A_162, %dma_start3A_163] : memref<2x2500x128xi32, #tpu.memory_space<hbm>> -> memref<1x20x128xi32, #tpu.memory_space<hbm>>
        %dma_start3A_165 = tpu.memref_squeeze %dma_start3A_164 : memref<1x20x128xi32, #tpu.memory_space<hbm>> -> memref<20x128xi32, #tpu.memory_space<hbm>>
        tpu.enqueue_dma source(%dma_start3A_165 : memref<20x128xi32, #tpu.memory_space<hbm>>) target(%dma_start3A_161 : memref<20x128xi32, #tpu.memory_space<vmem>>) target_semaphore(%run_scoped3A_151 : memref<!tpu.dma_semaphore, #tpu.memory_space<semaphore_mem>>)
        %dma_wait3A_166 = arith.constant 0 : i32
        %dma_wait3A_167 = arith.constant 0 : i32
        %dma_wait3A_168 = tpu.memref_slice %arg12[%dma_wait3A_166, %dma_wait3A_167] : memref<80x128xi32, #tpu.memory_space<vmem>> -> memref<20x128xi32, #tpu.memory_space<vmem>>
        %dma_wait3A_169 = arith.constant 2480 : i32
        %dma_wait3A_170 = arith.constant 0 : i32
        %dma_wait3A_171 = tpu.memref_slice %arg3[%run_scoped3A_149, %dma_wait3A_169, %dma_wait3A_170] : memref<2x2500x128xi32, #tpu.memory_space<hbm>> -> memref<1x20x128xi32, #tpu.memory_space<hbm>>
        %dma_wait3A_172 = tpu.memref_squeeze %dma_wait3A_171 : memref<1x20x128xi32, #tpu.memory_space<hbm>> -> memref<20x128xi32, #tpu.memory_space<hbm>>
        %dma_wait3A_173 = arith.constant 0 : i32
        %dma_wait3A_174 = arith.constant 0 : i32
        %dma_wait3A_175 = tpu.memref_slice %arg12[%dma_wait3A_173, %dma_wait3A_174] : memref<80x128xi32, #tpu.memory_space<vmem>> -> memref<20x128xi32, #tpu.memory_space<vmem>>
        %dma_wait3A_176 = arith.constant 2480 : i32
        %dma_wait3A_177 = arith.constant 0 : i32
        %dma_wait3A_178 = tpu.memref_slice %arg3[%run_scoped3A_149, %dma_wait3A_176, %dma_wait3A_177] : memref<2x2500x128xi32, #tpu.memory_space<hbm>> -> memref<1x20x128xi32, #tpu.memory_space<hbm>>
        %dma_wait3A_179 = tpu.memref_squeeze %dma_wait3A_178 : memref<1x20x128xi32, #tpu.memory_space<hbm>> -> memref<20x128xi32, #tpu.memory_space<hbm>>
        tpu.wait_dma2 semaphore(%run_scoped3A_151 : memref<!tpu.dma_semaphore, #tpu.memory_space<semaphore_mem>>) src(%dma_wait3A_179 : memref<20x128xi32, #tpu.memory_space<hbm>>) dst(%dma_wait3A_175 : memref<20x128xi32, #tpu.memory_space<vmem>>)
        tpu.yield
      }) : () -> ()
      %run_scoped3A_150 = arith.constant 1 : i32
      "tpu.region"() ({
        %run_scoped3A_151 = tpu.sem_alloc : memref<!tpu.dma_semaphore, #tpu.memory_space<semaphore_mem>>
        %dma_start3A_152 = arith.constant 20 : i32
        %dma_start3A_153 = arith.constant 0 : i32
        %dma_start3A_154 = tpu.memref_slice %arg12[%dma_start3A_152, %dma_start3A_153] : memref<80x128xi32, #tpu.memory_space<vmem>> -> memref<60x128xi32, #tpu.memory_space<vmem>>
        %dma_start3A_155 = arith.constant 0 : i32
        %dma_start3A_156 = arith.constant 0 : i32
        %dma_start3A_157 = tpu.memref_slice %arg4[%run_scoped3A_150, %dma_start3A_155, %dma_start3A_156] : memref<2x60x128xi32, #tpu.memory_space<hbm>> -> memref<1x60x128xi32, #tpu.memory_space<hbm>>
        %dma_start3A_158 = tpu.memref_squeeze %dma_start3A_157 : memref<1x60x128xi32, #tpu.memory_space<hbm>> -> memref<60x128xi32, #tpu.memory_space<hbm>>
        %dma_start3A_159 = arith.constant 20 : i32
        %dma_start3A_160 = arith.constant 0 : i32
        %dma_start3A_161 = tpu.memref_slice %arg12[%dma_start3A_159, %dma_start3A_160] : memref<80x128xi32, #tpu.memory_space<vmem>> -> memref<60x128xi32, #tpu.memory_space<vmem>>
        %dma_start3A_162 = arith.constant 0 : i32
        %dma_start3A_163 = arith.constant 0 : i32
        %dma_start3A_164 = tpu.memref_slice %arg4[%run_scoped3A_150, %dma_start3A_162, %dma_start3A_163] : memref<2x60x128xi32, #tpu.memory_space<hbm>> -> memref<1x60x128xi32, #tpu.memory_space<hbm>>
        %dma_start3A_165 = tpu.memref_squeeze %dma_start3A_164 : memref<1x60x128xi32, #tpu.memory_space<hbm>> -> memref<60x128xi32, #tpu.memory_space<hbm>>
        tpu.enqueue_dma source(%dma_start3A_165 : memref<60x128xi32, #tpu.memory_space<hbm>>) target(%dma_start3A_161 : memref<60x128xi32, #tpu.memory_space<vmem>>) target_semaphore(%run_scoped3A_151 : memref<!tpu.dma_semaphore, #tpu.memory_space<semaphore_mem>>)
        %dma_wait3A_166 = arith.constant 20 : i32
        %dma_wait3A_167 = arith.constant 0 : i32
        %dma_wait3A_168 = tpu.memref_slice %arg12[%dma_wait3A_166, %dma_wait3A_167] : memref<80x128xi32, #tpu.memory_space<vmem>> -> memref<60x128xi32, #tpu.memory_space<vmem>>
        %dma_wait3A_169 = arith.constant 0 : i32
        %dma_wait3A_170 = arith.constant 0 : i32
        %dma_wait3A_171 = tpu.memref_slice %arg4[%run_scoped3A_150, %dma_wait3A_169, %dma_wait3A_170] : memref<2x60x128xi32, #tpu.memory_space<hbm>> -> memref<1x60x128xi32, #tpu.memory_space<hbm>>
        %dma_wait3A_172 = tpu.memref_squeeze %dma_wait3A_171 : memref<1x60x128xi32, #tpu.memory_space<hbm>> -> memref<60x128xi32, #tpu.memory_space<hbm>>
        %dma_wait3A_173 = arith.constant 20 : i32
        %dma_wait3A_174 = arith.constant 0 : i32
        %dma_wait3A_175 = tpu.memref_slice %arg12[%dma_wait3A_173, %dma_wait3A_174] : memref<80x128xi32, #tpu.memory_space<vmem>> -> memref<60x128xi32, #tpu.memory_space<vmem>>
        %dma_wait3A_176 = arith.constant 0 : i32
        %dma_wait3A_177 = arith.constant 0 : i32
        %dma_wait3A_178 = tpu.memref_slice %arg4[%run_scoped3A_150, %dma_wait3A_176, %dma_wait3A_177] : memref<2x60x128xi32, #tpu.memory_space<hbm>> -> memref<1x60x128xi32, #tpu.memory_space<hbm>>
        %dma_wait3A_179 = tpu.memref_squeeze %dma_wait3A_178 : memref<1x60x128xi32, #tpu.memory_space<hbm>> -> memref<60x128xi32, #tpu.memory_space<hbm>>
        tpu.wait_dma2 semaphore(%run_scoped3A_151 : memref<!tpu.dma_semaphore, #tpu.memory_space<semaphore_mem>>) src(%dma_wait3A_179 : memref<60x128xi32, #tpu.memory_space<hbm>>) dst(%dma_wait3A_175 : memref<60x128xi32, #tpu.memory_space<vmem>>)
        tpu.yield
      }) : () -> ()
    } else {
    }
    "tpu.region"() ({
      %run_scoped3A = tpu.sem_alloc : memref<!tpu.dma_semaphore, #tpu.memory_space<semaphore_mem>>
      %dma_start3A_148 = arith.constant 0 : i32
      %dma_start3A_149 = tpu.memref_slice %arg19[%mul3A_0, %dma_start3A_148] : memref<10240x8xf32, #tpu.memory_space<vmem_shared>> -> memref<640x8xf32, #tpu.memory_space<vmem_shared>>
      tpu.enqueue_dma source(%arg6 : memref<640x8xf32, #tpu.memory_space<hbm>>) target(%dma_start3A_149 : memref<640x8xf32, #tpu.memory_space<vmem_shared>>) target_semaphore(%run_scoped3A : memref<!tpu.dma_semaphore, #tpu.memory_space<semaphore_mem>>)
      %dma_wait3A_150 = arith.constant 0 : i32
      %dma_wait3A_151 = tpu.memref_slice %arg19[%mul3A_0, %dma_wait3A_150] : memref<10240x8xf32, #tpu.memory_space<vmem_shared>> -> memref<640x8xf32, #tpu.memory_space<vmem_shared>>
      tpu.wait_dma2 semaphore(%run_scoped3A : memref<!tpu.dma_semaphore, #tpu.memory_space<semaphore_mem>>) src(%arg6 : memref<640x8xf32, #tpu.memory_space<hbm>>) dst(%dma_wait3A_151 : memref<640x8xf32, #tpu.memory_space<vmem_shared>>)
      tpu.yield
    }) : () -> ()
    "tpu.region"() ({
      %run_scoped3A = tpu.sem_alloc : memref<!tpu.dma_semaphore, #tpu.memory_space<semaphore_mem>>
      tpu.enqueue_dma source(%arg7 : memref<128x8xf32, #tpu.memory_space<hbm>>) target(%arg20 : memref<128x8xf32, #tpu.memory_space<vmem>>) target_semaphore(%run_scoped3A : memref<!tpu.dma_semaphore, #tpu.memory_space<semaphore_mem>>)
      tpu.wait_dma2 semaphore(%run_scoped3A : memref<!tpu.dma_semaphore, #tpu.memory_space<semaphore_mem>>) src(%arg7 : memref<128x8xf32, #tpu.memory_space<hbm>>) dst(%arg20 : memref<128x8xf32, #tpu.memory_space<vmem>>)
      tpu.yield
    }) : () -> ()
    %barrier3A = arith.constant 0 : index
    tpu.barrier barrier_id(%barrier3A)
    %dma_start3A = arith.constant 0 : i32
    %dma_start3A_13 = arith.constant 0 : i32
    %dma_start3A_14 = arith.constant 0 : i32
    %dma_start3A_15 = arith.constant 0 : i32
    %dma_start3A_16 = tpu.memref_slice %arg13[%dma_start3A_13, %dma_start3A_14, %dma_start3A_15] : memref<5x128x64xf32, #tpu.memory_space<vmem>> -> memref<1x128x64xf32, #tpu.memory_space<vmem>>
    %dma_start3A_17 = tpu.memref_squeeze %dma_start3A_16 : memref<1x128x64xf32, #tpu.memory_space<vmem>> -> memref<128x64xf32, #tpu.memory_space<vmem>>
    %dma_start3A_18 = arith.constant 0 : i32
    %dma_start3A_19 = tpu.memref_slice %arg11[%dma_start3A, %dma_start3A_18] : memref<80x128xi32, #tpu.memory_space<vmem>> -> memref<1x128xi32, #tpu.memory_space<vmem>>
    %dma_start3A_20 = tpu.memref_squeeze %dma_start3A_19 : memref<1x128xi32, #tpu.memory_space<vmem>> -> memref<128xi32, #tpu.memory_space<vmem>>
    %dma_start3A_21 = arith.constant 0 : i32
    %dma_start3A_22 = arith.constant 0 : i32
    %dma_start3A_23 = tpu.memref_slice %arg2[%dma_start3A_21, %dma_start3A_22] : memref<10000x64xf32, #tpu.memory_space<hbm>> -> memref<10000x64xf32, #tpu.memory_space<hbm>>
    tpu.enqueue_indirect_dma source(%dma_start3A_23 : memref<10000x64xf32, #tpu.memory_space<hbm>>) target(%dma_start3A_17 : memref<128x64xf32, #tpu.memory_space<vmem>>) offsets(%dma_start3A_20 : memref<128xi32, #tpu.memory_space<vmem>>) semaphore(%arg14 : memref<!tpu.dma_semaphore, #tpu.memory_space<semaphore_mem>>)
    %dma_start3A_24 = arith.constant 1 : i32
    %dma_start3A_25 = arith.constant 1 : i32
    %dma_start3A_26 = arith.constant 0 : i32
    %dma_start3A_27 = arith.constant 0 : i32
    %dma_start3A_28 = tpu.memref_slice %arg13[%dma_start3A_25, %dma_start3A_26, %dma_start3A_27] : memref<5x128x64xf32, #tpu.memory_space<vmem>> -> memref<1x128x64xf32, #tpu.memory_space<vmem>>
    %dma_start3A_29 = tpu.memref_squeeze %dma_start3A_28 : memref<1x128x64xf32, #tpu.memory_space<vmem>> -> memref<128x64xf32, #tpu.memory_space<vmem>>
    %dma_start3A_30 = arith.constant 0 : i32
    %dma_start3A_31 = tpu.memref_slice %arg11[%dma_start3A_24, %dma_start3A_30] : memref<80x128xi32, #tpu.memory_space<vmem>> -> memref<1x128xi32, #tpu.memory_space<vmem>>
    %dma_start3A_32 = tpu.memref_squeeze %dma_start3A_31 : memref<1x128xi32, #tpu.memory_space<vmem>> -> memref<128xi32, #tpu.memory_space<vmem>>
    %dma_start3A_33 = arith.constant 0 : i32
    %dma_start3A_34 = arith.constant 0 : i32
    %dma_start3A_35 = tpu.memref_slice %arg2[%dma_start3A_33, %dma_start3A_34] : memref<10000x64xf32, #tpu.memory_space<hbm>> -> memref<10000x64xf32, #tpu.memory_space<hbm>>
    tpu.enqueue_indirect_dma source(%dma_start3A_35 : memref<10000x64xf32, #tpu.memory_space<hbm>>) target(%dma_start3A_29 : memref<128x64xf32, #tpu.memory_space<vmem>>) offsets(%dma_start3A_32 : memref<128xi32, #tpu.memory_space<vmem>>) semaphore(%arg15 : memref<!tpu.dma_semaphore, #tpu.memory_space<semaphore_mem>>)
    %dma_start3A_36 = arith.constant 2 : i32
    %dma_start3A_37 = arith.constant 2 : i32
    %dma_start3A_38 = arith.constant 0 : i32
    %dma_start3A_39 = arith.constant 0 : i32
    %dma_start3A_40 = tpu.memref_slice %arg13[%dma_start3A_37, %dma_start3A_38, %dma_start3A_39] : memref<5x128x64xf32, #tpu.memory_space<vmem>> -> memref<1x128x64xf32, #tpu.memory_space<vmem>>
    %dma_start3A_41 = tpu.memref_squeeze %dma_start3A_40 : memref<1x128x64xf32, #tpu.memory_space<vmem>> -> memref<128x64xf32, #tpu.memory_space<vmem>>
    %dma_start3A_42 = arith.constant 0 : i32
    %dma_start3A_43 = tpu.memref_slice %arg11[%dma_start3A_36, %dma_start3A_42] : memref<80x128xi32, #tpu.memory_space<vmem>> -> memref<1x128xi32, #tpu.memory_space<vmem>>
    %dma_start3A_44 = tpu.memref_squeeze %dma_start3A_43 : memref<1x128xi32, #tpu.memory_space<vmem>> -> memref<128xi32, #tpu.memory_space<vmem>>
    %dma_start3A_45 = arith.constant 0 : i32
    %dma_start3A_46 = arith.constant 0 : i32
    %dma_start3A_47 = tpu.memref_slice %arg2[%dma_start3A_45, %dma_start3A_46] : memref<10000x64xf32, #tpu.memory_space<hbm>> -> memref<10000x64xf32, #tpu.memory_space<hbm>>
    tpu.enqueue_indirect_dma source(%dma_start3A_47 : memref<10000x64xf32, #tpu.memory_space<hbm>>) target(%dma_start3A_41 : memref<128x64xf32, #tpu.memory_space<vmem>>) offsets(%dma_start3A_44 : memref<128xi32, #tpu.memory_space<vmem>>) semaphore(%arg16 : memref<!tpu.dma_semaphore, #tpu.memory_space<semaphore_mem>>)
    %scan3A = arith.constant 0 : i32
    %scan3A_48 = arith.constant 0 : i32
    %scan3A_49 = arith.constant 16 : i32
    %scan3A_50 = arith.addi %scan3A_48, %scan3A_49 : i32
    %scan3A_51 = arith.constant 1 : i32
    scf.for %scan3A_148 = %scan3A_48 to %scan3A_50 step %scan3A_51  : i32 {
      %mul3A_149 = arith.constant 5 : i32
      %mul3A_150 = arith.muli %scan3A_148, %mul3A_149 : i32
      %add3A_151 = arith.constant 0 : i32
      %add3A_152 = arith.addi %mul3A_150, %add3A_151 : i32
      %add3A_153 = arith.constant 3 : i32
      %add3A_154 = arith.addi %add3A_152, %add3A_153 : i32
      %lt3A = arith.constant 80 : i32
      %lt3A_155 = arith.cmpi slt, %add3A_154, %lt3A : i32
      %convert_element_type3A_156 = arith.extui %lt3A_155 : i1 to i32
      %cond3A_157 = arith.constant 0 : i32
      %cond3A_158 = arith.cmpi ne, %convert_element_type3A_156, %cond3A_157 : i32
      scf.if %cond3A_158 {
        %ge3A = arith.constant 2 : i32
        %ge3A_348 = arith.cmpi sge, %add3A_152, %ge3A : i32
        %convert_element_type3A_349 = arith.extui %ge3A_348 : i1 to i32
        %cond3A_350 = arith.constant 0 : i32
        %cond3A_351 = arith.cmpi ne, %convert_element_type3A_349, %cond3A_350 : i32
        scf.if %cond3A_351 {
          %dma_wait3A_365 = arith.constant 3 : i32
          %dma_wait3A_366 = arith.constant 0 : i32
          %dma_wait3A_367 = arith.constant 0 : i32
          %dma_wait3A_368 = arith.constant 0 : i32
          %dma_wait3A_369 = tpu.memref_slice %arg13[%dma_wait3A_365, %dma_wait3A_367, %dma_wait3A_368] : memref<5x128x64xf32, #tpu.memory_space<vmem>> -> memref<1x128x64xf32, #tpu.memory_space<vmem>>
          %dma_wait3A_370 = tpu.memref_squeeze %dma_wait3A_369 : memref<1x128x64xf32, #tpu.memory_space<vmem>> -> memref<128x64xf32, #tpu.memory_space<vmem>>
          %dma_wait3A_371 = arith.constant 0 : i32
          %dma_wait3A_372 = tpu.memref_slice %arg12[%dma_wait3A_366, %dma_wait3A_371] : memref<80x128xi32, #tpu.memory_space<vmem>> -> memref<1x128xi32, #tpu.memory_space<vmem>>
          %dma_wait3A_373 = tpu.memref_squeeze %dma_wait3A_372 : memref<1x128xi32, #tpu.memory_space<vmem>> -> memref<128xi32, #tpu.memory_space<vmem>>
          %dma_wait3A_374 = arith.constant 0 : i32
          %dma_wait3A_375 = arith.constant 0 : i32
          %dma_wait3A_376 = tpu.memref_slice %arg10[%dma_wait3A_374, %dma_wait3A_375] : memref<10240x64xf32, #tpu.memory_space<vmem_shared>> -> memref<10240x64xf32, #tpu.memory_space<vmem_shared>>
          tpu.wait_indirect_dma semaphore(%arg17 : memref<!tpu.dma_semaphore, #tpu.memory_space<semaphore_mem>>) src(%dma_wait3A_370 : memref<128x64xf32, #tpu.memory_space<vmem>>) dst(%dma_wait3A_376 : memref<10240x64xf32, #tpu.memory_space<vmem_shared>>)
          %dma_wait3A_377 = arith.constant 0 : i32
          %dma_wait3A_378 = arith.constant 0 : i32
          %dma_wait3A_379 = tpu.memref_slice %arg12[%dma_wait3A_377, %dma_wait3A_378] : memref<80x128xi32, #tpu.memory_space<vmem>> -> memref<1x128xi32, #tpu.memory_space<vmem>>
          %dma_wait3A_380 = tpu.memref_squeeze %dma_wait3A_379 : memref<1x128xi32, #tpu.memory_space<vmem>> -> memref<128xi32, #tpu.memory_space<vmem>>
          %dma_wait3A_381 = arith.constant 0 : i32
          %dma_wait3A_382 = arith.constant 0 : i32
          %dma_wait3A_383 = tpu.memref_slice %arg19[%dma_wait3A_381, %dma_wait3A_382] : memref<10240x8xf32, #tpu.memory_space<vmem_shared>> -> memref<10240x8xf32, #tpu.memory_space<vmem_shared>>
          tpu.wait_indirect_dma semaphore(%arg17 : memref<!tpu.dma_semaphore, #tpu.memory_space<semaphore_mem>>) src(%arg20 : memref<128x8xf32, #tpu.memory_space<vmem>>) dst(%dma_wait3A_383 : memref<10240x8xf32, #tpu.memory_space<vmem_shared>>)
        } else {
        }
        %add3A_352 = arith.constant 3 : i32
        %add3A_353 = arith.addi %add3A_152, %add3A_352 : i32
        %dma_start3A_354 = arith.constant 3 : i32
        %dma_start3A_355 = arith.constant 0 : i32
        %dma_start3A_356 = arith.constant 0 : i32
        %dma_start3A_357 = tpu.memref_slice %arg13[%dma_start3A_354, %dma_start3A_355, %dma_start3A_356] : memref<5x128x64xf32, #tpu.memory_space<vmem>> -> memref<1x128x64xf32, #tpu.memory_space<vmem>>
        %dma_start3A_358 = tpu.memref_squeeze %dma_start3A_357 : memref<1x128x64xf32, #tpu.memory_space<vmem>> -> memref<128x64xf32, #tpu.memory_space<vmem>>
        %dma_start3A_359 = arith.constant 0 : i32
        %dma_start3A_360 = tpu.memref_slice %arg11[%add3A_353, %dma_start3A_359] : memref<80x128xi32, #tpu.memory_space<vmem>> -> memref<1x128xi32, #tpu.memory_space<vmem>>
        %dma_start3A_361 = tpu.memref_squeeze %dma_start3A_360 : memref<1x128xi32, #tpu.memory_space<vmem>> -> memref<128xi32, #tpu.memory_space<vmem>>
        %dma_start3A_362 = arith.constant 0 : i32
        %dma_start3A_363 = arith.constant 0 : i32
        %dma_start3A_364 = tpu.memref_slice %arg2[%dma_start3A_362, %dma_start3A_363] : memref<10000x64xf32, #tpu.memory_space<hbm>> -> memref<10000x64xf32, #tpu.memory_space<hbm>>
        tpu.enqueue_indirect_dma source(%dma_start3A_364 : memref<10000x64xf32, #tpu.memory_space<hbm>>) target(%dma_start3A_358 : memref<128x64xf32, #tpu.memory_space<vmem>>) offsets(%dma_start3A_361 : memref<128xi32, #tpu.memory_space<vmem>>) semaphore(%arg17 : memref<!tpu.dma_semaphore, #tpu.memory_space<semaphore_mem>>)
      } else {
      }
      %dma_wait3A_159 = arith.constant 0 : i32
      %dma_wait3A_160 = arith.constant 0 : i32
      %dma_wait3A_161 = arith.constant 0 : i32
      %dma_wait3A_162 = arith.constant 0 : i32
      %dma_wait3A_163 = tpu.memref_slice %arg13[%dma_wait3A_160, %dma_wait3A_161, %dma_wait3A_162] : memref<5x128x64xf32, #tpu.memory_space<vmem>> -> memref<1x128x64xf32, #tpu.memory_space<vmem>>
      %dma_wait3A_164 = tpu.memref_squeeze %dma_wait3A_163 : memref<1x128x64xf32, #tpu.memory_space<vmem>> -> memref<128x64xf32, #tpu.memory_space<vmem>>
      %dma_wait3A_165 = arith.constant 0 : i32
      %dma_wait3A_166 = tpu.memref_slice %arg11[%dma_wait3A_159, %dma_wait3A_165] : memref<80x128xi32, #tpu.memory_space<vmem>> -> memref<1x128xi32, #tpu.memory_space<vmem>>
      %dma_wait3A_167 = tpu.memref_squeeze %dma_wait3A_166 : memref<1x128xi32, #tpu.memory_space<vmem>> -> memref<128xi32, #tpu.memory_space<vmem>>
      %dma_wait3A_168 = arith.constant 0 : i32
      %dma_wait3A_169 = arith.constant 0 : i32
      %dma_wait3A_170 = tpu.memref_slice %arg2[%dma_wait3A_168, %dma_wait3A_169] : memref<10000x64xf32, #tpu.memory_space<hbm>> -> memref<10000x64xf32, #tpu.memory_space<hbm>>
      tpu.wait_indirect_dma semaphore(%arg14 : memref<!tpu.dma_semaphore, #tpu.memory_space<semaphore_mem>>) src(%dma_wait3A_170 : memref<10000x64xf32, #tpu.memory_space<hbm>>) dst(%dma_wait3A_164 : memref<128x64xf32, #tpu.memory_space<vmem>>)
      %dma_start3A_171 = arith.constant 0 : i32
      %dma_start3A_172 = arith.constant 0 : i32
      %dma_start3A_173 = arith.constant 0 : i32
      %dma_start3A_174 = tpu.memref_slice %arg13[%dma_start3A_171, %dma_start3A_172, %dma_start3A_173] : memref<5x128x64xf32, #tpu.memory_space<vmem>> -> memref<1x128x64xf32, #tpu.memory_space<vmem>>
      %dma_start3A_175 = tpu.memref_squeeze %dma_start3A_174 : memref<1x128x64xf32, #tpu.memory_space<vmem>> -> memref<128x64xf32, #tpu.memory_space<vmem>>
      %dma_start3A_176 = arith.constant 0 : i32
      %dma_start3A_177 = tpu.memref_slice %arg12[%add3A_152, %dma_start3A_176] : memref<80x128xi32, #tpu.memory_space<vmem>> -> memref<1x128xi32, #tpu.memory_space<vmem>>
      %dma_start3A_178 = tpu.memref_squeeze %dma_start3A_177 : memref<1x128xi32, #tpu.memory_space<vmem>> -> memref<128xi32, #tpu.memory_space<vmem>>
      %dma_start3A_179 = arith.constant 0 : i32
      %dma_start3A_180 = arith.constant 0 : i32
      %dma_start3A_181 = tpu.memref_slice %arg10[%dma_start3A_179, %dma_start3A_180] : memref<10240x64xf32, #tpu.memory_space<vmem_shared>> -> memref<10240x64xf32, #tpu.memory_space<vmem_shared>>
      tpu.enqueue_indirect_dma source(%dma_start3A_175 : memref<128x64xf32, #tpu.memory_space<vmem>>) target(%dma_start3A_181 : memref<10240x64xf32, #tpu.memory_space<vmem_shared>>) offsets(%dma_start3A_178 : memref<128xi32, #tpu.memory_space<vmem>>) semaphore(%arg14 : memref<!tpu.dma_semaphore, #tpu.memory_space<semaphore_mem>>) {add = true}
      %dma_start3A_182 = arith.constant 0 : i32
      %dma_start3A_183 = tpu.memref_slice %arg12[%add3A_152, %dma_start3A_182] : memref<80x128xi32, #tpu.memory_space<vmem>> -> memref<1x128xi32, #tpu.memory_space<vmem>>
      %dma_start3A_184 = tpu.memref_squeeze %dma_start3A_183 : memref<1x128xi32, #tpu.memory_space<vmem>> -> memref<128xi32, #tpu.memory_space<vmem>>
      %dma_start3A_185 = arith.constant 0 : i32
      %dma_start3A_186 = arith.constant 0 : i32
      %dma_start3A_187 = tpu.memref_slice %arg19[%dma_start3A_185, %dma_start3A_186] : memref<10240x8xf32, #tpu.memory_space<vmem_shared>> -> memref<10240x8xf32, #tpu.memory_space<vmem_shared>>
      tpu.enqueue_indirect_dma source(%arg20 : memref<128x8xf32, #tpu.memory_space<vmem>>) target(%dma_start3A_187 : memref<10240x8xf32, #tpu.memory_space<vmem_shared>>) offsets(%dma_start3A_184 : memref<128xi32, #tpu.memory_space<vmem>>) semaphore(%arg14 : memref<!tpu.dma_semaphore, #tpu.memory_space<semaphore_mem>>) {add = true}
      %mul3A_188 = arith.constant 5 : i32
      %mul3A_189 = arith.muli %scan3A_148, %mul3A_188 : i32
      %add3A_190 = arith.constant 1 : i32
      %add3A_191 = arith.addi %mul3A_189, %add3A_190 : i32
      %add3A_192 = arith.constant 3 : i32
      %add3A_193 = arith.addi %add3A_191, %add3A_192 : i32
      %lt3A_194 = arith.constant 80 : i32
      %lt3A_195 = arith.cmpi slt, %add3A_193, %lt3A_194 : i32
      %convert_element_type3A_196 = arith.extui %lt3A_195 : i1 to i32
      %cond3A_197 = arith.constant 0 : i32
      %cond3A_198 = arith.cmpi ne, %convert_element_type3A_196, %cond3A_197 : i32
      scf.if %cond3A_198 {
        %ge3A = arith.constant 2 : i32
        %ge3A_348 = arith.cmpi sge, %add3A_191, %ge3A : i32
        %convert_element_type3A_349 = arith.extui %ge3A_348 : i1 to i32
        %cond3A_350 = arith.constant 0 : i32
        %cond3A_351 = arith.cmpi ne, %convert_element_type3A_349, %cond3A_350 : i32
        scf.if %cond3A_351 {
          %dma_wait3A_365 = arith.constant 4 : i32
          %dma_wait3A_366 = arith.constant 0 : i32
          %dma_wait3A_367 = arith.constant 0 : i32
          %dma_wait3A_368 = arith.constant 0 : i32
          %dma_wait3A_369 = tpu.memref_slice %arg13[%dma_wait3A_365, %dma_wait3A_367, %dma_wait3A_368] : memref<5x128x64xf32, #tpu.memory_space<vmem>> -> memref<1x128x64xf32, #tpu.memory_space<vmem>>
          %dma_wait3A_370 = tpu.memref_squeeze %dma_wait3A_369 : memref<1x128x64xf32, #tpu.memory_space<vmem>> -> memref<128x64xf32, #tpu.memory_space<vmem>>
          %dma_wait3A_371 = arith.constant 0 : i32
          %dma_wait3A_372 = tpu.memref_slice %arg12[%dma_wait3A_366, %dma_wait3A_371] : memref<80x128xi32, #tpu.memory_space<vmem>> -> memref<1x128xi32, #tpu.memory_space<vmem>>
          %dma_wait3A_373 = tpu.memref_squeeze %dma_wait3A_372 : memref<1x128xi32, #tpu.memory_space<vmem>> -> memref<128xi32, #tpu.memory_space<vmem>>
          %dma_wait3A_374 = arith.constant 0 : i32
          %dma_wait3A_375 = arith.constant 0 : i32
          %dma_wait3A_376 = tpu.memref_slice %arg10[%dma_wait3A_374, %dma_wait3A_375] : memref<10240x64xf32, #tpu.memory_space<vmem_shared>> -> memref<10240x64xf32, #tpu.memory_space<vmem_shared>>
          tpu.wait_indirect_dma semaphore(%arg18 : memref<!tpu.dma_semaphore, #tpu.memory_space<semaphore_mem>>) src(%dma_wait3A_370 : memref<128x64xf32, #tpu.memory_space<vmem>>) dst(%dma_wait3A_376 : memref<10240x64xf32, #tpu.memory_space<vmem_shared>>)
          %dma_wait3A_377 = arith.constant 0 : i32
          %dma_wait3A_378 = arith.constant 0 : i32
          %dma_wait3A_379 = tpu.memref_slice %arg12[%dma_wait3A_377, %dma_wait3A_378] : memref<80x128xi32, #tpu.memory_space<vmem>> -> memref<1x128xi32, #tpu.memory_space<vmem>>
          %dma_wait3A_380 = tpu.memref_squeeze %dma_wait3A_379 : memref<1x128xi32, #tpu.memory_space<vmem>> -> memref<128xi32, #tpu.memory_space<vmem>>
          %dma_wait3A_381 = arith.constant 0 : i32
          %dma_wait3A_382 = arith.constant 0 : i32
          %dma_wait3A_383 = tpu.memref_slice %arg19[%dma_wait3A_381, %dma_wait3A_382] : memref<10240x8xf32, #tpu.memory_space<vmem_shared>> -> memref<10240x8xf32, #tpu.memory_space<vmem_shared>>
          tpu.wait_indirect_dma semaphore(%arg18 : memref<!tpu.dma_semaphore, #tpu.memory_space<semaphore_mem>>) src(%arg20 : memref<128x8xf32, #tpu.memory_space<vmem>>) dst(%dma_wait3A_383 : memref<10240x8xf32, #tpu.memory_space<vmem_shared>>)
        } else {
        }
        %add3A_352 = arith.constant 3 : i32
        %add3A_353 = arith.addi %add3A_191, %add3A_352 : i32
        %dma_start3A_354 = arith.constant 4 : i32
        %dma_start3A_355 = arith.constant 0 : i32
        %dma_start3A_356 = arith.constant 0 : i32
        %dma_start3A_357 = tpu.memref_slice %arg13[%dma_start3A_354, %dma_start3A_355, %dma_start3A_356] : memref<5x128x64xf32, #tpu.memory_space<vmem>> -> memref<1x128x64xf32, #tpu.memory_space<vmem>>
        %dma_start3A_358 = tpu.memref_squeeze %dma_start3A_357 : memref<1x128x64xf32, #tpu.memory_space<vmem>> -> memref<128x64xf32, #tpu.memory_space<vmem>>
        %dma_start3A_359 = arith.constant 0 : i32
        %dma_start3A_360 = tpu.memref_slice %arg11[%add3A_353, %dma_start3A_359] : memref<80x128xi32, #tpu.memory_space<vmem>> -> memref<1x128xi32, #tpu.memory_space<vmem>>
        %dma_start3A_361 = tpu.memref_squeeze %dma_start3A_360 : memref<1x128xi32, #tpu.memory_space<vmem>> -> memref<128xi32, #tpu.memory_space<vmem>>
        %dma_start3A_362 = arith.constant 0 : i32
        %dma_start3A_363 = arith.constant 0 : i32
        %dma_start3A_364 = tpu.memref_slice %arg2[%dma_start3A_362, %dma_start3A_363] : memref<10000x64xf32, #tpu.memory_space<hbm>> -> memref<10000x64xf32, #tpu.memory_space<hbm>>
        tpu.enqueue_indirect_dma source(%dma_start3A_364 : memref<10000x64xf32, #tpu.memory_space<hbm>>) target(%dma_start3A_358 : memref<128x64xf32, #tpu.memory_space<vmem>>) offsets(%dma_start3A_361 : memref<128xi32, #tpu.memory_space<vmem>>) semaphore(%arg18 : memref<!tpu.dma_semaphore, #tpu.memory_space<semaphore_mem>>)
      } else {
      }
      %dma_wait3A_199 = arith.constant 0 : i32
      %dma_wait3A_200 = arith.constant 1 : i32
      %dma_wait3A_201 = arith.constant 0 : i32
      %dma_wait3A_202 = arith.constant 0 : i32
      %dma_wait3A_203 = tpu.memref_slice %arg13[%dma_wait3A_200, %dma_wait3A_201, %dma_wait3A_202] : memref<5x128x64xf32, #tpu.memory_space<vmem>> -> memref<1x128x64xf32, #tpu.memory_space<vmem>>
      %dma_wait3A_204 = tpu.memref_squeeze %dma_wait3A_203 : memref<1x128x64xf32, #tpu.memory_space<vmem>> -> memref<128x64xf32, #tpu.memory_space<vmem>>
      %dma_wait3A_205 = arith.constant 0 : i32
      %dma_wait3A_206 = tpu.memref_slice %arg11[%dma_wait3A_199, %dma_wait3A_205] : memref<80x128xi32, #tpu.memory_space<vmem>> -> memref<1x128xi32, #tpu.memory_space<vmem>>
      %dma_wait3A_207 = tpu.memref_squeeze %dma_wait3A_206 : memref<1x128xi32, #tpu.memory_space<vmem>> -> memref<128xi32, #tpu.memory_space<vmem>>
      %dma_wait3A_208 = arith.constant 0 : i32
      %dma_wait3A_209 = arith.constant 0 : i32
      %dma_wait3A_210 = tpu.memref_slice %arg2[%dma_wait3A_208, %dma_wait3A_209] : memref<10000x64xf32, #tpu.memory_space<hbm>> -> memref<10000x64xf32, #tpu.memory_space<hbm>>
      tpu.wait_indirect_dma semaphore(%arg15 : memref<!tpu.dma_semaphore, #tpu.memory_space<semaphore_mem>>) src(%dma_wait3A_210 : memref<10000x64xf32, #tpu.memory_space<hbm>>) dst(%dma_wait3A_204 : memref<128x64xf32, #tpu.memory_space<vmem>>)
      %dma_start3A_211 = arith.constant 1 : i32
      %dma_start3A_212 = arith.constant 0 : i32
      %dma_start3A_213 = arith.constant 0 : i32
      %dma_start3A_214 = tpu.memref_slice %arg13[%dma_start3A_211, %dma_start3A_212, %dma_start3A_213] : memref<5x128x64xf32, #tpu.memory_space<vmem>> -> memref<1x128x64xf32, #tpu.memory_space<vmem>>
      %dma_start3A_215 = tpu.memref_squeeze %dma_start3A_214 : memref<1x128x64xf32, #tpu.memory_space<vmem>> -> memref<128x64xf32, #tpu.memory_space<vmem>>
      %dma_start3A_216 = arith.constant 0 : i32
      %dma_start3A_217 = tpu.memref_slice %arg12[%add3A_191, %dma_start3A_216] : memref<80x128xi32, #tpu.memory_space<vmem>> -> memref<1x128xi32, #tpu.memory_space<vmem>>
      %dma_start3A_218 = tpu.memref_squeeze %dma_start3A_217 : memref<1x128xi32, #tpu.memory_space<vmem>> -> memref<128xi32, #tpu.memory_space<vmem>>
      %dma_start3A_219 = arith.constant 0 : i32
      %dma_start3A_220 = arith.constant 0 : i32
      %dma_start3A_221 = tpu.memref_slice %arg10[%dma_start3A_219, %dma_start3A_220] : memref<10240x64xf32, #tpu.memory_space<vmem_shared>> -> memref<10240x64xf32, #tpu.memory_space<vmem_shared>>
      tpu.enqueue_indirect_dma source(%dma_start3A_215 : memref<128x64xf32, #tpu.memory_space<vmem>>) target(%dma_start3A_221 : memref<10240x64xf32, #tpu.memory_space<vmem_shared>>) offsets(%dma_start3A_218 : memref<128xi32, #tpu.memory_space<vmem>>) semaphore(%arg15 : memref<!tpu.dma_semaphore, #tpu.memory_space<semaphore_mem>>) {add = true}
      %dma_start3A_222 = arith.constant 0 : i32
      %dma_start3A_223 = tpu.memref_slice %arg12[%add3A_191, %dma_start3A_222] : memref<80x128xi32, #tpu.memory_space<vmem>> -> memref<1x128xi32, #tpu.memory_space<vmem>>
      %dma_start3A_224 = tpu.memref_squeeze %dma_start3A_223 : memref<1x128xi32, #tpu.memory_space<vmem>> -> memref<128xi32, #tpu.memory_space<vmem>>
      %dma_start3A_225 = arith.constant 0 : i32
      %dma_start3A_226 = arith.constant 0 : i32
      %dma_start3A_227 = tpu.memref_slice %arg19[%dma_start3A_225, %dma_start3A_226] : memref<10240x8xf32, #tpu.memory_space<vmem_shared>> -> memref<10240x8xf32, #tpu.memory_space<vmem_shared>>
      tpu.enqueue_indirect_dma source(%arg20 : memref<128x8xf32, #tpu.memory_space<vmem>>) target(%dma_start3A_227 : memref<10240x8xf32, #tpu.memory_space<vmem_shared>>) offsets(%dma_start3A_224 : memref<128xi32, #tpu.memory_space<vmem>>) semaphore(%arg15 : memref<!tpu.dma_semaphore, #tpu.memory_space<semaphore_mem>>) {add = true}
      %mul3A_228 = arith.constant 5 : i32
      %mul3A_229 = arith.muli %scan3A_148, %mul3A_228 : i32
      %add3A_230 = arith.constant 2 : i32
      %add3A_231 = arith.addi %mul3A_229, %add3A_230 : i32
      %add3A_232 = arith.constant 3 : i32
      %add3A_233 = arith.addi %add3A_231, %add3A_232 : i32
      %lt3A_234 = arith.constant 80 : i32
      %lt3A_235 = arith.cmpi slt, %add3A_233, %lt3A_234 : i32
      %convert_element_type3A_236 = arith.extui %lt3A_235 : i1 to i32
      %cond3A_237 = arith.constant 0 : i32
      %cond3A_238 = arith.cmpi ne, %convert_element_type3A_236, %cond3A_237 : i32
      scf.if %cond3A_238 {
        %ge3A = arith.constant 2 : i32
        %ge3A_348 = arith.cmpi sge, %add3A_231, %ge3A : i32
        %convert_element_type3A_349 = arith.extui %ge3A_348 : i1 to i32
        %cond3A_350 = arith.constant 0 : i32
        %cond3A_351 = arith.cmpi ne, %convert_element_type3A_349, %cond3A_350 : i32
        scf.if %cond3A_351 {
          %dma_wait3A_365 = arith.constant 0 : i32
          %dma_wait3A_366 = arith.constant 0 : i32
          %dma_wait3A_367 = arith.constant 0 : i32
          %dma_wait3A_368 = arith.constant 0 : i32
          %dma_wait3A_369 = tpu.memref_slice %arg13[%dma_wait3A_365, %dma_wait3A_367, %dma_wait3A_368] : memref<5x128x64xf32, #tpu.memory_space<vmem>> -> memref<1x128x64xf32, #tpu.memory_space<vmem>>
          %dma_wait3A_370 = tpu.memref_squeeze %dma_wait3A_369 : memref<1x128x64xf32, #tpu.memory_space<vmem>> -> memref<128x64xf32, #tpu.memory_space<vmem>>
          %dma_wait3A_371 = arith.constant 0 : i32
          %dma_wait3A_372 = tpu.memref_slice %arg12[%dma_wait3A_366, %dma_wait3A_371] : memref<80x128xi32, #tpu.memory_space<vmem>> -> memref<1x128xi32, #tpu.memory_space<vmem>>
          %dma_wait3A_373 = tpu.memref_squeeze %dma_wait3A_372 : memref<1x128xi32, #tpu.memory_space<vmem>> -> memref<128xi32, #tpu.memory_space<vmem>>
          %dma_wait3A_374 = arith.constant 0 : i32
          %dma_wait3A_375 = arith.constant 0 : i32
          %dma_wait3A_376 = tpu.memref_slice %arg10[%dma_wait3A_374, %dma_wait3A_375] : memref<10240x64xf32, #tpu.memory_space<vmem_shared>> -> memref<10240x64xf32, #tpu.memory_space<vmem_shared>>
          tpu.wait_indirect_dma semaphore(%arg14 : memref<!tpu.dma_semaphore, #tpu.memory_space<semaphore_mem>>) src(%dma_wait3A_370 : memref<128x64xf32, #tpu.memory_space<vmem>>) dst(%dma_wait3A_376 : memref<10240x64xf32, #tpu.memory_space<vmem_shared>>)
          %dma_wait3A_377 = arith.constant 0 : i32
          %dma_wait3A_378 = arith.constant 0 : i32
          %dma_wait3A_379 = tpu.memref_slice %arg12[%dma_wait3A_377, %dma_wait3A_378] : memref<80x128xi32, #tpu.memory_space<vmem>> -> memref<1x128xi32, #tpu.memory_space<vmem>>
          %dma_wait3A_380 = tpu.memref_squeeze %dma_wait3A_379 : memref<1x128xi32, #tpu.memory_space<vmem>> -> memref<128xi32, #tpu.memory_space<vmem>>
          %dma_wait3A_381 = arith.constant 0 : i32
          %dma_wait3A_382 = arith.constant 0 : i32
          %dma_wait3A_383 = tpu.memref_slice %arg19[%dma_wait3A_381, %dma_wait3A_382] : memref<10240x8xf32, #tpu.memory_space<vmem_shared>> -> memref<10240x8xf32, #tpu.memory_space<vmem_shared>>
          tpu.wait_indirect_dma semaphore(%arg14 : memref<!tpu.dma_semaphore, #tpu.memory_space<semaphore_mem>>) src(%arg20 : memref<128x8xf32, #tpu.memory_space<vmem>>) dst(%dma_wait3A_383 : memref<10240x8xf32, #tpu.memory_space<vmem_shared>>)
        } else {
        }
        %add3A_352 = arith.constant 3 : i32
        %add3A_353 = arith.addi %add3A_231, %add3A_352 : i32
        %dma_start3A_354 = arith.constant 0 : i32
        %dma_start3A_355 = arith.constant 0 : i32
        %dma_start3A_356 = arith.constant 0 : i32
        %dma_start3A_357 = tpu.memref_slice %arg13[%dma_start3A_354, %dma_start3A_355, %dma_start3A_356] : memref<5x128x64xf32, #tpu.memory_space<vmem>> -> memref<1x128x64xf32, #tpu.memory_space<vmem>>
        %dma_start3A_358 = tpu.memref_squeeze %dma_start3A_357 : memref<1x128x64xf32, #tpu.memory_space<vmem>> -> memref<128x64xf32, #tpu.memory_space<vmem>>
        %dma_start3A_359 = arith.constant 0 : i32
        %dma_start3A_360 = tpu.memref_slice %arg11[%add3A_353, %dma_start3A_359] : memref<80x128xi32, #tpu.memory_space<vmem>> -> memref<1x128xi32, #tpu.memory_space<vmem>>
        %dma_start3A_361 = tpu.memref_squeeze %dma_start3A_360 : memref<1x128xi32, #tpu.memory_space<vmem>> -> memref<128xi32, #tpu.memory_space<vmem>>
        %dma_start3A_362 = arith.constant 0 : i32
        %dma_start3A_363 = arith.constant 0 : i32
        %dma_start3A_364 = tpu.memref_slice %arg2[%dma_start3A_362, %dma_start3A_363] : memref<10000x64xf32, #tpu.memory_space<hbm>> -> memref<10000x64xf32, #tpu.memory_space<hbm>>
        tpu.enqueue_indirect_dma source(%dma_start3A_364 : memref<10000x64xf32, #tpu.memory_space<hbm>>) target(%dma_start3A_358 : memref<128x64xf32, #tpu.memory_space<vmem>>) offsets(%dma_start3A_361 : memref<128xi32, #tpu.memory_space<vmem>>) semaphore(%arg14 : memref<!tpu.dma_semaphore, #tpu.memory_space<semaphore_mem>>)
      } else {
      }
      %dma_wait3A_239 = arith.constant 0 : i32
      %dma_wait3A_240 = arith.constant 2 : i32
      %dma_wait3A_241 = arith.constant 0 : i32
      %dma_wait3A_242 = arith.constant 0 : i32
      %dma_wait3A_243 = tpu.memref_slice %arg13[%dma_wait3A_240, %dma_wait3A_241, %dma_wait3A_242] : memref<5x128x64xf32, #tpu.memory_space<vmem>> -> memref<1x128x64xf32, #tpu.memory_space<vmem>>
      %dma_wait3A_244 = tpu.memref_squeeze %dma_wait3A_243 : memref<1x128x64xf32, #tpu.memory_space<vmem>> -> memref<128x64xf32, #tpu.memory_space<vmem>>
      %dma_wait3A_245 = arith.constant 0 : i32
      %dma_wait3A_246 = tpu.memref_slice %arg11[%dma_wait3A_239, %dma_wait3A_245] : memref<80x128xi32, #tpu.memory_space<vmem>> -> memref<1x128xi32, #tpu.memory_space<vmem>>
      %dma_wait3A_247 = tpu.memref_squeeze %dma_wait3A_246 : memref<1x128xi32, #tpu.memory_space<vmem>> -> memref<128xi32, #tpu.memory_space<vmem>>
      %dma_wait3A_248 = arith.constant 0 : i32
      %dma_wait3A_249 = arith.constant 0 : i32
      %dma_wait3A_250 = tpu.memref_slice %arg2[%dma_wait3A_248, %dma_wait3A_249] : memref<10000x64xf32, #tpu.memory_space<hbm>> -> memref<10000x64xf32, #tpu.memory_space<hbm>>
      tpu.wait_indirect_dma semaphore(%arg16 : memref<!tpu.dma_semaphore, #tpu.memory_space<semaphore_mem>>) src(%dma_wait3A_250 : memref<10000x64xf32, #tpu.memory_space<hbm>>) dst(%dma_wait3A_244 : memref<128x64xf32, #tpu.memory_space<vmem>>)
      %dma_start3A_251 = arith.constant 2 : i32
      %dma_start3A_252 = arith.constant 0 : i32
      %dma_start3A_253 = arith.constant 0 : i32
      %dma_start3A_254 = tpu.memref_slice %arg13[%dma_start3A_251, %dma_start3A_252, %dma_start3A_253] : memref<5x128x64xf32, #tpu.memory_space<vmem>> -> memref<1x128x64xf32, #tpu.memory_space<vmem>>
      %dma_start3A_255 = tpu.memref_squeeze %dma_start3A_254 : memref<1x128x64xf32, #tpu.memory_space<vmem>> -> memref<128x64xf32, #tpu.memory_space<vmem>>
      %dma_start3A_256 = arith.constant 0 : i32
      %dma_start3A_257 = tpu.memref_slice %arg12[%add3A_231, %dma_start3A_256] : memref<80x128xi32, #tpu.memory_space<vmem>> -> memref<1x128xi32, #tpu.memory_space<vmem>>
      %dma_start3A_258 = tpu.memref_squeeze %dma_start3A_257 : memref<1x128xi32, #tpu.memory_space<vmem>> -> memref<128xi32, #tpu.memory_space<vmem>>
      %dma_start3A_259 = arith.constant 0 : i32
      %dma_start3A_260 = arith.constant 0 : i32
      %dma_start3A_261 = tpu.memref_slice %arg10[%dma_start3A_259, %dma_start3A_260] : memref<10240x64xf32, #tpu.memory_space<vmem_shared>> -> memref<10240x64xf32, #tpu.memory_space<vmem_shared>>
      tpu.enqueue_indirect_dma source(%dma_start3A_255 : memref<128x64xf32, #tpu.memory_space<vmem>>) target(%dma_start3A_261 : memref<10240x64xf32, #tpu.memory_space<vmem_shared>>) offsets(%dma_start3A_258 : memref<128xi32, #tpu.memory_space<vmem>>) semaphore(%arg16 : memref<!tpu.dma_semaphore, #tpu.memory_space<semaphore_mem>>) {add = true}
      %dma_start3A_262 = arith.constant 0 : i32
      %dma_start3A_263 = tpu.memref_slice %arg12[%add3A_231, %dma_start3A_262] : memref<80x128xi32, #tpu.memory_space<vmem>> -> memref<1x128xi32, #tpu.memory_space<vmem>>
      %dma_start3A_264 = tpu.memref_squeeze %dma_start3A_263 : memref<1x128xi32, #tpu.memory_space<vmem>> -> memref<128xi32, #tpu.memory_space<vmem>>
      %dma_start3A_265 = arith.constant 0 : i32
      %dma_start3A_266 = arith.constant 0 : i32
      %dma_start3A_267 = tpu.memref_slice %arg19[%dma_start3A_265, %dma_start3A_266] : memref<10240x8xf32, #tpu.memory_space<vmem_shared>> -> memref<10240x8xf32, #tpu.memory_space<vmem_shared>>
      tpu.enqueue_indirect_dma source(%arg20 : memref<128x8xf32, #tpu.memory_space<vmem>>) target(%dma_start3A_267 : memref<10240x8xf32, #tpu.memory_space<vmem_shared>>) offsets(%dma_start3A_264 : memref<128xi32, #tpu.memory_space<vmem>>) semaphore(%arg16 : memref<!tpu.dma_semaphore, #tpu.memory_space<semaphore_mem>>) {add = true}
      %mul3A_268 = arith.constant 5 : i32
      %mul3A_269 = arith.muli %scan3A_148, %mul3A_268 : i32
      %add3A_270 = arith.constant 3 : i32
      %add3A_271 = arith.addi %mul3A_269, %add3A_270 : i32
      %add3A_272 = arith.constant 3 : i32
      %add3A_273 = arith.addi %add3A_271, %add3A_272 : i32
      %lt3A_274 = arith.constant 80 : i32
      %lt3A_275 = arith.cmpi slt, %add3A_273, %lt3A_274 : i32
      %convert_element_type3A_276 = arith.extui %lt3A_275 : i1 to i32
      %cond3A_277 = arith.constant 0 : i32
      %cond3A_278 = arith.cmpi ne, %convert_element_type3A_276, %cond3A_277 : i32
      scf.if %cond3A_278 {
        %ge3A = arith.constant 2 : i32
        %ge3A_348 = arith.cmpi sge, %add3A_271, %ge3A : i32
        %convert_element_type3A_349 = arith.extui %ge3A_348 : i1 to i32
        %cond3A_350 = arith.constant 0 : i32
        %cond3A_351 = arith.cmpi ne, %convert_element_type3A_349, %cond3A_350 : i32
        scf.if %cond3A_351 {
          %dma_wait3A_365 = arith.constant 1 : i32
          %dma_wait3A_366 = arith.constant 0 : i32
          %dma_wait3A_367 = arith.constant 0 : i32
          %dma_wait3A_368 = arith.constant 0 : i32
          %dma_wait3A_369 = tpu.memref_slice %arg13[%dma_wait3A_365, %dma_wait3A_367, %dma_wait3A_368] : memref<5x128x64xf32, #tpu.memory_space<vmem>> -> memref<1x128x64xf32, #tpu.memory_space<vmem>>
          %dma_wait3A_370 = tpu.memref_squeeze %dma_wait3A_369 : memref<1x128x64xf32, #tpu.memory_space<vmem>> -> memref<128x64xf32, #tpu.memory_space<vmem>>
          %dma_wait3A_371 = arith.constant 0 : i32
          %dma_wait3A_372 = tpu.memref_slice %arg12[%dma_wait3A_366, %dma_wait3A_371] : memref<80x128xi32, #tpu.memory_space<vmem>> -> memref<1x128xi32, #tpu.memory_space<vmem>>
          %dma_wait3A_373 = tpu.memref_squeeze %dma_wait3A_372 : memref<1x128xi32, #tpu.memory_space<vmem>> -> memref<128xi32, #tpu.memory_space<vmem>>
          %dma_wait3A_374 = arith.constant 0 : i32
          %dma_wait3A_375 = arith.constant 0 : i32
          %dma_wait3A_376 = tpu.memref_slice %arg10[%dma_wait3A_374, %dma_wait3A_375] : memref<10240x64xf32, #tpu.memory_space<vmem_shared>> -> memref<10240x64xf32, #tpu.memory_space<vmem_shared>>
          tpu.wait_indirect_dma semaphore(%arg15 : memref<!tpu.dma_semaphore, #tpu.memory_space<semaphore_mem>>) src(%dma_wait3A_370 : memref<128x64xf32, #tpu.memory_space<vmem>>) dst(%dma_wait3A_376 : memref<10240x64xf32, #tpu.memory_space<vmem_shared>>)
          %dma_wait3A_377 = arith.constant 0 : i32
          %dma_wait3A_378 = arith.constant 0 : i32
          %dma_wait3A_379 = tpu.memref_slice %arg12[%dma_wait3A_377, %dma_wait3A_378] : memref<80x128xi32, #tpu.memory_space<vmem>> -> memref<1x128xi32, #tpu.memory_space<vmem>>
          %dma_wait3A_380 = tpu.memref_squeeze %dma_wait3A_379 : memref<1x128xi32, #tpu.memory_space<vmem>> -> memref<128xi32, #tpu.memory_space<vmem>>
          %dma_wait3A_381 = arith.constant 0 : i32
          %dma_wait3A_382 = arith.constant 0 : i32
          %dma_wait3A_383 = tpu.memref_slice %arg19[%dma_wait3A_381, %dma_wait3A_382] : memref<10240x8xf32, #tpu.memory_space<vmem_shared>> -> memref<10240x8xf32, #tpu.memory_space<vmem_shared>>
          tpu.wait_indirect_dma semaphore(%arg15 : memref<!tpu.dma_semaphore, #tpu.memory_space<semaphore_mem>>) src(%arg20 : memref<128x8xf32, #tpu.memory_space<vmem>>) dst(%dma_wait3A_383 : memref<10240x8xf32, #tpu.memory_space<vmem_shared>>)
        } else {
        }
        %add3A_352 = arith.constant 3 : i32
        %add3A_353 = arith.addi %add3A_271, %add3A_352 : i32
        %dma_start3A_354 = arith.constant 1 : i32
        %dma_start3A_355 = arith.constant 0 : i32
        %dma_start3A_356 = arith.constant 0 : i32
        %dma_start3A_357 = tpu.memref_slice %arg13[%dma_start3A_354, %dma_start3A_355, %dma_start3A_356] : memref<5x128x64xf32, #tpu.memory_space<vmem>> -> memref<1x128x64xf32, #tpu.memory_space<vmem>>
        %dma_start3A_358 = tpu.memref_squeeze %dma_start3A_357 : memref<1x128x64xf32, #tpu.memory_space<vmem>> -> memref<128x64xf32, #tpu.memory_space<vmem>>
        %dma_start3A_359 = arith.constant 0 : i32
        %dma_start3A_360 = tpu.memref_slice %arg11[%add3A_353, %dma_start3A_359] : memref<80x128xi32, #tpu.memory_space<vmem>> -> memref<1x128xi32, #tpu.memory_space<vmem>>
        %dma_start3A_361 = tpu.memref_squeeze %dma_start3A_360 : memref<1x128xi32, #tpu.memory_space<vmem>> -> memref<128xi32, #tpu.memory_space<vmem>>
        %dma_start3A_362 = arith.constant 0 : i32
        %dma_start3A_363 = arith.constant 0 : i32
        %dma_start3A_364 = tpu.memref_slice %arg2[%dma_start3A_362, %dma_start3A_363] : memref<10000x64xf32, #tpu.memory_space<hbm>> -> memref<10000x64xf32, #tpu.memory_space<hbm>>
        tpu.enqueue_indirect_dma source(%dma_start3A_364 : memref<10000x64xf32, #tpu.memory_space<hbm>>) target(%dma_start3A_358 : memref<128x64xf32, #tpu.memory_space<vmem>>) offsets(%dma_start3A_361 : memref<128xi32, #tpu.memory_space<vmem>>) semaphore(%arg15 : memref<!tpu.dma_semaphore, #tpu.memory_space<semaphore_mem>>)
      } else {
      }
      %dma_wait3A_279 = arith.constant 0 : i32
      %dma_wait3A_280 = arith.constant 3 : i32
      %dma_wait3A_281 = arith.constant 0 : i32
      %dma_wait3A_282 = arith.constant 0 : i32
      %dma_wait3A_283 = tpu.memref_slice %arg13[%dma_wait3A_280, %dma_wait3A_281, %dma_wait3A_282] : memref<5x128x64xf32, #tpu.memory_space<vmem>> -> memref<1x128x64xf32, #tpu.memory_space<vmem>>
      %dma_wait3A_284 = tpu.memref_squeeze %dma_wait3A_283 : memref<1x128x64xf32, #tpu.memory_space<vmem>> -> memref<128x64xf32, #tpu.memory_space<vmem>>
      %dma_wait3A_285 = arith.constant 0 : i32
      %dma_wait3A_286 = tpu.memref_slice %arg11[%dma_wait3A_279, %dma_wait3A_285] : memref<80x128xi32, #tpu.memory_space<vmem>> -> memref<1x128xi32, #tpu.memory_space<vmem>>
      %dma_wait3A_287 = tpu.memref_squeeze %dma_wait3A_286 : memref<1x128xi32, #tpu.memory_space<vmem>> -> memref<128xi32, #tpu.memory_space<vmem>>
      %dma_wait3A_288 = arith.constant 0 : i32
      %dma_wait3A_289 = arith.constant 0 : i32
      %dma_wait3A_290 = tpu.memref_slice %arg2[%dma_wait3A_288, %dma_wait3A_289] : memref<10000x64xf32, #tpu.memory_space<hbm>> -> memref<10000x64xf32, #tpu.memory_space<hbm>>
      tpu.wait_indirect_dma semaphore(%arg17 : memref<!tpu.dma_semaphore, #tpu.memory_space<semaphore_mem>>) src(%dma_wait3A_290 : memref<10000x64xf32, #tpu.memory_space<hbm>>) dst(%dma_wait3A_284 : memref<128x64xf32, #tpu.memory_space<vmem>>)
      %dma_start3A_291 = arith.constant 3 : i32
      %dma_start3A_292 = arith.constant 0 : i32
      %dma_start3A_293 = arith.constant 0 : i32
      %dma_start3A_294 = tpu.memref_slice %arg13[%dma_start3A_291, %dma_start3A_292, %dma_start3A_293] : memref<5x128x64xf32, #tpu.memory_space<vmem>> -> memref<1x128x64xf32, #tpu.memory_space<vmem>>
      %dma_start3A_295 = tpu.memref_squeeze %dma_start3A_294 : memref<1x128x64xf32, #tpu.memory_space<vmem>> -> memref<128x64xf32, #tpu.memory_space<vmem>>
      %dma_start3A_296 = arith.constant 0 : i32
      %dma_start3A_297 = tpu.memref_slice %arg12[%add3A_271, %dma_start3A_296] : memref<80x128xi32, #tpu.memory_space<vmem>> -> memref<1x128xi32, #tpu.memory_space<vmem>>
      %dma_start3A_298 = tpu.memref_squeeze %dma_start3A_297 : memref<1x128xi32, #tpu.memory_space<vmem>> -> memref<128xi32, #tpu.memory_space<vmem>>
      %dma_start3A_299 = arith.constant 0 : i32
      %dma_start3A_300 = arith.constant 0 : i32
      %dma_start3A_301 = tpu.memref_slice %arg10[%dma_start3A_299, %dma_start3A_300] : memref<10240x64xf32, #tpu.memory_space<vmem_shared>> -> memref<10240x64xf32, #tpu.memory_space<vmem_shared>>
      tpu.enqueue_indirect_dma source(%dma_start3A_295 : memref<128x64xf32, #tpu.memory_space<vmem>>) target(%dma_start3A_301 : memref<10240x64xf32, #tpu.memory_space<vmem_shared>>) offsets(%dma_start3A_298 : memref<128xi32, #tpu.memory_space<vmem>>) semaphore(%arg17 : memref<!tpu.dma_semaphore, #tpu.memory_space<semaphore_mem>>) {add = true}
      %dma_start3A_302 = arith.constant 0 : i32
      %dma_start3A_303 = tpu.memref_slice %arg12[%add3A_271, %dma_start3A_302] : memref<80x128xi32, #tpu.memory_space<vmem>> -> memref<1x128xi32, #tpu.memory_space<vmem>>
      %dma_start3A_304 = tpu.memref_squeeze %dma_start3A_303 : memref<1x128xi32, #tpu.memory_space<vmem>> -> memref<128xi32, #tpu.memory_space<vmem>>
      %dma_start3A_305 = arith.constant 0 : i32
      %dma_start3A_306 = arith.constant 0 : i32
      %dma_start3A_307 = tpu.memref_slice %arg19[%dma_start3A_305, %dma_start3A_306] : memref<10240x8xf32, #tpu.memory_space<vmem_shared>> -> memref<10240x8xf32, #tpu.memory_space<vmem_shared>>
      tpu.enqueue_indirect_dma source(%arg20 : memref<128x8xf32, #tpu.memory_space<vmem>>) target(%dma_start3A_307 : memref<10240x8xf32, #tpu.memory_space<vmem_shared>>) offsets(%dma_start3A_304 : memref<128xi32, #tpu.memory_space<vmem>>) semaphore(%arg17 : memref<!tpu.dma_semaphore, #tpu.memory_space<semaphore_mem>>) {add = true}
      %mul3A_308 = arith.constant 5 : i32
      %mul3A_309 = arith.muli %scan3A_148, %mul3A_308 : i32
      %add3A_310 = arith.constant 4 : i32
      %add3A_311 = arith.addi %mul3A_309, %add3A_310 : i32
      %add3A_312 = arith.constant 3 : i32
      %add3A_313 = arith.addi %add3A_311, %add3A_312 : i32
      %lt3A_314 = arith.constant 80 : i32
      %lt3A_315 = arith.cmpi slt, %add3A_313, %lt3A_314 : i32
      %convert_element_type3A_316 = arith.extui %lt3A_315 : i1 to i32
      %cond3A_317 = arith.constant 0 : i32
      %cond3A_318 = arith.cmpi ne, %convert_element_type3A_316, %cond3A_317 : i32
      scf.if %cond3A_318 {
        %ge3A = arith.constant 2 : i32
        %ge3A_348 = arith.cmpi sge, %add3A_311, %ge3A : i32
        %convert_element_type3A_349 = arith.extui %ge3A_348 : i1 to i32
        %cond3A_350 = arith.constant 0 : i32
        %cond3A_351 = arith.cmpi ne, %convert_element_type3A_349, %cond3A_350 : i32
        scf.if %cond3A_351 {
          %dma_wait3A_365 = arith.constant 2 : i32
          %dma_wait3A_366 = arith.constant 0 : i32
          %dma_wait3A_367 = arith.constant 0 : i32
          %dma_wait3A_368 = arith.constant 0 : i32
          %dma_wait3A_369 = tpu.memref_slice %arg13[%dma_wait3A_365, %dma_wait3A_367, %dma_wait3A_368] : memref<5x128x64xf32, #tpu.memory_space<vmem>> -> memref<1x128x64xf32, #tpu.memory_space<vmem>>
          %dma_wait3A_370 = tpu.memref_squeeze %dma_wait3A_369 : memref<1x128x64xf32, #tpu.memory_space<vmem>> -> memref<128x64xf32, #tpu.memory_space<vmem>>
          %dma_wait3A_371 = arith.constant 0 : i32
          %dma_wait3A_372 = tpu.memref_slice %arg12[%dma_wait3A_366, %dma_wait3A_371] : memref<80x128xi32, #tpu.memory_space<vmem>> -> memref<1x128xi32, #tpu.memory_space<vmem>>
          %dma_wait3A_373 = tpu.memref_squeeze %dma_wait3A_372 : memref<1x128xi32, #tpu.memory_space<vmem>> -> memref<128xi32, #tpu.memory_space<vmem>>
          %dma_wait3A_374 = arith.constant 0 : i32
          %dma_wait3A_375 = arith.constant 0 : i32
          %dma_wait3A_376 = tpu.memref_slice %arg10[%dma_wait3A_374, %dma_wait3A_375] : memref<10240x64xf32, #tpu.memory_space<vmem_shared>> -> memref<10240x64xf32, #tpu.memory_space<vmem_shared>>
          tpu.wait_indirect_dma semaphore(%arg16 : memref<!tpu.dma_semaphore, #tpu.memory_space<semaphore_mem>>) src(%dma_wait3A_370 : memref<128x64xf32, #tpu.memory_space<vmem>>) dst(%dma_wait3A_376 : memref<10240x64xf32, #tpu.memory_space<vmem_shared>>)
          %dma_wait3A_377 = arith.constant 0 : i32
          %dma_wait3A_378 = arith.constant 0 : i32
          %dma_wait3A_379 = tpu.memref_slice %arg12[%dma_wait3A_377, %dma_wait3A_378] : memref<80x128xi32, #tpu.memory_space<vmem>> -> memref<1x128xi32, #tpu.memory_space<vmem>>
          %dma_wait3A_380 = tpu.memref_squeeze %dma_wait3A_379 : memref<1x128xi32, #tpu.memory_space<vmem>> -> memref<128xi32, #tpu.memory_space<vmem>>
          %dma_wait3A_381 = arith.constant 0 : i32
          %dma_wait3A_382 = arith.constant 0 : i32
          %dma_wait3A_383 = tpu.memref_slice %arg19[%dma_wait3A_381, %dma_wait3A_382] : memref<10240x8xf32, #tpu.memory_space<vmem_shared>> -> memref<10240x8xf32, #tpu.memory_space<vmem_shared>>
          tpu.wait_indirect_dma semaphore(%arg16 : memref<!tpu.dma_semaphore, #tpu.memory_space<semaphore_mem>>) src(%arg20 : memref<128x8xf32, #tpu.memory_space<vmem>>) dst(%dma_wait3A_383 : memref<10240x8xf32, #tpu.memory_space<vmem_shared>>)
        } else {
        }
        %add3A_352 = arith.constant 3 : i32
        %add3A_353 = arith.addi %add3A_311, %add3A_352 : i32
        %dma_start3A_354 = arith.constant 2 : i32
        %dma_start3A_355 = arith.constant 0 : i32
        %dma_start3A_356 = arith.constant 0 : i32
        %dma_start3A_357 = tpu.memref_slice %arg13[%dma_start3A_354, %dma_start3A_355, %dma_start3A_356] : memref<5x128x64xf32, #tpu.memory_space<vmem>> -> memref<1x128x64xf32, #tpu.memory_space<vmem>>
        %dma_start3A_358 = tpu.memref_squeeze %dma_start3A_357 : memref<1x128x64xf32, #tpu.memory_space<vmem>> -> memref<128x64xf32, #tpu.memory_space<vmem>>
        %dma_start3A_359 = arith.constant 0 : i32
        %dma_start3A_360 = tpu.memref_slice %arg11[%add3A_353, %dma_start3A_359] : memref<80x128xi32, #tpu.memory_space<vmem>> -> memref<1x128xi32, #tpu.memory_space<vmem>>
        %dma_start3A_361 = tpu.memref_squeeze %dma_start3A_360 : memref<1x128xi32, #tpu.memory_space<vmem>> -> memref<128xi32, #tpu.memory_space<vmem>>
        %dma_start3A_362 = arith.constant 0 : i32
        %dma_start3A_363 = arith.constant 0 : i32
        %dma_start3A_364 = tpu.memref_slice %arg2[%dma_start3A_362, %dma_start3A_363] : memref<10000x64xf32, #tpu.memory_space<hbm>> -> memref<10000x64xf32, #tpu.memory_space<hbm>>
        tpu.enqueue_indirect_dma source(%dma_start3A_364 : memref<10000x64xf32, #tpu.memory_space<hbm>>) target(%dma_start3A_358 : memref<128x64xf32, #tpu.memory_space<vmem>>) offsets(%dma_start3A_361 : memref<128xi32, #tpu.memory_space<vmem>>) semaphore(%arg16 : memref<!tpu.dma_semaphore, #tpu.memory_space<semaphore_mem>>)
      } else {
      }
      %dma_wait3A_319 = arith.constant 0 : i32
      %dma_wait3A_320 = arith.constant 4 : i32
      %dma_wait3A_321 = arith.constant 0 : i32
      %dma_wait3A_322 = arith.constant 0 : i32
      %dma_wait3A_323 = tpu.memref_slice %arg13[%dma_wait3A_320, %dma_wait3A_321, %dma_wait3A_322] : memref<5x128x64xf32, #tpu.memory_space<vmem>> -> memref<1x128x64xf32, #tpu.memory_space<vmem>>
      %dma_wait3A_324 = tpu.memref_squeeze %dma_wait3A_323 : memref<1x128x64xf32, #tpu.memory_space<vmem>> -> memref<128x64xf32, #tpu.memory_space<vmem>>
      %dma_wait3A_325 = arith.constant 0 : i32
      %dma_wait3A_326 = tpu.memref_slice %arg11[%dma_wait3A_319, %dma_wait3A_325] : memref<80x128xi32, #tpu.memory_space<vmem>> -> memref<1x128xi32, #tpu.memory_space<vmem>>
      %dma_wait3A_327 = tpu.memref_squeeze %dma_wait3A_326 : memref<1x128xi32, #tpu.memory_space<vmem>> -> memref<128xi32, #tpu.memory_space<vmem>>
      %dma_wait3A_328 = arith.constant 0 : i32
      %dma_wait3A_329 = arith.constant 0 : i32
      %dma_wait3A_330 = tpu.memref_slice %arg2[%dma_wait3A_328, %dma_wait3A_329] : memref<10000x64xf32, #tpu.memory_space<hbm>> -> memref<10000x64xf32, #tpu.memory_space<hbm>>
      tpu.wait_indirect_dma semaphore(%arg18 : memref<!tpu.dma_semaphore, #tpu.memory_space<semaphore_mem>>) src(%dma_wait3A_330 : memref<10000x64xf32, #tpu.memory_space<hbm>>) dst(%dma_wait3A_324 : memref<128x64xf32, #tpu.memory_space<vmem>>)
      %dma_start3A_331 = arith.constant 4 : i32
      %dma_start3A_332 = arith.constant 0 : i32
      %dma_start3A_333 = arith.constant 0 : i32
      %dma_start3A_334 = tpu.memref_slice %arg13[%dma_start3A_331, %dma_start3A_332, %dma_start3A_333] : memref<5x128x64xf32, #tpu.memory_space<vmem>> -> memref<1x128x64xf32, #tpu.memory_space<vmem>>
      %dma_start3A_335 = tpu.memref_squeeze %dma_start3A_334 : memref<1x128x64xf32, #tpu.memory_space<vmem>> -> memref<128x64xf32, #tpu.memory_space<vmem>>
      %dma_start3A_336 = arith.constant 0 : i32
      %dma_start3A_337 = tpu.memref_slice %arg12[%add3A_311, %dma_start3A_336] : memref<80x128xi32, #tpu.memory_space<vmem>> -> memref<1x128xi32, #tpu.memory_space<vmem>>
      %dma_start3A_338 = tpu.memref_squeeze %dma_start3A_337 : memref<1x128xi32, #tpu.memory_space<vmem>> -> memref<128xi32, #tpu.memory_space<vmem>>
      %dma_start3A_339 = arith.constant 0 : i32
      %dma_start3A_340 = arith.constant 0 : i32
      %dma_start3A_341 = tpu.memref_slice %arg10[%dma_start3A_339, %dma_start3A_340] : memref<10240x64xf32, #tpu.memory_space<vmem_shared>> -> memref<10240x64xf32, #tpu.memory_space<vmem_shared>>
      tpu.enqueue_indirect_dma source(%dma_start3A_335 : memref<128x64xf32, #tpu.memory_space<vmem>>) target(%dma_start3A_341 : memref<10240x64xf32, #tpu.memory_space<vmem_shared>>) offsets(%dma_start3A_338 : memref<128xi32, #tpu.memory_space<vmem>>) semaphore(%arg18 : memref<!tpu.dma_semaphore, #tpu.memory_space<semaphore_mem>>) {add = true}
      %dma_start3A_342 = arith.constant 0 : i32
      %dma_start3A_343 = tpu.memref_slice %arg12[%add3A_311, %dma_start3A_342] : memref<80x128xi32, #tpu.memory_space<vmem>> -> memref<1x128xi32, #tpu.memory_space<vmem>>
      %dma_start3A_344 = tpu.memref_squeeze %dma_start3A_343 : memref<1x128xi32, #tpu.memory_space<vmem>> -> memref<128xi32, #tpu.memory_space<vmem>>
      %dma_start3A_345 = arith.constant 0 : i32
      %dma_start3A_346 = arith.constant 0 : i32
      %dma_start3A_347 = tpu.memref_slice %arg19[%dma_start3A_345, %dma_start3A_346] : memref<10240x8xf32, #tpu.memory_space<vmem_shared>> -> memref<10240x8xf32, #tpu.memory_space<vmem_shared>>
      tpu.enqueue_indirect_dma source(%arg20 : memref<128x8xf32, #tpu.memory_space<vmem>>) target(%dma_start3A_347 : memref<10240x8xf32, #tpu.memory_space<vmem_shared>>) offsets(%dma_start3A_344 : memref<128xi32, #tpu.memory_space<vmem>>) semaphore(%arg18 : memref<!tpu.dma_semaphore, #tpu.memory_space<semaphore_mem>>) {add = true}
    }
    %scan3A_52 = arith.constant 16 : i32
    %dma_wait3A = arith.constant 0 : i32
    %dma_wait3A_53 = arith.constant 0 : i32
    %dma_wait3A_54 = arith.constant 0 : i32
    %dma_wait3A_55 = arith.constant 0 : i32
    %dma_wait3A_56 = tpu.memref_slice %arg13[%dma_wait3A, %dma_wait3A_54, %dma_wait3A_55] : memref<5x128x64xf32, #tpu.memory_space<vmem>> -> memref<1x128x64xf32, #tpu.memory_space<vmem>>
    %dma_wait3A_57 = tpu.memref_squeeze %dma_wait3A_56 : memref<1x128x64xf32, #tpu.memory_space<vmem>> -> memref<128x64xf32, #tpu.memory_space<vmem>>
    %dma_wait3A_58 = arith.constant 0 : i32
    %dma_wait3A_59 = tpu.memref_slice %arg12[%dma_wait3A_53, %dma_wait3A_58] : memref<80x128xi32, #tpu.memory_space<vmem>> -> memref<1x128xi32, #tpu.memory_space<vmem>>
    %dma_wait3A_60 = tpu.memref_squeeze %dma_wait3A_59 : memref<1x128xi32, #tpu.memory_space<vmem>> -> memref<128xi32, #tpu.memory_space<vmem>>
    %dma_wait3A_61 = arith.constant 0 : i32
    %dma_wait3A_62 = arith.constant 0 : i32
    %dma_wait3A_63 = tpu.memref_slice %arg10[%dma_wait3A_61, %dma_wait3A_62] : memref<10240x64xf32, #tpu.memory_space<vmem_shared>> -> memref<10240x64xf32, #tpu.memory_space<vmem_shared>>
    tpu.wait_indirect_dma semaphore(%arg14 : memref<!tpu.dma_semaphore, #tpu.memory_space<semaphore_mem>>) src(%dma_wait3A_57 : memref<128x64xf32, #tpu.memory_space<vmem>>) dst(%dma_wait3A_63 : memref<10240x64xf32, #tpu.memory_space<vmem_shared>>)
    %dma_wait3A_64 = arith.constant 0 : i32
    %dma_wait3A_65 = arith.constant 0 : i32
    %dma_wait3A_66 = tpu.memref_slice %arg12[%dma_wait3A_64, %dma_wait3A_65] : memref<80x128xi32, #tpu.memory_space<vmem>> -> memref<1x128xi32, #tpu.memory_space<vmem>>
    %dma_wait3A_67 = tpu.memref_squeeze %dma_wait3A_66 : memref<1x128xi32, #tpu.memory_space<vmem>> -> memref<128xi32, #tpu.memory_space<vmem>>
    %dma_wait3A_68 = arith.constant 0 : i32
    %dma_wait3A_69 = arith.constant 0 : i32
    %dma_wait3A_70 = tpu.memref_slice %arg19[%dma_wait3A_68, %dma_wait3A_69] : memref<10240x8xf32, #tpu.memory_space<vmem_shared>> -> memref<10240x8xf32, #tpu.memory_space<vmem_shared>>
    tpu.wait_indirect_dma semaphore(%arg14 : memref<!tpu.dma_semaphore, #tpu.memory_space<semaphore_mem>>) src(%arg20 : memref<128x8xf32, #tpu.memory_space<vmem>>) dst(%dma_wait3A_70 : memref<10240x8xf32, #tpu.memory_space<vmem_shared>>)
    %dma_wait3A_71 = arith.constant 1 : i32
    %dma_wait3A_72 = arith.constant 0 : i32
    %dma_wait3A_73 = arith.constant 0 : i32
    %dma_wait3A_74 = arith.constant 0 : i32
    %dma_wait3A_75 = tpu.memref_slice %arg13[%dma_wait3A_71, %dma_wait3A_73, %dma_wait3A_74] : memref<5x128x64xf32, #tpu.memory_space<vmem>> -> memref<1x128x64xf32, #tpu.memory_space<vmem>>
    %dma_wait3A_76 = tpu.memref_squeeze %dma_wait3A_75 : memref<1x128x64xf32, #tpu.memory_space<vmem>> -> memref<128x64xf32, #tpu.memory_space<vmem>>
    %dma_wait3A_77 = arith.constant 0 : i32
    %dma_wait3A_78 = tpu.memref_slice %arg12[%dma_wait3A_72, %dma_wait3A_77] : memref<80x128xi32, #tpu.memory_space<vmem>> -> memref<1x128xi32, #tpu.memory_space<vmem>>
    %dma_wait3A_79 = tpu.memref_squeeze %dma_wait3A_78 : memref<1x128xi32, #tpu.memory_space<vmem>> -> memref<128xi32, #tpu.memory_space<vmem>>
    %dma_wait3A_80 = arith.constant 0 : i32
    %dma_wait3A_81 = arith.constant 0 : i32
    %dma_wait3A_82 = tpu.memref_slice %arg10[%dma_wait3A_80, %dma_wait3A_81] : memref<10240x64xf32, #tpu.memory_space<vmem_shared>> -> memref<10240x64xf32, #tpu.memory_space<vmem_shared>>
    tpu.wait_indirect_dma semaphore(%arg15 : memref<!tpu.dma_semaphore, #tpu.memory_space<semaphore_mem>>) src(%dma_wait3A_76 : memref<128x64xf32, #tpu.memory_space<vmem>>) dst(%dma_wait3A_82 : memref<10240x64xf32, #tpu.memory_space<vmem_shared>>)
    %dma_wait3A_83 = arith.constant 0 : i32
    %dma_wait3A_84 = arith.constant 0 : i32
    %dma_wait3A_85 = tpu.memref_slice %arg12[%dma_wait3A_83, %dma_wait3A_84] : memref<80x128xi32, #tpu.memory_space<vmem>> -> memref<1x128xi32, #tpu.memory_space<vmem>>
    %dma_wait3A_86 = tpu.memref_squeeze %dma_wait3A_85 : memref<1x128xi32, #tpu.memory_space<vmem>> -> memref<128xi32, #tpu.memory_space<vmem>>
    %dma_wait3A_87 = arith.constant 0 : i32
    %dma_wait3A_88 = arith.constant 0 : i32
    %dma_wait3A_89 = tpu.memref_slice %arg19[%dma_wait3A_87, %dma_wait3A_88] : memref<10240x8xf32, #tpu.memory_space<vmem_shared>> -> memref<10240x8xf32, #tpu.memory_space<vmem_shared>>
    tpu.wait_indirect_dma semaphore(%arg15 : memref<!tpu.dma_semaphore, #tpu.memory_space<semaphore_mem>>) src(%arg20 : memref<128x8xf32, #tpu.memory_space<vmem>>) dst(%dma_wait3A_89 : memref<10240x8xf32, #tpu.memory_space<vmem_shared>>)
    %dma_wait3A_90 = arith.constant 2 : i32
    %dma_wait3A_91 = arith.constant 0 : i32
    %dma_wait3A_92 = arith.constant 0 : i32
    %dma_wait3A_93 = arith.constant 0 : i32
    %dma_wait3A_94 = tpu.memref_slice %arg13[%dma_wait3A_90, %dma_wait3A_92, %dma_wait3A_93] : memref<5x128x64xf32, #tpu.memory_space<vmem>> -> memref<1x128x64xf32, #tpu.memory_space<vmem>>
    %dma_wait3A_95 = tpu.memref_squeeze %dma_wait3A_94 : memref<1x128x64xf32, #tpu.memory_space<vmem>> -> memref<128x64xf32, #tpu.memory_space<vmem>>
    %dma_wait3A_96 = arith.constant 0 : i32
    %dma_wait3A_97 = tpu.memref_slice %arg12[%dma_wait3A_91, %dma_wait3A_96] : memref<80x128xi32, #tpu.memory_space<vmem>> -> memref<1x128xi32, #tpu.memory_space<vmem>>
    %dma_wait3A_98 = tpu.memref_squeeze %dma_wait3A_97 : memref<1x128xi32, #tpu.memory_space<vmem>> -> memref<128xi32, #tpu.memory_space<vmem>>
    %dma_wait3A_99 = arith.constant 0 : i32
    %dma_wait3A_100 = arith.constant 0 : i32
    %dma_wait3A_101 = tpu.memref_slice %arg10[%dma_wait3A_99, %dma_wait3A_100] : memref<10240x64xf32, #tpu.memory_space<vmem_shared>> -> memref<10240x64xf32, #tpu.memory_space<vmem_shared>>
    tpu.wait_indirect_dma semaphore(%arg16 : memref<!tpu.dma_semaphore, #tpu.memory_space<semaphore_mem>>) src(%dma_wait3A_95 : memref<128x64xf32, #tpu.memory_space<vmem>>) dst(%dma_wait3A_101 : memref<10240x64xf32, #tpu.memory_space<vmem_shared>>)
    %dma_wait3A_102 = arith.constant 0 : i32
    %dma_wait3A_103 = arith.constant 0 : i32
    %dma_wait3A_104 = tpu.memref_slice %arg12[%dma_wait3A_102, %dma_wait3A_103] : memref<80x128xi32, #tpu.memory_space<vmem>> -> memref<1x128xi32, #tpu.memory_space<vmem>>
    %dma_wait3A_105 = tpu.memref_squeeze %dma_wait3A_104 : memref<1x128xi32, #tpu.memory_space<vmem>> -> memref<128xi32, #tpu.memory_space<vmem>>
    %dma_wait3A_106 = arith.constant 0 : i32
    %dma_wait3A_107 = arith.constant 0 : i32
    %dma_wait3A_108 = tpu.memref_slice %arg19[%dma_wait3A_106, %dma_wait3A_107] : memref<10240x8xf32, #tpu.memory_space<vmem_shared>> -> memref<10240x8xf32, #tpu.memory_space<vmem_shared>>
    tpu.wait_indirect_dma semaphore(%arg16 : memref<!tpu.dma_semaphore, #tpu.memory_space<semaphore_mem>>) src(%arg20 : memref<128x8xf32, #tpu.memory_space<vmem>>) dst(%dma_wait3A_108 : memref<10240x8xf32, #tpu.memory_space<vmem_shared>>)
    %dma_wait3A_109 = arith.constant 3 : i32
    %dma_wait3A_110 = arith.constant 0 : i32
    %dma_wait3A_111 = arith.constant 0 : i32
    %dma_wait3A_112 = arith.constant 0 : i32
    %dma_wait3A_113 = tpu.memref_slice %arg13[%dma_wait3A_109, %dma_wait3A_111, %dma_wait3A_112] : memref<5x128x64xf32, #tpu.memory_space<vmem>> -> memref<1x128x64xf32, #tpu.memory_space<vmem>>
    %dma_wait3A_114 = tpu.memref_squeeze %dma_wait3A_113 : memref<1x128x64xf32, #tpu.memory_space<vmem>> -> memref<128x64xf32, #tpu.memory_space<vmem>>
    %dma_wait3A_115 = arith.constant 0 : i32
    %dma_wait3A_116 = tpu.memref_slice %arg12[%dma_wait3A_110, %dma_wait3A_115] : memref<80x128xi32, #tpu.memory_space<vmem>> -> memref<1x128xi32, #tpu.memory_space<vmem>>
    %dma_wait3A_117 = tpu.memref_squeeze %dma_wait3A_116 : memref<1x128xi32, #tpu.memory_space<vmem>> -> memref<128xi32, #tpu.memory_space<vmem>>
    %dma_wait3A_118 = arith.constant 0 : i32
    %dma_wait3A_119 = arith.constant 0 : i32
    %dma_wait3A_120 = tpu.memref_slice %arg10[%dma_wait3A_118, %dma_wait3A_119] : memref<10240x64xf32, #tpu.memory_space<vmem_shared>> -> memref<10240x64xf32, #tpu.memory_space<vmem_shared>>
    tpu.wait_indirect_dma semaphore(%arg17 : memref<!tpu.dma_semaphore, #tpu.memory_space<semaphore_mem>>) src(%dma_wait3A_114 : memref<128x64xf32, #tpu.memory_space<vmem>>) dst(%dma_wait3A_120 : memref<10240x64xf32, #tpu.memory_space<vmem_shared>>)
    %dma_wait3A_121 = arith.constant 0 : i32
    %dma_wait3A_122 = arith.constant 0 : i32
    %dma_wait3A_123 = tpu.memref_slice %arg12[%dma_wait3A_121, %dma_wait3A_122] : memref<80x128xi32, #tpu.memory_space<vmem>> -> memref<1x128xi32, #tpu.memory_space<vmem>>
    %dma_wait3A_124 = tpu.memref_squeeze %dma_wait3A_123 : memref<1x128xi32, #tpu.memory_space<vmem>> -> memref<128xi32, #tpu.memory_space<vmem>>
    %dma_wait3A_125 = arith.constant 0 : i32
    %dma_wait3A_126 = arith.constant 0 : i32
    %dma_wait3A_127 = tpu.memref_slice %arg19[%dma_wait3A_125, %dma_wait3A_126] : memref<10240x8xf32, #tpu.memory_space<vmem_shared>> -> memref<10240x8xf32, #tpu.memory_space<vmem_shared>>
    tpu.wait_indirect_dma semaphore(%arg17 : memref<!tpu.dma_semaphore, #tpu.memory_space<semaphore_mem>>) src(%arg20 : memref<128x8xf32, #tpu.memory_space<vmem>>) dst(%dma_wait3A_127 : memref<10240x8xf32, #tpu.memory_space<vmem_shared>>)
    %dma_wait3A_128 = arith.constant 4 : i32
    %dma_wait3A_129 = arith.constant 0 : i32
    %dma_wait3A_130 = arith.constant 0 : i32
    %dma_wait3A_131 = arith.constant 0 : i32
    %dma_wait3A_132 = tpu.memref_slice %arg13[%dma_wait3A_128, %dma_wait3A_130, %dma_wait3A_131] : memref<5x128x64xf32, #tpu.memory_space<vmem>> -> memref<1x128x64xf32, #tpu.memory_space<vmem>>
    %dma_wait3A_133 = tpu.memref_squeeze %dma_wait3A_132 : memref<1x128x64xf32, #tpu.memory_space<vmem>> -> memref<128x64xf32, #tpu.memory_space<vmem>>
    %dma_wait3A_134 = arith.constant 0 : i32
    %dma_wait3A_135 = tpu.memref_slice %arg12[%dma_wait3A_129, %dma_wait3A_134] : memref<80x128xi32, #tpu.memory_space<vmem>> -> memref<1x128xi32, #tpu.memory_space<vmem>>
    %dma_wait3A_136 = tpu.memref_squeeze %dma_wait3A_135 : memref<1x128xi32, #tpu.memory_space<vmem>> -> memref<128xi32, #tpu.memory_space<vmem>>
    %dma_wait3A_137 = arith.constant 0 : i32
    %dma_wait3A_138 = arith.constant 0 : i32
    %dma_wait3A_139 = tpu.memref_slice %arg10[%dma_wait3A_137, %dma_wait3A_138] : memref<10240x64xf32, #tpu.memory_space<vmem_shared>> -> memref<10240x64xf32, #tpu.memory_space<vmem_shared>>
    tpu.wait_indirect_dma semaphore(%arg18 : memref<!tpu.dma_semaphore, #tpu.memory_space<semaphore_mem>>) src(%dma_wait3A_133 : memref<128x64xf32, #tpu.memory_space<vmem>>) dst(%dma_wait3A_139 : memref<10240x64xf32, #tpu.memory_space<vmem_shared>>)
    %dma_wait3A_140 = arith.constant 0 : i32
    %dma_wait3A_141 = arith.constant 0 : i32
    %dma_wait3A_142 = tpu.memref_slice %arg12[%dma_wait3A_140, %dma_wait3A_141] : memref<80x128xi32, #tpu.memory_space<vmem>> -> memref<1x128xi32, #tpu.memory_space<vmem>>
    %dma_wait3A_143 = tpu.memref_squeeze %dma_wait3A_142 : memref<1x128xi32, #tpu.memory_space<vmem>> -> memref<128xi32, #tpu.memory_space<vmem>>
    %dma_wait3A_144 = arith.constant 0 : i32
    %dma_wait3A_145 = arith.constant 0 : i32
    %dma_wait3A_146 = tpu.memref_slice %arg19[%dma_wait3A_144, %dma_wait3A_145] : memref<10240x8xf32, #tpu.memory_space<vmem_shared>> -> memref<10240x8xf32, #tpu.memory_space<vmem_shared>>
    tpu.wait_indirect_dma semaphore(%arg18 : memref<!tpu.dma_semaphore, #tpu.memory_space<semaphore_mem>>) src(%arg20 : memref<128x8xf32, #tpu.memory_space<vmem>>) dst(%dma_wait3A_146 : memref<10240x8xf32, #tpu.memory_space<vmem_shared>>)
    %barrier3A_147 = arith.constant 0 : index
    tpu.barrier barrier_id(%barrier3A_147)
    "tpu.region"() ({
      %run_scoped3A = tpu.sem_alloc : memref<!tpu.dma_semaphore, #tpu.memory_space<semaphore_mem>>
      %dma_start3A_148 = arith.constant 0 : i32
      %dma_start3A_149 = tpu.memref_slice %arg8[%arg0, %mul3A_0, %dma_start3A_148] : memref<2x10240x64xf32, #tpu.memory_space<hbm>> -> memref<1x640x64xf32, #tpu.memory_space<hbm>>
      %dma_start3A_150 = tpu.memref_squeeze %dma_start3A_149 : memref<1x640x64xf32, #tpu.memory_space<hbm>> -> memref<640x64xf32, #tpu.memory_space<hbm>>
      %dma_start3A_151 = arith.constant 0 : i32
      %dma_start3A_152 = tpu.memref_slice %arg10[%mul3A_0, %dma_start3A_151] : memref<10240x64xf32, #tpu.memory_space<vmem_shared>> -> memref<640x64xf32, #tpu.memory_space<vmem_shared>>
      tpu.enqueue_dma source(%dma_start3A_152 : memref<640x64xf32, #tpu.memory_space<vmem_shared>>) target(%dma_start3A_150 : memref<640x64xf32, #tpu.memory_space<hbm>>) target_semaphore(%run_scoped3A : memref<!tpu.dma_semaphore, #tpu.memory_space<semaphore_mem>>)
      %dma_wait3A_153 = arith.constant 0 : i32
      %dma_wait3A_154 = tpu.memref_slice %arg8[%arg0, %mul3A_0, %dma_wait3A_153] : memref<2x10240x64xf32, #tpu.memory_space<hbm>> -> memref<1x640x64xf32, #tpu.memory_space<hbm>>
      %dma_wait3A_155 = tpu.memref_squeeze %dma_wait3A_154 : memref<1x640x64xf32, #tpu.memory_space<hbm>> -> memref<640x64xf32, #tpu.memory_space<hbm>>
      %dma_wait3A_156 = arith.constant 0 : i32
      %dma_wait3A_157 = tpu.memref_slice %arg10[%mul3A_0, %dma_wait3A_156] : memref<10240x64xf32, #tpu.memory_space<vmem_shared>> -> memref<640x64xf32, #tpu.memory_space<vmem_shared>>
      tpu.wait_dma2 semaphore(%run_scoped3A : memref<!tpu.dma_semaphore, #tpu.memory_space<semaphore_mem>>) src(%dma_wait3A_157 : memref<640x64xf32, #tpu.memory_space<vmem_shared>>) dst(%dma_wait3A_155 : memref<640x64xf32, #tpu.memory_space<hbm>>)
      tpu.yield
    }) : () -> ()
    "tpu.region"() ({
      %run_scoped3A = tpu.sem_alloc : memref<!tpu.dma_semaphore, #tpu.memory_space<semaphore_mem>>
      %dma_start3A_148 = arith.constant 0 : i32
      %dma_start3A_149 = tpu.memref_slice %arg9[%arg0, %mul3A_0, %dma_start3A_148] : memref<2x10240x8xf32, #tpu.memory_space<hbm>> -> memref<1x640x8xf32, #tpu.memory_space<hbm>>
      %dma_start3A_150 = tpu.memref_squeeze %dma_start3A_149 : memref<1x640x8xf32, #tpu.memory_space<hbm>> -> memref<640x8xf32, #tpu.memory_space<hbm>>
      %dma_start3A_151 = arith.constant 0 : i32
      %dma_start3A_152 = tpu.memref_slice %arg19[%mul3A_0, %dma_start3A_151] : memref<10240x8xf32, #tpu.memory_space<vmem_shared>> -> memref<640x8xf32, #tpu.memory_space<vmem_shared>>
      tpu.enqueue_dma source(%dma_start3A_152 : memref<640x8xf32, #tpu.memory_space<vmem_shared>>) target(%dma_start3A_150 : memref<640x8xf32, #tpu.memory_space<hbm>>) target_semaphore(%run_scoped3A : memref<!tpu.dma_semaphore, #tpu.memory_space<semaphore_mem>>)
      %dma_wait3A_153 = arith.constant 0 : i32
      %dma_wait3A_154 = tpu.memref_slice %arg9[%arg0, %mul3A_0, %dma_wait3A_153] : memref<2x10240x8xf32, #tpu.memory_space<hbm>> -> memref<1x640x8xf32, #tpu.memory_space<hbm>>
      %dma_wait3A_155 = tpu.memref_squeeze %dma_wait3A_154 : memref<1x640x8xf32, #tpu.memory_space<hbm>> -> memref<640x8xf32, #tpu.memory_space<hbm>>
      %dma_wait3A_156 = arith.constant 0 : i32
      %dma_wait3A_157 = tpu.memref_slice %arg19[%mul3A_0, %dma_wait3A_156] : memref<10240x8xf32, #tpu.memory_space<vmem_shared>> -> memref<640x8xf32, #tpu.memory_space<vmem_shared>>
      tpu.wait_dma2 semaphore(%run_scoped3A : memref<!tpu.dma_semaphore, #tpu.memory_space<semaphore_mem>>) src(%dma_wait3A_157 : memref<640x8xf32, #tpu.memory_space<vmem_shared>>) dst(%dma_wait3A_155 : memref<640x8xf32, #tpu.memory_space<hbm>>)
      tpu.yield
    }) : () -> ()
    return
  }
}

module attributes {stable_mosaic.version = 14 : i64} {
  func.func @_embed_body(%arg0: i32, %arg1: memref<1xi32, #tpu.memory_space<smem>>, %arg2: memref<2000x128xf32, #tpu.memory_space<vmem>>, %arg3: memref<128x64xf32, #tpu.memory_space<vmem>>, %arg4: memref<1x64xf32, #tpu.memory_space<vmem>>, %arg5: memref<1x64xf32, #tpu.memory_space<vmem>>, %arg6: memref<2000x64xf32, #tpu.memory_space<vmem>>, %arg7: memref<2000x64xf32, #tpu.memory_space<vmem>>) attributes {dimension_semantics = [#tpu.dimension_semantics<arbitrary>], iteration_bounds = array<i64: 5>, scalar_prefetch = 0 : i64, scratch_operands = 0 : i64, tpu.core_type = #tpu.core_type<tc>, window_params = [{transform_indices = @transform_0, window_bounds = array<i64: 1>}, {transform_indices = @transform_1, window_bounds = array<i64: 2000, 128>}, {pipeline_mode = #tpu.pipeline_mode<synchronous>, transform_indices = @transform_2, window_bounds = array<i64: 128, 64>}, {pipeline_mode = #tpu.pipeline_mode<synchronous>, transform_indices = @transform_3, window_bounds = array<i64: 1, 64>}, {pipeline_mode = #tpu.pipeline_mode<synchronous>, transform_indices = @transform_4, window_bounds = array<i64: 1, 64>}, {transform_indices = @transform_5, window_bounds = array<i64: 2000, 64>}, {transform_indices = @transform_6, window_bounds = array<i64: 2000, 64>}]} {
    %get3A = arith.constant 0 : index
    %get3A_0 = arith.constant 0 : index
    %get3A_1 = vector.load %arg2[%get3A, %get3A_0] : memref<2000x128xf32, #tpu.memory_space<vmem>>, vector<2000x128xf32>
    %get3A_2 = arith.constant 0 : index
    %get3A_3 = arith.constant 0 : index
    %get3A_4 = vector.load %arg3[%get3A_2, %get3A_3] : memref<128x64xf32, #tpu.memory_space<vmem>>, vector<128x64xf32>
    %dot_general3A = arith.constant dense<0.000000e+00> : vector<2000x64xf32>
    %dot_general3A_5 = tpu.matmul %get3A_1, %get3A_4, %dot_general3A {dimension_numbers = #tpu.dot_dimension_numbers<[1], [0], [0], [1], [0, 0, 1, 1], [], []>, precision = #tpu.contract_precision<fp32>, transpose_lhs_hint = false} : vector<2000x128xf32>, vector<128x64xf32>, vector<2000x64xf32> -> vector<2000x64xf32>
    %get3A_6 = arith.constant 0 : index
    %get3A_7 = arith.constant 0 : index
    %get3A_8 = vector.load %arg4[%get3A_6, %get3A_7] : memref<1x64xf32, #tpu.memory_space<vmem>>, vector<1x64xf32>
    %add3A = vector.broadcast %get3A_8 : vector<1x64xf32> to vector<2000x64xf32>
    %add3A_9 = arith.addf %dot_general3A_5, %add3A : vector<2000x64xf32>
    %mul3A = arith.constant 2000 : i32
    %mul3A_10 = arith.muli %arg0, %mul3A : i32
    %iota3A = tpu.iota {dimensions = array<i32: 0>} : vector<2000x1xi32>
    %add3A_11 = vector.broadcast %mul3A_10 : i32 to vector<2000x1xi32>
    %add3A_12 = arith.addi %add3A_11, %iota3A : vector<2000x1xi32>
    %get3A_13 = arith.constant 0 : index
    %get3A_14 = memref.load %arg1[%get3A_13] : memref<1xi32, #tpu.memory_space<smem>>
    %eq3A = vector.broadcast %get3A_14 : i32 to vector<2000x1xi32>
    %eq3A_15 = arith.cmpi eq, %add3A_12, %eq3A : vector<2000x1xi32>
    %jit3A = arith.constant 1.000000e+00 : f32
    %jit3A_16 = arith.constant 0.000000e+00 : f32
    %broadcast_in_dim3A = vector.broadcast %jit3A : f32 to vector<2000x1xf32>
    %broadcast_in_dim3A_17 = vector.broadcast %jit3A_16 : f32 to vector<2000x1xf32>
    %select_n3A = arith.select %eq3A_15, %broadcast_in_dim3A, %broadcast_in_dim3A_17 : vector<2000x1xi1>, vector<2000x1xf32>
    %get3A_18 = arith.constant 0 : index
    %get3A_19 = arith.constant 0 : index
    %get3A_20 = vector.load %arg5[%get3A_18, %get3A_19] : memref<1x64xf32, #tpu.memory_space<vmem>>, vector<1x64xf32>
    %mul3A_21 = vector.broadcast %select_n3A : vector<2000x1xf32> to vector<2000x64xf32>
    %mul3A_22 = vector.broadcast %get3A_20 : vector<1x64xf32> to vector<2000x64xf32>
    %mul3A_23 = arith.mulf %mul3A_21, %mul3A_22 : vector<2000x64xf32>
    %add3A_24 = arith.addf %add3A_9, %mul3A_23 : vector<2000x64xf32>
    %swap3A = arith.constant 0 : index
    %swap3A_25 = arith.constant 0 : index
    %swap3A_26 = vector.load %arg6[%swap3A, %swap3A_25] : memref<2000x64xf32, #tpu.memory_space<vmem>>, vector<2000x64xf32>
    tpu.vector_store %arg6[%swap3A, %swap3A_25], %add3A_24 {strides = array<i32>} : memref<2000x64xf32, #tpu.memory_space<vmem>>, vector<2000x64xf32>,
    %max3A = arith.constant 0.000000e+00 : f32
    %max3A_27 = vector.broadcast %max3A : f32 to vector<2000x64xf32>
    %max3A_28 = arith.maximumf %add3A_24, %max3A_27 : vector<2000x64xf32>
    %swap3A_29 = arith.constant 0 : index
    %swap3A_30 = arith.constant 0 : index
    %swap3A_31 = vector.load %arg7[%swap3A_29, %swap3A_30] : memref<2000x64xf32, #tpu.memory_space<vmem>>, vector<2000x64xf32>
    tpu.vector_store %arg7[%swap3A_29, %swap3A_30], %max3A_28 {strides = array<i32>} : memref<2000x64xf32, #tpu.memory_space<vmem>>, vector<2000x64xf32>,
    return
  }
  func.func @transform_0(%arg0: i32) -> i32 {
    %c0_i32 = arith.constant 0 : i32
    %c0_i32_0 = arith.constant 0 : i32
    return %c0_i32 : i32
  }
  func.func @transform_1(%arg0: i32) -> (i32, i32) {
    %c0_i32 = arith.constant 0 : i32
    %c0_i32_0 = arith.constant 0 : i32
    return %arg0, %c0_i32 : i32, i32
  }
  func.func @transform_2(%arg0: i32) -> (i32, i32) {
    %c0_i32 = arith.constant 0 : i32
    %c0_i32_0 = arith.constant 0 : i32
    %c0_i32_1 = arith.constant 0 : i32
    return %c0_i32, %c0_i32_0 : i32, i32
  }
  func.func @transform_3(%arg0: i32) -> (i32, i32) {
    %c0_i32 = arith.constant 0 : i32
    %c0_i32_0 = arith.constant 0 : i32
    %c0_i32_1 = arith.constant 0 : i32
    return %c0_i32, %c0_i32_0 : i32, i32
  }
  func.func @transform_4(%arg0: i32) -> (i32, i32) {
    %c0_i32 = arith.constant 0 : i32
    %c0_i32_0 = arith.constant 0 : i32
    %c0_i32_1 = arith.constant 0 : i32
    return %c0_i32, %c0_i32_0 : i32, i32
  }
  func.func @transform_5(%arg0: i32) -> (i32, i32) {
    %c0_i32 = arith.constant 0 : i32
    %c0_i32_0 = arith.constant 0 : i32
    return %arg0, %c0_i32 : i32, i32
  }
  func.func @transform_6(%arg0: i32) -> (i32, i32) {
    %c0_i32 = arith.constant 0 : i32
    %c0_i32_0 = arith.constant 0 : i32
    return %arg0, %c0_i32 : i32, i32
  }
}

module attributes {stable_mosaic.version = 14 : i64} {
  func.func @_update_body(%arg0: i32, %arg1: memref<2x2000x64xf32, #tpu.memory_space<vmem>>, %arg2: memref<2x2000x8xf32, #tpu.memory_space<vmem>>, %arg3: memref<64x64xf32, #tpu.memory_space<vmem>>, %arg4: memref<1x64xf32, #tpu.memory_space<vmem>>, %arg5: memref<2000x64xf32, #tpu.memory_space<vmem>>, %arg6: memref<2000x64xf32, #tpu.memory_space<vmem>>) attributes {dimension_semantics = [#tpu.dimension_semantics<arbitrary>], iteration_bounds = array<i64: 5>, scalar_prefetch = 0 : i64, scratch_operands = 0 : i64, tpu.core_type = #tpu.core_type<tc>, window_params = [{transform_indices = @transform_0, window_bounds = array<i64: 2, 2000, 64>}, {transform_indices = @transform_1, window_bounds = array<i64: 2, 2000, 8>}, {pipeline_mode = #tpu.pipeline_mode<synchronous>, transform_indices = @transform_2, window_bounds = array<i64: 64, 64>}, {pipeline_mode = #tpu.pipeline_mode<synchronous>, transform_indices = @transform_3, window_bounds = array<i64: 1, 64>}, {transform_indices = @transform_4, window_bounds = array<i64: 2000, 64>}, {transform_indices = @transform_5, window_bounds = array<i64: 2000, 64>}]} {
    %get3A = arith.constant 0 : index
    %get3A_0 = arith.constant 0 : index
    %get3A_1 = arith.constant 0 : index
    %get3A_2 = vector.load %arg1[%get3A, %get3A_0, %get3A_1] : memref<2x2000x64xf32, #tpu.memory_space<vmem>>, vector<1x2000x64xf32>
    %get3A_3 = vector.shape_cast %get3A_2 : vector<1x2000x64xf32> to vector<2000x64xf32>
    %get3A_4 = arith.constant 1 : index
    %get3A_5 = arith.constant 0 : index
    %get3A_6 = arith.constant 0 : index
    %get3A_7 = vector.load %arg1[%get3A_4, %get3A_5, %get3A_6] : memref<2x2000x64xf32, #tpu.memory_space<vmem>>, vector<1x2000x64xf32>
    %get3A_8 = vector.shape_cast %get3A_7 : vector<1x2000x64xf32> to vector<2000x64xf32>
    %add3A = arith.addf %get3A_3, %get3A_8 : vector<2000x64xf32>
    %get3A_9 = arith.constant 0 : index
    %get3A_10 = arith.constant 0 : index
    %get3A_11 = arith.constant 0 : index
    %get3A_12 = vector.load %arg2[%get3A_9, %get3A_10, %get3A_11] : memref<2x2000x8xf32, #tpu.memory_space<vmem>>, vector<1x2000x8xf32>
    %get3A_13 = vector.shape_cast %get3A_12 : vector<1x2000x8xf32> to vector<2000x8xf32>
    %slice3A = vector.extract_strided_slice %get3A_13 {offsets = [0, 0], sizes = [2000, 1], strides = [1, 1]} : vector<2000x8xf32> to vector<2000x1xf32>
    %get3A_14 = arith.constant 1 : index
    %get3A_15 = arith.constant 0 : index
    %get3A_16 = arith.constant 0 : index
    %get3A_17 = vector.load %arg2[%get3A_14, %get3A_15, %get3A_16] : memref<2x2000x8xf32, #tpu.memory_space<vmem>>, vector<1x2000x8xf32>
    %get3A_18 = vector.shape_cast %get3A_17 : vector<1x2000x8xf32> to vector<2000x8xf32>
    %slice3A_19 = vector.extract_strided_slice %get3A_18 {offsets = [0, 0], sizes = [2000, 1], strides = [1, 1]} : vector<2000x8xf32> to vector<2000x1xf32>
    %add3A_20 = arith.addf %slice3A, %slice3A_19 : vector<2000x1xf32>
    %max3A = arith.constant 1.000000e+00 : f32
    %max3A_21 = vector.broadcast %max3A : f32 to vector<2000x1xf32>
    %max3A_22 = arith.maximumf %add3A_20, %max3A_21 : vector<2000x1xf32>
    %div3A = arith.constant 1.000000e+00 : f32
    %div3A_23 = vector.broadcast %div3A : f32 to vector<2000x1xf32>
    %div3A_24 = arith.divf %div3A_23, %max3A_22 : vector<2000x1xf32>
    %mul3A = vector.broadcast %div3A_24 : vector<2000x1xf32> to vector<2000x64xf32>
    %mul3A_25 = arith.mulf %add3A, %mul3A : vector<2000x64xf32>
    %get3A_26 = arith.constant 0 : index
    %get3A_27 = arith.constant 0 : index
    %get3A_28 = vector.load %arg3[%get3A_26, %get3A_27] : memref<64x64xf32, #tpu.memory_space<vmem>>, vector<64x64xf32>
    %dot_general3A = arith.constant dense<0.000000e+00> : vector<2000x64xf32>
    %dot_general3A_29 = tpu.matmul %mul3A_25, %get3A_28, %dot_general3A {dimension_numbers = #tpu.dot_dimension_numbers<[1], [0], [0], [1], [0, 0, 1, 1], [], []>, precision = #tpu.contract_precision<fp32>, transpose_lhs_hint = false} : vector<2000x64xf32>, vector<64x64xf32>, vector<2000x64xf32> -> vector<2000x64xf32>
    %get3A_30 = arith.constant 0 : index
    %get3A_31 = arith.constant 0 : index
    %get3A_32 = vector.load %arg4[%get3A_30, %get3A_31] : memref<1x64xf32, #tpu.memory_space<vmem>>, vector<1x64xf32>
    %add3A_33 = vector.broadcast %get3A_32 : vector<1x64xf32> to vector<2000x64xf32>
    %add3A_34 = arith.addf %dot_general3A_29, %add3A_33 : vector<2000x64xf32>
    %get3A_35 = arith.constant 0 : index
    %get3A_36 = arith.constant 0 : index
    %get3A_37 = vector.load %arg5[%get3A_35, %get3A_36] : memref<2000x64xf32, #tpu.memory_space<vmem>>, vector<2000x64xf32>
    %add3A_38 = arith.addf %add3A_34, %get3A_37 : vector<2000x64xf32>
    %max3A_39 = arith.constant 0.000000e+00 : f32
    %max3A_40 = vector.broadcast %max3A_39 : f32 to vector<2000x64xf32>
    %max3A_41 = arith.maximumf %add3A_38, %max3A_40 : vector<2000x64xf32>
    %swap3A = arith.constant 0 : index
    %swap3A_42 = arith.constant 0 : index
    %swap3A_43 = vector.load %arg6[%swap3A, %swap3A_42] : memref<2000x64xf32, #tpu.memory_space<vmem>>, vector<2000x64xf32>
    tpu.vector_store %arg6[%swap3A, %swap3A_42], %max3A_41 {strides = array<i32>} : memref<2000x64xf32, #tpu.memory_space<vmem>>, vector<2000x64xf32>,
    return
  }
  func.func @transform_0(%arg0: i32) -> (i32, i32, i32) {
    %c0_i32 = arith.constant 0 : i32
    %c0_i32_0 = arith.constant 0 : i32
    %c0_i32_1 = arith.constant 0 : i32
    return %c0_i32, %arg0, %c0_i32_0 : i32, i32, i32
  }
  func.func @transform_1(%arg0: i32) -> (i32, i32, i32) {
    %c0_i32 = arith.constant 0 : i32
    %c0_i32_0 = arith.constant 0 : i32
    %c0_i32_1 = arith.constant 0 : i32
    return %c0_i32, %arg0, %c0_i32_0 : i32, i32, i32
  }
  func.func @transform_2(%arg0: i32) -> (i32, i32) {
    %c0_i32 = arith.constant 0 : i32
    %c0_i32_0 = arith.constant 0 : i32
    %c0_i32_1 = arith.constant 0 : i32
    return %c0_i32, %c0_i32_0 : i32, i32
  }
  func.func @transform_3(%arg0: i32) -> (i32, i32) {
    %c0_i32 = arith.constant 0 : i32
    %c0_i32_0 = arith.constant 0 : i32
    %c0_i32_1 = arith.constant 0 : i32
    return %c0_i32, %c0_i32_0 : i32, i32
  }
  func.func @transform_4(%arg0: i32) -> (i32, i32) {
    %c0_i32 = arith.constant 0 : i32
    %c0_i32_0 = arith.constant 0 : i32
    return %arg0, %c0_i32 : i32, i32
  }
  func.func @transform_5(%arg0: i32) -> (i32, i32) {
    %c0_i32 = arith.constant 0 : i32
    %c0_i32_0 = arith.constant 0 : i32
    return %arg0, %c0_i32 : i32, i32
  }
}

module attributes {stable_mosaic.version = 14 : i64} {
  func.func @_update_reduce_body(%arg0: i32, %arg1: memref<1xi32, #tpu.memory_space<smem>>, %arg2: memref<2x2000x64xf32, #tpu.memory_space<vmem>>, %arg3: memref<2x2000x8xf32, #tpu.memory_space<vmem>>, %arg4: memref<64x64xf32, #tpu.memory_space<vmem>>, %arg5: memref<1x64xf32, #tpu.memory_space<vmem>>, %arg6: memref<2000x64xf32, #tpu.memory_space<vmem>>, %arg7: memref<2000x64xf32, #tpu.memory_space<vmem>>, %arg8: memref<1x64xf32, #tpu.memory_space<vmem>>, %arg9: memref<1x64xf32, #tpu.memory_space<vmem>>) attributes {dimension_semantics = [#tpu.dimension_semantics<arbitrary>], iteration_bounds = array<i64: 5>, scalar_prefetch = 0 : i64, scratch_operands = 0 : i64, tpu.core_type = #tpu.core_type<tc>, window_params = [{transform_indices = @transform_0, window_bounds = array<i64: 1>}, {transform_indices = @transform_1, window_bounds = array<i64: 2, 2000, 64>}, {transform_indices = @transform_2, window_bounds = array<i64: 2, 2000, 8>}, {pipeline_mode = #tpu.pipeline_mode<synchronous>, transform_indices = @transform_3, window_bounds = array<i64: 64, 64>}, {pipeline_mode = #tpu.pipeline_mode<synchronous>, transform_indices = @transform_4, window_bounds = array<i64: 1, 64>}, {transform_indices = @transform_5, window_bounds = array<i64: 2000, 64>}, {transform_indices = @transform_6, window_bounds = array<i64: 2000, 64>}, {pipeline_mode = #tpu.pipeline_mode<synchronous>, transform_indices = @transform_7, window_bounds = array<i64: 1, 64>}, {pipeline_mode = #tpu.pipeline_mode<synchronous>, transform_indices = @transform_8, window_bounds = array<i64: 1, 64>}]} {
    %get3A = arith.constant 0 : index
    %get3A_0 = arith.constant 0 : index
    %get3A_1 = arith.constant 0 : index
    %get3A_2 = vector.load %arg2[%get3A, %get3A_0, %get3A_1] : memref<2x2000x64xf32, #tpu.memory_space<vmem>>, vector<1x2000x64xf32>
    %get3A_3 = vector.shape_cast %get3A_2 : vector<1x2000x64xf32> to vector<2000x64xf32>
    %get3A_4 = arith.constant 1 : index
    %get3A_5 = arith.constant 0 : index
    %get3A_6 = arith.constant 0 : index
    %get3A_7 = vector.load %arg2[%get3A_4, %get3A_5, %get3A_6] : memref<2x2000x64xf32, #tpu.memory_space<vmem>>, vector<1x2000x64xf32>
    %get3A_8 = vector.shape_cast %get3A_7 : vector<1x2000x64xf32> to vector<2000x64xf32>
    %add3A = arith.addf %get3A_3, %get3A_8 : vector<2000x64xf32>
    %get3A_9 = arith.constant 0 : index
    %get3A_10 = arith.constant 0 : index
    %get3A_11 = arith.constant 0 : index
    %get3A_12 = vector.load %arg3[%get3A_9, %get3A_10, %get3A_11] : memref<2x2000x8xf32, #tpu.memory_space<vmem>>, vector<1x2000x8xf32>
    %get3A_13 = vector.shape_cast %get3A_12 : vector<1x2000x8xf32> to vector<2000x8xf32>
    %slice3A = vector.extract_strided_slice %get3A_13 {offsets = [0, 0], sizes = [2000, 1], strides = [1, 1]} : vector<2000x8xf32> to vector<2000x1xf32>
    %get3A_14 = arith.constant 1 : index
    %get3A_15 = arith.constant 0 : index
    %get3A_16 = arith.constant 0 : index
    %get3A_17 = vector.load %arg3[%get3A_14, %get3A_15, %get3A_16] : memref<2x2000x8xf32, #tpu.memory_space<vmem>>, vector<1x2000x8xf32>
    %get3A_18 = vector.shape_cast %get3A_17 : vector<1x2000x8xf32> to vector<2000x8xf32>
    %slice3A_19 = vector.extract_strided_slice %get3A_18 {offsets = [0, 0], sizes = [2000, 1], strides = [1, 1]} : vector<2000x8xf32> to vector<2000x1xf32>
    %add3A_20 = arith.addf %slice3A, %slice3A_19 : vector<2000x1xf32>
    %max3A = arith.constant 1.000000e+00 : f32
    %max3A_21 = vector.broadcast %max3A : f32 to vector<2000x1xf32>
    %max3A_22 = arith.maximumf %add3A_20, %max3A_21 : vector<2000x1xf32>
    %div3A = arith.constant 1.000000e+00 : f32
    %div3A_23 = vector.broadcast %div3A : f32 to vector<2000x1xf32>
    %div3A_24 = arith.divf %div3A_23, %max3A_22 : vector<2000x1xf32>
    %mul3A = vector.broadcast %div3A_24 : vector<2000x1xf32> to vector<2000x64xf32>
    %mul3A_25 = arith.mulf %add3A, %mul3A : vector<2000x64xf32>
    %get3A_26 = arith.constant 0 : index
    %get3A_27 = arith.constant 0 : index
    %get3A_28 = vector.load %arg4[%get3A_26, %get3A_27] : memref<64x64xf32, #tpu.memory_space<vmem>>, vector<64x64xf32>
    %dot_general3A = arith.constant dense<0.000000e+00> : vector<2000x64xf32>
    %dot_general3A_29 = tpu.matmul %mul3A_25, %get3A_28, %dot_general3A {dimension_numbers = #tpu.dot_dimension_numbers<[1], [0], [0], [1], [0, 0, 1, 1], [], []>, precision = #tpu.contract_precision<fp32>, transpose_lhs_hint = false} : vector<2000x64xf32>, vector<64x64xf32>, vector<2000x64xf32> -> vector<2000x64xf32>
    %get3A_30 = arith.constant 0 : index
    %get3A_31 = arith.constant 0 : index
    %get3A_32 = vector.load %arg5[%get3A_30, %get3A_31] : memref<1x64xf32, #tpu.memory_space<vmem>>, vector<1x64xf32>
    %add3A_33 = vector.broadcast %get3A_32 : vector<1x64xf32> to vector<2000x64xf32>
    %add3A_34 = arith.addf %dot_general3A_29, %add3A_33 : vector<2000x64xf32>
    %get3A_35 = arith.constant 0 : index
    %get3A_36 = arith.constant 0 : index
    %get3A_37 = vector.load %arg6[%get3A_35, %get3A_36] : memref<2000x64xf32, #tpu.memory_space<vmem>>, vector<2000x64xf32>
    %add3A_38 = arith.addf %add3A_34, %get3A_37 : vector<2000x64xf32>
    %max3A_39 = arith.constant 0.000000e+00 : f32
    %max3A_40 = vector.broadcast %max3A_39 : f32 to vector<2000x64xf32>
    %max3A_41 = arith.maximumf %add3A_38, %max3A_40 : vector<2000x64xf32>
    %swap3A = arith.constant 0 : index
    %swap3A_42 = arith.constant 0 : index
    %swap3A_43 = vector.load %arg7[%swap3A, %swap3A_42] : memref<2000x64xf32, #tpu.memory_space<vmem>>, vector<2000x64xf32>
    tpu.vector_store %arg7[%swap3A, %swap3A_42], %max3A_41 {strides = array<i32>} : memref<2000x64xf32, #tpu.memory_space<vmem>>, vector<2000x64xf32>,
    %eq3A = arith.constant 0 : i32
    %eq3A_44 = arith.cmpi eq, %arg0, %eq3A : i32
    %convert_element_type3A = arith.extui %eq3A_44 : i1 to i32
    %cond3A = arith.constant 0 : i32
    %cond3A_45 = arith.cmpi ne, %convert_element_type3A, %cond3A : i32
    scf.if %cond3A_45 {
      %broadcast_in_dim3A_77 = arith.constant 0.000000e+00 : f32
      %broadcast_in_dim3A_78 = vector.broadcast %broadcast_in_dim3A_77 : f32 to vector<1x64xf32>
      %swap3A_79 = arith.constant 0 : index
      %swap3A_80 = arith.constant 0 : index
      %swap3A_81 = vector.load %arg8[%swap3A_79, %swap3A_80] : memref<1x64xf32, #tpu.memory_space<vmem>>, vector<1x64xf32>
      tpu.vector_store %arg8[%swap3A_79, %swap3A_80], %broadcast_in_dim3A_78 {strides = array<i32>} : memref<1x64xf32, #tpu.memory_space<vmem>>, vector<1x64xf32>,
      %broadcast_in_dim3A_82 = arith.constant 0.000000e+00 : f32
      %broadcast_in_dim3A_83 = vector.broadcast %broadcast_in_dim3A_82 : f32 to vector<1x64xf32>
      %swap3A_84 = arith.constant 0 : index
      %swap3A_85 = arith.constant 0 : index
      %swap3A_86 = vector.load %arg9[%swap3A_84, %swap3A_85] : memref<1x64xf32, #tpu.memory_space<vmem>>, vector<1x64xf32>
      tpu.vector_store %arg9[%swap3A_84, %swap3A_85], %broadcast_in_dim3A_83 {strides = array<i32>} : memref<1x64xf32, #tpu.memory_space<vmem>>, vector<1x64xf32>,
    } else {
    }
    %get3A_46 = arith.constant 0 : index
    %get3A_47 = arith.constant 0 : index
    %get3A_48 = vector.load %arg8[%get3A_46, %get3A_47] : memref<1x64xf32, #tpu.memory_space<vmem>>, vector<1x64xf32>
    %reduce_sum3A = arith.constant dense<0.000000e+00> : vector<64xf32>
    %reduce_sum3A_49 = vector.multi_reduction <add>, %max3A_41, %reduce_sum3A [0] : vector<2000x64xf32> to vector<64xf32>
    %broadcast_in_dim3A = vector.shape_cast %reduce_sum3A_49 : vector<64xf32> to vector<1x64xf32>
    %add3A_50 = arith.addf %get3A_48, %broadcast_in_dim3A : vector<1x64xf32>
    %swap3A_51 = arith.constant 0 : index
    %swap3A_52 = arith.constant 0 : index
    %swap3A_53 = vector.load %arg8[%swap3A_51, %swap3A_52] : memref<1x64xf32, #tpu.memory_space<vmem>>, vector<1x64xf32>
    tpu.vector_store %arg8[%swap3A_51, %swap3A_52], %add3A_50 {strides = array<i32>} : memref<1x64xf32, #tpu.memory_space<vmem>>, vector<1x64xf32>,
    %mul3A_54 = arith.constant 2000 : i32
    %mul3A_55 = arith.muli %arg0, %mul3A_54 : i32
    %iota3A = tpu.iota {dimensions = array<i32: 0>} : vector<2000x1xi32>
    %add3A_56 = vector.broadcast %mul3A_55 : i32 to vector<2000x1xi32>
    %add3A_57 = arith.addi %add3A_56, %iota3A : vector<2000x1xi32>
    %get3A_58 = arith.constant 0 : index
    %get3A_59 = memref.load %arg1[%get3A_58] : memref<1xi32, #tpu.memory_space<smem>>
    %eq3A_60 = vector.broadcast %get3A_59 : i32 to vector<2000x1xi32>
    %eq3A_61 = arith.cmpi eq, %add3A_57, %eq3A_60 : vector<2000x1xi32>
    %jit3A = arith.constant 1.000000e+00 : f32
    %jit3A_62 = arith.constant 0.000000e+00 : f32
    %broadcast_in_dim3A_63 = vector.broadcast %jit3A : f32 to vector<2000x1xf32>
    %broadcast_in_dim3A_64 = vector.broadcast %jit3A_62 : f32 to vector<2000x1xf32>
    %select_n3A = arith.select %eq3A_61, %broadcast_in_dim3A_63, %broadcast_in_dim3A_64 : vector<2000x1xi1>, vector<2000x1xf32>
    %get3A_65 = arith.constant 0 : index
    %get3A_66 = arith.constant 0 : index
    %get3A_67 = vector.load %arg9[%get3A_65, %get3A_66] : memref<1x64xf32, #tpu.memory_space<vmem>>, vector<1x64xf32>
    %mul3A_68 = vector.broadcast %select_n3A : vector<2000x1xf32> to vector<2000x64xf32>
    %mul3A_69 = arith.mulf %max3A_41, %mul3A_68 : vector<2000x64xf32>
    %reduce_sum3A_70 = arith.constant dense<0.000000e+00> : vector<64xf32>
    %reduce_sum3A_71 = vector.multi_reduction <add>, %mul3A_69, %reduce_sum3A_70 [0] : vector<2000x64xf32> to vector<64xf32>
    %broadcast_in_dim3A_72 = vector.shape_cast %reduce_sum3A_71 : vector<64xf32> to vector<1x64xf32>
    %add3A_73 = arith.addf %get3A_67, %broadcast_in_dim3A_72 : vector<1x64xf32>
    %swap3A_74 = arith.constant 0 : index
    %swap3A_75 = arith.constant 0 : index
    %swap3A_76 = vector.load %arg9[%swap3A_74, %swap3A_75] : memref<1x64xf32, #tpu.memory_space<vmem>>, vector<1x64xf32>
    tpu.vector_store %arg9[%swap3A_74, %swap3A_75], %add3A_73 {strides = array<i32>} : memref<1x64xf32, #tpu.memory_space<vmem>>, vector<1x64xf32>,
    return
  }
  func.func @transform_0(%arg0: i32) -> i32 {
    %c0_i32 = arith.constant 0 : i32
    %c0_i32_0 = arith.constant 0 : i32
    return %c0_i32 : i32
  }
  func.func @transform_1(%arg0: i32) -> (i32, i32, i32) {
    %c0_i32 = arith.constant 0 : i32
    %c0_i32_0 = arith.constant 0 : i32
    %c0_i32_1 = arith.constant 0 : i32
    return %c0_i32, %arg0, %c0_i32_0 : i32, i32, i32
  }
  func.func @transform_2(%arg0: i32) -> (i32, i32, i32) {
    %c0_i32 = arith.constant 0 : i32
    %c0_i32_0 = arith.constant 0 : i32
    %c0_i32_1 = arith.constant 0 : i32
    return %c0_i32, %arg0, %c0_i32_0 : i32, i32, i32
  }
  func.func @transform_3(%arg0: i32) -> (i32, i32) {
    %c0_i32 = arith.constant 0 : i32
    %c0_i32_0 = arith.constant 0 : i32
    %c0_i32_1 = arith.constant 0 : i32
    return %c0_i32, %c0_i32_0 : i32, i32
  }
  func.func @transform_4(%arg0: i32) -> (i32, i32) {
    %c0_i32 = arith.constant 0 : i32
    %c0_i32_0 = arith.constant 0 : i32
    %c0_i32_1 = arith.constant 0 : i32
    return %c0_i32, %c0_i32_0 : i32, i32
  }
  func.func @transform_5(%arg0: i32) -> (i32, i32) {
    %c0_i32 = arith.constant 0 : i32
    %c0_i32_0 = arith.constant 0 : i32
    return %arg0, %c0_i32 : i32, i32
  }
  func.func @transform_6(%arg0: i32) -> (i32, i32) {
    %c0_i32 = arith.constant 0 : i32
    %c0_i32_0 = arith.constant 0 : i32
    return %arg0, %c0_i32 : i32, i32
  }
  func.func @transform_7(%arg0: i32) -> (i32, i32) {
    %c0_i32 = arith.constant 0 : i32
    %c0_i32_0 = arith.constant 0 : i32
    %c0_i32_1 = arith.constant 0 : i32
    return %c0_i32, %c0_i32_0 : i32, i32
  }
  func.func @transform_8(%arg0: i32) -> (i32, i32) {
    %c0_i32 = arith.constant 0 : i32
    %c0_i32_0 = arith.constant 0 : i32
    %c0_i32_1 = arith.constant 0 : i32
    return %c0_i32, %c0_i32_0 : i32, i32
  }
}

module attributes {stable_mosaic.version = 14 : i64} {
  func.func @_score_body(%arg0: i32, %arg1: memref<2000x64xf32, #tpu.memory_space<vmem>>, %arg2: memref<64x64xf32, #tpu.memory_space<vmem>>, %arg3: memref<64x64xf32, #tpu.memory_space<vmem>>, %arg4: memref<1x64xf32, #tpu.memory_space<vmem>>, %arg5: memref<64x64xf32, #tpu.memory_space<vmem>>, %arg6: memref<1x64xf32, #tpu.memory_space<vmem>>, %arg7: memref<1x64xf32, #tpu.memory_space<vmem>>, %arg8: memref<1x64xf32, #tpu.memory_space<vmem>>, %arg9: memref<2000x1xf32, #tpu.memory_space<vmem>>) attributes {dimension_semantics = [#tpu.dimension_semantics<arbitrary>], iteration_bounds = array<i64: 5>, scalar_prefetch = 0 : i64, scratch_operands = 0 : i64, tpu.core_type = #tpu.core_type<tc>, window_params = [{transform_indices = @transform_0, window_bounds = array<i64: 2000, 64>}, {pipeline_mode = #tpu.pipeline_mode<synchronous>, transform_indices = @transform_1, window_bounds = array<i64: 64, 64>}, {pipeline_mode = #tpu.pipeline_mode<synchronous>, transform_indices = @transform_2, window_bounds = array<i64: 64, 64>}, {pipeline_mode = #tpu.pipeline_mode<synchronous>, transform_indices = @transform_3, window_bounds = array<i64: 1, 64>}, {pipeline_mode = #tpu.pipeline_mode<synchronous>, transform_indices = @transform_4, window_bounds = array<i64: 64, 64>}, {pipeline_mode = #tpu.pipeline_mode<synchronous>, transform_indices = @transform_5, window_bounds = array<i64: 1, 64>}, {pipeline_mode = #tpu.pipeline_mode<synchronous>, transform_indices = @transform_6, window_bounds = array<i64: 1, 64>}, {pipeline_mode = #tpu.pipeline_mode<synchronous>, transform_indices = @transform_7, window_bounds = array<i64: 1, 64>}, {transform_indices = @transform_8, window_bounds = array<i64: 2000, 1>}]} {
    %get3A = arith.constant 0 : index
    %get3A_0 = arith.constant 0 : index
    %get3A_1 = vector.load %arg7[%get3A, %get3A_0] : memref<1x64xf32, #tpu.memory_space<vmem>>, vector<1x64xf32>
    %mul3A = arith.constant 9.99999974E-5 : f32
    %mul3A_2 = vector.broadcast %mul3A : f32 to vector<1x64xf32>
    %mul3A_3 = arith.mulf %get3A_1, %mul3A_2 : vector<1x64xf32>
    %get3A_4 = arith.constant 0 : index
    %get3A_5 = arith.constant 0 : index
    %get3A_6 = vector.load %arg3[%get3A_4, %get3A_5] : memref<64x64xf32, #tpu.memory_space<vmem>>, vector<64x64xf32>
    %dot_general3A = arith.constant dense<0.000000e+00> : vector<1x64xf32>
    %dot_general3A_7 = tpu.matmul %mul3A_3, %get3A_6, %dot_general3A {dimension_numbers = #tpu.dot_dimension_numbers<[1], [0], [0], [1], [0, 0, 1, 1], [], []>, precision = #tpu.contract_precision<fp32>, transpose_lhs_hint = false} : vector<1x64xf32>, vector<64x64xf32>, vector<1x64xf32> -> vector<1x64xf32>
    %get3A_8 = arith.constant 0 : index
    %get3A_9 = arith.constant 0 : index
    %get3A_10 = vector.load %arg4[%get3A_8, %get3A_9] : memref<1x64xf32, #tpu.memory_space<vmem>>, vector<1x64xf32>
    %add3A = arith.addf %dot_general3A_7, %get3A_10 : vector<1x64xf32>
    %get3A_11 = arith.constant 0 : index
    %get3A_12 = arith.constant 0 : index
    %get3A_13 = vector.load %arg1[%get3A_11, %get3A_12] : memref<2000x64xf32, #tpu.memory_space<vmem>>, vector<2000x64xf32>
    %get3A_14 = arith.constant 0 : index
    %get3A_15 = arith.constant 0 : index
    %get3A_16 = vector.load %arg2[%get3A_14, %get3A_15] : memref<64x64xf32, #tpu.memory_space<vmem>>, vector<64x64xf32>
    %dot_general3A_17 = arith.constant dense<0.000000e+00> : vector<2000x64xf32>
    %dot_general3A_18 = tpu.matmul %get3A_13, %get3A_16, %dot_general3A_17 {dimension_numbers = #tpu.dot_dimension_numbers<[1], [0], [0], [1], [0, 0, 1, 1], [], []>, precision = #tpu.contract_precision<fp32>, transpose_lhs_hint = false} : vector<2000x64xf32>, vector<64x64xf32>, vector<2000x64xf32> -> vector<2000x64xf32>
    %add3A_19 = vector.broadcast %add3A : vector<1x64xf32> to vector<2000x64xf32>
    %add3A_20 = arith.addf %dot_general3A_18, %add3A_19 : vector<2000x64xf32>
    %max3A = arith.constant 0.000000e+00 : f32
    %max3A_21 = vector.broadcast %max3A : f32 to vector<2000x64xf32>
    %max3A_22 = arith.maximumf %add3A_20, %max3A_21 : vector<2000x64xf32>
    %get3A_23 = arith.constant 0 : index
    %get3A_24 = arith.constant 0 : index
    %get3A_25 = vector.load %arg5[%get3A_23, %get3A_24] : memref<64x64xf32, #tpu.memory_space<vmem>>, vector<64x64xf32>
    %dot_general3A_26 = arith.constant dense<0.000000e+00> : vector<2000x64xf32>
    %dot_general3A_27 = tpu.matmul %max3A_22, %get3A_25, %dot_general3A_26 {dimension_numbers = #tpu.dot_dimension_numbers<[1], [0], [0], [1], [0, 0, 1, 1], [], []>, precision = #tpu.contract_precision<fp32>, transpose_lhs_hint = false} : vector<2000x64xf32>, vector<64x64xf32>, vector<2000x64xf32> -> vector<2000x64xf32>
    %get3A_28 = arith.constant 0 : index
    %get3A_29 = arith.constant 0 : index
    %get3A_30 = vector.load %arg6[%get3A_28, %get3A_29] : memref<1x64xf32, #tpu.memory_space<vmem>>, vector<1x64xf32>
    %add3A_31 = vector.broadcast %get3A_30 : vector<1x64xf32> to vector<2000x64xf32>
    %add3A_32 = arith.addf %dot_general3A_27, %add3A_31 : vector<2000x64xf32>
    %get3A_33 = arith.constant 0 : index
    %get3A_34 = arith.constant 0 : index
    %get3A_35 = vector.load %arg8[%get3A_33, %get3A_34] : memref<1x64xf32, #tpu.memory_space<vmem>>, vector<1x64xf32>
    %dot_general3A_36 = arith.constant dense<0.000000e+00> : vector<2000x1xf32>
    %dot_general3A_37 = tpu.matmul %add3A_32, %get3A_35, %dot_general3A_36 {dimension_numbers = #tpu.dot_dimension_numbers<[1], [1], [0], [0], [0, 0, 1, 0], [], []>, precision = #tpu.contract_precision<fp32>, transpose_lhs_hint = false} : vector<2000x64xf32>, vector<1x64xf32>, vector<2000x1xf32> -> vector<2000x1xf32>
    %swap3A = arith.constant 0 : index
    %swap3A_38 = arith.constant 0 : index
    %swap3A_39 = vector.load %arg9[%swap3A, %swap3A_38] : memref<2000x1xf32, #tpu.memory_space<vmem>>, vector<2000x1xf32>
    tpu.vector_store %arg9[%swap3A, %swap3A_38], %dot_general3A_37 {strides = array<i32>} : memref<2000x1xf32, #tpu.memory_space<vmem>>, vector<2000x1xf32>,
    return
  }
  func.func @transform_0(%arg0: i32) -> (i32, i32) {
    %c0_i32 = arith.constant 0 : i32
    %c0_i32_0 = arith.constant 0 : i32
    return %arg0, %c0_i32 : i32, i32
  }
  func.func @transform_1(%arg0: i32) -> (i32, i32) {
    %c0_i32 = arith.constant 0 : i32
    %c0_i32_0 = arith.constant 0 : i32
    %c0_i32_1 = arith.constant 0 : i32
    return %c0_i32, %c0_i32_0 : i32, i32
  }
  func.func @transform_2(%arg0: i32) -> (i32, i32) {
    %c0_i32 = arith.constant 0 : i32
    %c0_i32_0 = arith.constant 0 : i32
    %c0_i32_1 = arith.constant 0 : i32
    return %c0_i32, %c0_i32_0 : i32, i32
  }
  func.func @transform_3(%arg0: i32) -> (i32, i32) {
    %c0_i32 = arith.constant 0 : i32
    %c0_i32_0 = arith.constant 0 : i32
    %c0_i32_1 = arith.constant 0 : i32
    return %c0_i32, %c0_i32_0 : i32, i32
  }
  func.func @transform_4(%arg0: i32) -> (i32, i32) {
    %c0_i32 = arith.constant 0 : i32
    %c0_i32_0 = arith.constant 0 : i32
    %c0_i32_1 = arith.constant 0 : i32
    return %c0_i32, %c0_i32_0 : i32, i32
  }
  func.func @transform_5(%arg0: i32) -> (i32, i32) {
    %c0_i32 = arith.constant 0 : i32
    %c0_i32_0 = arith.constant 0 : i32
    %c0_i32_1 = arith.constant 0 : i32
    return %c0_i32, %c0_i32_0 : i32, i32
  }
  func.func @transform_6(%arg0: i32) -> (i32, i32) {
    %c0_i32 = arith.constant 0 : i32
    %c0_i32_0 = arith.constant 0 : i32
    %c0_i32_1 = arith.constant 0 : i32
    return %c0_i32, %c0_i32_0 : i32, i32
  }
  func.func @transform_7(%arg0: i32) -> (i32, i32) {
    %c0_i32 = arith.constant 0 : i32
    %c0_i32_0 = arith.constant 0 : i32
    %c0_i32_1 = arith.constant 0 : i32
    return %c0_i32, %c0_i32_0 : i32, i32
  }
  func.func @transform_8(%arg0: i32) -> (i32, i32) {
    %c0_i32 = arith.constant 0 : i32
    %c0_i32_0 = arith.constant 0 : i32
    return %arg0, %c0_i32 : i32, i32
  }
}

</mosaic_0001>

<sc_bundles>
// kernel: kernel.11.cloned.1.call-start
scs
__scs_entry_jumppad:
0x0: {  	(pc) =	sbr.rel $0x88, $3  }
0x1: {  	(tag) =	ssettag $0x0;
	lr =	simm.s32 $0x1  }
0x2: {  	[smem:$0x3F94] =	sst lr;
	_ =	strace $0xD0000000  }
0x3: {  	_ = 	snop  }
0x4: {  	_ = 	snop  }
0x5: {  	_ = 	snop  }
0x6: {  	_ = 	snop  }
0x7: {  	_ = 	snop  }
__scs_overlays_trampoline_lowered:
0x8: {  	[smem:$0x3FA3] =	sst s0  }
0x9: {  	[smem:$0x3FA4] =	sst s1  }
0xa: {  	[smem:$0x3FA5] =	sst s2  }
0xb: {  	[smem:$0x3FA6] =	sst s3  }
0xc: {  	[smem:$0x3FA7] =	sst s4  }
0xd: {  	[smem:$0x3FA8] =	sst s5  }
0xe: {  	[smem:$0x3FA9] =	sst s6  }
0xf: {  	[smem:$0x3FAA] =	sst s7  }
0x10: {  	[smem:$0x3FAB] =	sst s8  }
0x11: {  	[smem:$0x3FAC] =	sst s9;
	s0 =	simm.s32 @!p0 $0x0  }
0x12: {  	s1 =	sld [smem:$0x3F92];
	s0 =	simm.s32 @p0 $0x1  }
0x13: {  	[smem:$0x3FAD] =	sst s0;
	s0 =	simm.s32 @!p1 $0x0  }
0x14: {  	s2 =	sld [smem:$0x3F91];
	s0 =	simm.s32 @p1 $0x1  }
0x15: {  	[smem:$0x3FAE] =	sst s0;
	s0 =	simm.s32 @!p2 $0x0  }
0x16: {  	s3 =	sld [smem:$0x3FDB];
	s0 =	simm.s32 @p2 $0x1  }
0x17: {  	s4 =	simm.s32 $0x1BF5;
	[smem:$0x3FB0] =	sst s0  }
0x18: {  	s0 =	sld [smem:$0x3F93];
	_ =	swait.ge [sflag:s4], $0x0  }
0x19: {  	s7 =	sld [smem:$0x3F94]  }
0x1a: {  	s8 =	sadd.s32 $0xFFFFE003, lr  }
0x1b: {  	s9 =	sadd.s32 $0xFFFFFEF7, lr;
	s5 =	simm.s32 $0xFFFFFFFF;
	p2 =	slt.u32 s8, $0xFFFFF086  }
0x1c: {  	p1 =	slt.u32 s9, $0xF7A;
	s5 =	simm.s32 @!p2 $0x0  }
0x1d: {  	s5 =	simm.s32 @p1 $0x1;
	p0 =	seq.s32 s7, s2  }
0x1e: {  	s7 =	smul.u32 @!p0 $0xF7A, s2;
	p2 =	seq.s32 @!p0 s5, $0x0  }
0x1f: {  	s9 =	smul.u32 $0xF7A, s1;
	s8 =	simm.s32 @!p0 $0x1BF5;
	p2 =	por !p2, p0  }
0x20: {  	[sflag:s8] =	ssyncset.s32 @!p0 $0xFFFFF086;
	s6 =	sadd.s32 @!p0 s3, s7;
	s7 =	simm.s32 @!p0 $0x108  }
0x21: {  	s3 =	sadd.s32 s3, s9;
	s6 =	sadd.s32 @!p0 $0x88, s6;
	s7 =	simm.s32 @p2 $0x1082  }
0x22: {  	[simem:s7], [sflag:s8] =	dma.local @!p0 [hbm:s6], $0xF7A  }
0x23: {  	s9 =	sor.u32 $0xD0000000, s2;
	s6 =	simm.s32 $0x108;
	_ =	swait.ge @!p0 [sflag:s8], $0x0  }
0x24: {  	s3 =	sadd.s32 $0x88, s3;
	s6 =	simm.s32 @!p1 $0x1082;
	[sflag:s4] =	ssyncset.s32 $0xFFFFF086  }
0x25: {  	[simem:s6], [sflag:s4] =	dma.local [hbm:s3], $0xF7A  }
0x26: {  	[smem:$0x3F94] =	sst s1;
	(tag) =	ssettag s2;
	_ =	strace s9  }
0x27: {  	s1 =	sld [smem:$0x3FA4]  }
0x28: {  	s2 =	sld [smem:$0x3FA5]  }
0x29: {  	s4 =	sld [smem:$0x3FA7]  }
0x2a: {  	p0 =	seq.s32 s5, $0x0;
	s5 =	sld [smem:$0x3FA8]  }
0x2b: {  	s6 =	sld [smem:$0x3FA9]  }
0x2c: {  	s7 =	sld [smem:$0x3FAA]  }
0x2d: {  	s3 =	simm.s32 $0x108;
	s8 =	sld [smem:$0x3FAB]  }
0x2e: {  	s3 =	simm.s32 @!p0 $0x1082;
	s9 =	sld [smem:$0x3FAC]  }
0x2f: {  	lr =	sadd.s32 s0, s3;
	s0 =	sld [smem:$0x3FA3]  }
0x30: {  	s3 =	sld [smem:$0x3FA6]  }
0x31: {  	[smem:$0x3FAF] =	sst s10  }
0x32: {  	s10 =	sld [smem:$0x3FAD];
	_ =	sdelay $0x3  }
0x33: {  	p0 =	seq.s32 s10, $0x1;
	s10 =	sld [smem:$0x3FAF];
	_ =	sdelay $0x3  }
0x34: {  	[smem:$0x3FAF] =	sst s10  }
0x35: {  	s10 =	sld [smem:$0x3FAE];
	_ =	sdelay $0x3  }
0x36: {  	p1 =	seq.s32 s10, $0x1;
	s10 =	sld [smem:$0x3FAF];
	_ =	sdelay $0x3  }
0x37: {  	[smem:$0x3FAF] =	sst s10  }
0x38: {  	s10 =	sld [smem:$0x3FB0]  }
0x39: {  	_ = 	snop;
	(pc) =	sbr.ind lr, $3  }
0x3a: {  	_ = 	snop  }
0x3b: {  	_ = 	snop  }
0x3c: {  	p2 =	seq.s32 s10, $0x1;
	s10 =	sld [smem:$0x3FAF]  }
0x3d: {  	_ =	shalt  }
0x3e: {  	_ =	shalt  }
0x3f: {  	_ =	shalt  }
0x40: {  	_ =	shalt  }
0x41: {  	_ =	shalt  }
0x42: {  	_ =	shalt  }
0x43: {  	_ =	shalt  }
0x44: {  	_ =	shalt  }
0x45: {  	_ =	shalt  }
0x46: {  	_ =	shalt  }
0x47: {  	_ =	shalt  }
0x48: {  	_ =	shalt  }
0x49: {  	_ =	shalt  }
0x4a: {  	_ =	shalt  }
0x4b: {  	_ =	shalt  }
0x4c: {  	_ =	shalt  }
0x4d: {  	_ =	shalt  }
0x4e: {  	_ =	shalt  }
0x4f: {  	_ =	shalt  }
0x50: {  	_ =	shalt  }
0x51: {  	_ =	shalt  }
0x52: {  	_ =	shalt  }
0x53: {  	_ =	shalt  }
0x54: {  	_ =	shalt  }
0x55: {  	_ =	shalt  }
0x56: {  	_ =	shalt  }
0x57: {  	_ =	shalt  }
0x58: {  	_ =	shalt  }
0x59: {  	_ =	shalt  }
0x5a: {  	_ =	shalt  }
0x5b: {  	_ =	shalt  }
0x5c: {  	_ =	shalt  }
0x5d: {  	_ =	shalt  }
0x5e: {  	_ =	shalt  }
0x5f: {  	_ =	shalt  }
0x60: {  	_ =	shalt  }
0x61: {  	_ =	shalt  }
0x62: {  	_ =	shalt  }
0x63: {  	_ =	shalt  }
0x64: {  	_ =	shalt  }
0x65: {  	_ =	shalt  }
0x66: {  	_ =	shalt  }
0x67: {  	_ =	shalt  }
0x68: {  	_ =	shalt  }
0x69: {  	_ =	shalt  }
0x6a: {  	_ =	shalt  }
0x6b: {  	_ =	shalt  }
0x6c: {  	_ =	shalt  }
0x6d: {  	_ =	shalt  }
0x6e: {  	_ =	shalt  }
0x6f: {  	_ =	shalt  }
0x70: {  	_ =	shalt  }
0x71: {  	_ =	shalt  }
0x72: {  	_ =	shalt  }
0x73: {  	_ =	shalt  }
0x74: {  	_ =	shalt  }
0x75: {  	_ =	shalt  }
0x76: {  	_ =	shalt  }
0x77: {  	_ =	shalt  }
0x78: {  	_ =	shalt  }
0x79: {  	_ =	shalt  }
0x7a: {  	_ =	shalt  }
0x7b: {  	_ =	shalt  }
0x7c: {  	_ =	shalt  }
0x7d: {  	_ =	shalt  }
0x7e: {  	_ =	shalt  }
0x7f: {  	_ =	shalt  }
0x80: {  	_ =	shalt  }
0x81: {  	_ =	shalt  }
0x82: {  	_ =	shalt  }
0x83: {  	_ =	shalt  }
0x84: {  	_ =	shalt  }
0x85: {  	_ =	shalt  }
0x86: {  	_ =	shalt  }
0x87: {  	_ =	shalt  }
.Lfunc_end0:
.L_simem_size_0:
called_computation.1_lowered:
.L_overlay_start_0:
0x88: {  	s2 =	sld [smem:$0x3FD9]  }
0x89: {  	s3 =	sld [smem:$0x3FFE];
	_ =	sdelay $0x1  }
0x8a: {  	s1 =	srdreg.scid  }
0x8b: {  	s0 =	sand.u32 $0x1, s1  }
0x8c: {  	s16 =	sshll.u32 s0, $0xA;
	s2 =	sadd.s32 s3, s2  }
0x8d: {  	s2 =	sadd.s32 s2, s16  }
0x8e: {  	[smem:$0x3FBB] =	sst s2  }
0x8f: {  	_ = 	snop  }
0x90: {  	(tm) =	ssettm $0x1  }
0x91: {  	s17 =	sld [smem:$0x3FFB];
	_ =	sdelay $0x3  }
0x92: {  	_ =	strace s17  }
0x93: {  	s2 =	sld [smem:$0x3FFC];
	_ =	sdelay $0x3  }
0x94: {  	_ =	strace s2  }
0x95: {  	s2 =	sld [smem:$0x3FFD];
	_ =	sdelay $0x3  }
0x96: {  	_ =	strace s2  }
0x97: {  	_ =	strace $0x8FFFFFFF  }
0x98: {  	s18 =	sld [smem:$0x3FDB];
	_ =	sdelay $0x1  }
0x99: {  	s19 =	simm.s32 $_scs_section_size  }
0x9a: {  	s4 =	simm.s32 $_size__tile_overlayer_lowered;
	s5 =	simm.s32 $_tile_overlayer_lowered  }
0x9b: {  	s22 =	simm.s32 $0x1BFF;
	s21 =	sshll.u32 s5, $0x1;
	s2 =	sadd.s32 s19, s18  }
0x9c: {  	s6 =	simm.s32 $0x0;
	s20 =	sshll.u32 s4, $0x1;
	s4 =	sadd.s32 s21, s2  }
0x9d: {  	[timem:s6], [sflag:s22] =	dma.local [hbm:s4], s20  }
0x9e: {  	_ =	swait.ge [sflag:s22], s20  }
0x9f: {  	s3 =	ssub.s32 $0x0, s20;
	[sflag:s22] =	ssyncset.done $0x0  }
0xa0: {  	[sflag:s22] =	ssyncadd.s32 s3;
	_ =	sdelay $0x1  }
0xa1: {  	s23 =	simm.s32 $0x1B8B  }
0xa2: {  	_ =	swait.ge [sflag:s23], $0x1  }
0xa3: {  	[sflag:s23] =	ssyncset.done $0x0  }
0xa4: {  	s25 =	simm.s32 $0x1B8E;
	s24 =	sld [smem:$0x3FFE];
	[sflag:s23] =	ssyncadd.s32 $0xFFFFFFFF  }
0xa5: {  	s26 =	simm.s32 $execute0_lowered;
	[smem:$0x3FD2] =	sst s25  }
0xa6: {  	s4 =	sshll.u32 s26, $0x1;
	_ =	strace $0x80000049;
	[dreg:$0x1] =	wrdreg $0xFFFFFFFF  }
0xa7: {  	s28 =	simm.s32 $_size_execute0_lowered;
	s2 =	sadd.s32 s2, s4;
	[dreg:$0x0] =	wrdreg $0x0  }
0xa8: {  	s4 =	sshll.u32 s28, $0x1;
	[dreg:$0x2] =	wrdreg s2  }
0xa9: {  	[dreg:$0x3] =	wrdreg s4  }
0xaa: {  	[dreg:$0x4] =	wrdreg $0xC0  }
0xab: {  	_ =	task [dreg:s6], $0x5FFFF  }
0xac: {  	[dreg:$0x1] =	wrdreg $0xFFFFFFFF  }
0xad: {  	[dreg:$0x0] =	wrdreg $0x60  }
0xae: {  	[dreg:$0x2] =	wrdreg s24  }
0xaf: {  	[dreg:$0x3] =	wrdreg $0x0  }
0xb0: {  	[dreg:$0x4] =	wrdreg $0x9  }
0xb1: {  	_ =	task.clear_ibuf [dreg:s6], $0x5FFFF;
	_ =	strace $0x90000049  }
0xb2: {  	s29 =	simm.s32 $0x9;
	_ =	strace $0x8000004B  }
0xb3: {  	_ =	swait.ge [sflag:s29], $0x1  }
0xb4: {  	[sflag:s29] =	ssyncadd.s32 $0xFFFFFFFF  }
0xb5: {  	_ =	strace $0x9000004B  }
0xb6: {  	_ =	sfence  }
0xb7: {  	s30 =	sld [smem:$0x0];
	_ =	sdelay $0x2  }
0xb8: {  	s31 =	sshll.u32 s1, $0xD;
	s1 =	sshrl.u32 s1, $0x2  }
0xb9: {  	s3 =	sand.u32 $0x4000, s31;
	s1 =	sadd.s32 s1, s30  }
0xba: {  	s0 =	sor.u32 s3, s0;
	s1 =	sshll.u32 s1, $0x11  }
0xbb: {  	s0 =	sor.u32 s1, s0  }
0xbc: {  	s0 =	sadd.s32 $0x8F2B, s0  }
0xbd: {  	[sflag:s0] =	ssyncadd.remote.s32 $0x1  }
0xbe: {  	_ =	sfence.sel $0xFFFF  }
0xbf: {  	[dreg:$0x0] =	wrdreg $0xFFFFFFFF;
	(pc) =	sbr.abs _section_cstart, $3  }
0xc0: {  	[dreg:$0x1] =	wrdreg $0xFFFFFFFF  }
0xc1: {  	_ =	task.clear_ibuf [dreg:s6], $0x2FFFF;
	_ =	strace $0x9FFFFFFF  }
0xc2: {  	(tm) =	ssettm $0x7FFFFFFF  }
0xc3: {  	_ =	shalt  }
tec
execute0_lowered:
.L_overlay_start_1:
0x0: {  	(tag) =	ssettag $0x1  }
0x1: {  	s0 =	srdreg.scid;
	s1 =	rddreg [dreg:$0x0]  }
0x2: {  	s12 =	stileid.u32;
	s2 =	rddreg [dreg:$0x1];
	s3 =	simm.s32 $0x0  }
0x3: {  	s16 =	simm.s32 $0x6;
	s17 =	simm.s32 $0x80;
	s19 =	simm.s32 $0xF000  }
0x4: {  	s21 =	simm.s32 $0x11000;
	s23 =	simm.s32 $0x13000;
	s25 =	simm.s32 $0x15000  }
0x5: {  	s26 =	simm.s32 $0x1;
	s30 =	simm.s32 $0x17000;
	s31 =	simm.s32 $0x2  }
0x6: {  	s18 =	simm.s32 $0x3;
	s24 =	simm.s32 $0x4;
	s20 =	simm.s32 $0xC780  }
0x7: {  	s22 =	simm.s32 $0xEF80;
	s0 =	sand.u32 $0x1, s0;
	s4 =	smul.u32 $0xA0, s12  }
0x8: {  	s7 =	smul.u32 $0xA000, s12;
	[smem:$0x7FF] =	sst s3;
	s28 =	sshll.u32 s12, $0x6  }
0x9: {  	p0 =	seq.s32 s12, $0xF;
	s12 =	sadd.s32 $0x2A1C0, s1;
	s5 =	smul.u32 $0x50, s0  }
0xa: {  	s6 =	smul.u32 $0xA0000, s0;
	_ =	strace $0x8000004A;
	s8 =	ssub.s32 $0x2, s0  }
0xb: {  	p1 =	seq.s32 s0, $0x1;
	s11 =	sshrl.u32 s8, $0x1;
	s29 =	sadd.s32 s7, s2  }
0xc: {  	p0 =	por !p0, !p1;
	s5 =	sadd.s32 s5, s4;
	s4 =	sadd.s32 $0x2A00, s1  }
0xd: {  	s6 =	sadd.s32 s7, s6;
	s14 =	ssub.s32 s8, s11;
	s7 =	sor.u32 $0x1C06, s28  }
0xe: {  	p0 =	por !p0, !p0;
	s11 =	sadd.s32 $0x29B40, s1;
	s15 =	sshrl.u32 s29, $0x3  }
0xf: {  	s5 =	sshll.u32 s5, $0x4;
	s10 =	sshrl.u32 s6, $0x3;
	s6 =	sadd.s32 $0x2A600, s1  }
0x10: {  	s14 =	smax.u32 s14, $0x1;
	s9 =	sadd.s32 s5, s1;
	s5 =	sadd.s32 $0x29E00, s1  }
0x11: {  	s13 =	sadd.s32 s10, s1;
	s10 =	sadd.s32 $0x1FF00, s1;
	s1 =	simm.s32 $0x5  }
0x12: {  	s8 =	sadd.s32 $0x16400, s9;
	s9 =	sadd.s32 $0x20040, s9;
	s13 =	sadd.s32 $0x7BC00, s13  }
.LBB2_1:
0x13: {  	[spmem:s15], [sflag:s7] =	dma.local [hbm:s6], $0x1400  }
0x14: {  	_ =	swait.ge [sflag:s16], $0x1400  }
0x15: {  	[sflag:s16] =	ssyncset.done $0x0  }
0x16: {  	s28 =	simm.s32 @!p0 $0x0;
	s29 =	simm.s32 @!p0 $0xA000;
	[sflag:s16] =	ssyncadd.s32 $0xFFFFEC00  }
0x17: {  	[tilespmem:s29], [sflag:$0x6] =	stream.linear.gather @!p0 [hbm4b:s8+s28], $0x2800, $0x38;
	[tilespmem:$0x19000] =	vst v63  }
0x18: {  	s29 =	simm.s32 @!p0 $0x6  }
0x19: {  	_ =	swait.ge @!p0 [sflag:s29], $0x2800  }
0x1a: {  	[sflag:s29] =	ssyncset.done @!p0 $0x0  }
0x1b: {  	s0 =	simm.s32 @!p0 $0xC800;
	[sflag:s29] =	ssyncadd.s32 @!p0 $0xFFFFD800  }
0x1c: {  	[tilespmem:s0], [sflag:$0x6] =	stream.linear.gather @!p0 [hbm4b:s9+s28], $0x2800, $0x38;
	[tilespmem:$0x19000] =	vst v63  }
0x1d: {  	_ =	swait.ge @!p0 [sflag:s29], $0x2800  }
0x1e: {  	[sflag:s29] =	ssyncset.done @!p0 $0x0  }
0x1f: {  	s0 =	simm.s32 @p0 $0x0;
	s28 =	simm.s32 @p0 $0xA000;
	[sflag:s29] =	ssyncadd.s32 @!p0 $0xFFFFD800  }
0x20: {  	[tilespmem:s28], [sflag:$0x6] =	stream.linear.gather @p0 [hbm4b:s10+s0], $0xA00, $0x38;
	[tilespmem:$0x19000] =	vst v63  }
0x21: {  	s28 =	simm.s32 @p0 $0x6  }
0x22: {  	_ =	swait.ge @p0 [sflag:s28], $0xA00  }
0x23: {  	[sflag:s28] =	ssyncset.done @p0 $0x0  }
0x24: {  	s29 =	simm.s32 @p0 $0xAA00;
	[sflag:s28] =	ssyncadd.s32 @p0 $0xFFFFF600  }
0x25: {  	[tilespmem:s29], [sflag:$0x6] =	stream.linear.gather @p0 [hbm4b:s5+s0], $0x1E00, $0x38;
	[tilespmem:$0x19000] =	vst v63  }
0x26: {  	_ =	swait.ge @p0 [sflag:s28], $0x1E00  }
0x27: {  	[sflag:s28] =	ssyncset.done @p0 $0x0  }
0x28: {  	s29 =	simm.s32 @p0 $0xC800;
	[sflag:s28] =	ssyncadd.s32 @p0 $0xFFFFE200  }
0x29: {  	[tilespmem:s29], [sflag:$0x6] =	stream.linear.gather @p0 [hbm4b:s11+s0], $0xA00, $0x38;
	[tilespmem:$0x19000] =	vst v63  }
0x2a: {  	_ =	swait.ge @p0 [sflag:s28], $0xA00  }
0x2b: {  	[sflag:s28] =	ssyncset.done @p0 $0x0  }
0x2c: {  	s29 =	simm.s32 @p0 $0xD200;
	[sflag:s28] =	ssyncadd.s32 @p0 $0xFFFFF600  }
0x2d: {  	[tilespmem:s29], [sflag:$0x6] =	stream.linear.gather @p0 [hbm4b:s12+s0], $0x1E00, $0x38;
	[tilespmem:$0x19000] =	vst v63  }
0x2e: {  	_ =	swait.ge @p0 [sflag:s28], $0x1E00  }
0x2f: {  	[sflag:s28] =	ssyncset.done @p0 $0x0  }
0x30: {  	[sflag:s28] =	ssyncadd.s32 @p0 $0xFFFFE200  }
0x31: {  	s0 =	simm.s32 $0xA000;
	[bflag:$0x0] =	sbarrier.arrive $0xFFFF  }
0x32: {  	[tilespmem:s19], [sflag:$0x1] =	stream.indirect.gather [hbm4b:s4+s17], $0x40, s0, s17, $0xb8;
	[tilespmem:$0x19000] =	vst v63  }
0x33: {  	s0 =	simm.s32 $0xA080  }
0x34: {  	[tilespmem:s21], [sflag:$0x2] =	stream.indirect.gather [hbm4b:s4+s17], $0x40, s0, s17, $0xb8;
	[tilespmem:$0x19000] =	vst v63  }
0x35: {  	s0 =	simm.s32 $0xA100  }
0x36: {  	[tilespmem:s23], [sflag:$0x3] =	stream.indirect.gather [hbm4b:s4+s17], $0x40, s0, s17, $0xb8;
	[tilespmem:$0x19000] =	vst v63  }
0x37: {  	s0 =	simm.s32 $0xA180  }
0x38: {  	[tilespmem:s25], [sflag:$0x4] =	stream.indirect.gather [hbm4b:s4+s17], $0x40, s0, s17, $0xb8;
	[tilespmem:$0x19000] =	vst v63  }
0x39: {  	_ =	swait.ge [sflag:s26], $0x2000  }
0x3a: {  	[sflag:s26] =	ssyncset.done $0x0  }
0x3b: {  	s0 =	simm.s32 $0xC800;
	[sflag:s26] =	ssyncadd.s32 $0xFFFFE000  }
0x3c: {  	[spmem:s2] =	stream.indirect.scatter.add.f32 [tilespmem:s19], [sflag:$0x1], $0x40, s0, s17, $0xb8;
	[tilespmem:$0x19000] =	vst v63  }
0x3d: {  	s0 =	simm.s32 $0xA200  }
0x3e: {  	[tilespmem:s30], [sflag:$0x5] =	stream.indirect.gather [hbm4b:s4+s17], $0x40, s0, s17, $0xb8;
	[tilespmem:$0x19000] =	vst v63  }
0x3f: {  	_ =	swait.ge [sflag:s31], $0x2000  }
0x40: {  	[sflag:s31] =	ssyncset.done $0x0  }
0x41: {  	s0 =	simm.s32 $0xC880;
	[sflag:s31] =	ssyncadd.s32 $0xFFFFE000  }
0x42: {  	[spmem:s2] =	stream.indirect.scatter.add.f32 [tilespmem:s21], [sflag:$0x2], $0x40, s0, s17, $0xb8;
	[tilespmem:$0x19000] =	vst v63  }
0x43: {  	_ =	swait.ge [sflag:s26], $0x2000  }
0x44: {  	[sflag:s26] =	ssyncset.done $0x0  }
0x45: {  	s0 =	simm.s32 $0xA280;
	[sflag:s26] =	ssyncadd.s32 $0xFFFFE000  }
0x46: {  	[tilespmem:s19], [sflag:$0x1] =	stream.indirect.gather [hbm4b:s4+s17], $0x40, s0, s17, $0xb8;
	[tilespmem:$0x19000] =	vst v63  }
0x47: {  	_ =	swait.ge [sflag:s18], $0x2000  }
0x48: {  	[sflag:s18] =	ssyncset.done $0x0  }
0x49: {  	s0 =	simm.s32 $0xC900;
	[sflag:s18] =	ssyncadd.s32 $0xFFFFE000  }
0x4a: {  	[spmem:s2] =	stream.indirect.scatter.add.f32 [tilespmem:s23], [sflag:$0x3], $0x40, s0, s17, $0xb8;
	[tilespmem:$0x19000] =	vst v63  }
0x4b: {  	_ =	swait.ge [sflag:s31], $0x2000  }
0x4c: {  	[sflag:s31] =	ssyncset.done $0x0  }
0x4d: {  	s0 =	simm.s32 $0xA300;
	[sflag:s31] =	ssyncadd.s32 $0xFFFFE000  }
0x4e: {  	[tilespmem:s21], [sflag:$0x2] =	stream.indirect.gather [hbm4b:s4+s17], $0x40, s0, s17, $0xb8;
	[tilespmem:$0x19000] =	vst v63  }
0x4f: {  	_ =	swait.ge [sflag:s24], $0x2000  }
0x50: {  	[sflag:s24] =	ssyncset.done $0x0  }
0x51: {  	s0 =	simm.s32 $0xC980;
	[sflag:s24] =	ssyncadd.s32 $0xFFFFE000  }
0x52: {  	[spmem:s2] =	stream.indirect.scatter.add.f32 [tilespmem:s25], [sflag:$0x4], $0x40, s0, s17, $0xb8;
	[tilespmem:$0x19000] =	vst v63  }
0x53: {  	_ =	swait.ge [sflag:s18], $0x2000  }
0x54: {  	[sflag:s18] =	ssyncset.done $0x0  }
0x55: {  	s0 =	simm.s32 $0xA380;
	[sflag:s18] =	ssyncadd.s32 $0xFFFFE000  }
0x56: {  	[tilespmem:s23], [sflag:$0x3] =	stream.indirect.gather [hbm4b:s4+s17], $0x40, s0, s17, $0xb8;
	[tilespmem:$0x19000] =	vst v63  }
0x57: {  	_ =	swait.ge [sflag:s1], $0x2000  }
0x58: {  	[sflag:s1] =	ssyncset.done $0x0  }
0x59: {  	s0 =	simm.s32 $0xCA00;
	[sflag:s1] =	ssyncadd.s32 $0xFFFFE000  }
0x5a: {  	[spmem:s2] =	stream.indirect.scatter.add.f32 [tilespmem:s30], [sflag:$0x5], $0x40, s0, s17, $0xb8;
	[tilespmem:$0x19000] =	vst v63  }
0x5b: {  	_ =	swait.ge [sflag:s24], $0x2000  }
0x5c: {  	[sflag:s24] =	ssyncset.done $0x0  }
0x5d: {  	s0 =	simm.s32 $0xA400;
	[sflag:s24] =	ssyncadd.s32 $0xFFFFE000  }
0x5e: {  	[tilespmem:s25], [sflag:$0x4] =	stream.indirect.gather [hbm4b:s4+s17], $0x40, s0, s17, $0xb8;
	[tilespmem:$0x19000] =	vst v63  }
0x5f: {  	_ =	swait.ge [sflag:s26], $0x2000  }
0x60: {  	[sflag:s26] =	ssyncset.done $0x0  }
0x61: {  	s0 =	simm.s32 $0xCA80;
	[sflag:s26] =	ssyncadd.s32 $0xFFFFE000  }
0x62: {  	[spmem:s2] =	stream.indirect.scatter.add.f32 [tilespmem:s19], [sflag:$0x1], $0x40, s0, s17, $0xb8;
	[tilespmem:$0x19000] =	vst v63  }
0x63: {  	_ =	swait.ge [sflag:s1], $0x2000  }
0x64: {  	[sflag:s1] =	ssyncset.done $0x0  }
0x65: {  	s0 =	simm.s32 $0xA480;
	[sflag:s1] =	ssyncadd.s32 $0xFFFFE000  }
0x66: {  	[tilespmem:s30], [sflag:$0x5] =	stream.indirect.gather [hbm4b:s4+s17], $0x40, s0, s17, $0xb8;
	[tilespmem:$0x19000] =	vst v63  }
0x67: {  	_ =	swait.ge [sflag:s31], $0x2000  }
0x68: {  	[sflag:s31] =	ssyncset.done $0x0  }
0x69: {  	s0 =	simm.s32 $0xCB00;
	[sflag:s31] =	ssyncadd.s32 $0xFFFFE000  }
0x6a: {  	[spmem:s2] =	stream.indirect.scatter.add.f32 [tilespmem:s21], [sflag:$0x2], $0x40, s0, s17, $0xb8;
	[tilespmem:$0x19000] =	vst v63  }
0x6b: {  	_ =	swait.ge [sflag:s26], $0x2000  }
0x6c: {  	[sflag:s26] =	ssyncset.done $0x0  }
0x6d: {  	s0 =	simm.s32 $0xA500;
	[sflag:s26] =	ssyncadd.s32 $0xFFFFE000  }
0x6e: {  	[tilespmem:s19], [sflag:$0x1] =	stream.indirect.gather [hbm4b:s4+s17], $0x40, s0, s17, $0xb8;
	[tilespmem:$0x19000] =	vst v63  }
0x6f: {  	_ =	swait.ge [sflag:s18], $0x2000  }
0x70: {  	[sflag:s18] =	ssyncset.done $0x0  }
0x71: {  	s0 =	simm.s32 $0xCB80;
	[sflag:s18] =	ssyncadd.s32 $0xFFFFE000  }
0x72: {  	[spmem:s2] =	stream.indirect.scatter.add.f32 [tilespmem:s23], [sflag:$0x3], $0x40, s0, s17, $0xb8;
	[tilespmem:$0x19000] =	vst v63  }
0x73: {  	_ =	swait.ge [sflag:s31], $0x2000  }
0x74: {  	[sflag:s31] =	ssyncset.done $0x0  }
0x75: {  	s0 =	simm.s32 $0xA580;
	[sflag:s31] =	ssyncadd.s32 $0xFFFFE000  }
0x76: {  	[tilespmem:s21], [sflag:$0x2] =	stream.indirect.gather [hbm4b:s4+s17], $0x40, s0, s17, $0xb8;
	[tilespmem:$0x19000] =	vst v63  }
0x77: {  	_ =	swait.ge [sflag:s24], $0x2000  }
0x78: {  	[sflag:s24] =	ssyncset.done $0x0  }
0x79: {  	s0 =	simm.s32 $0xCC00;
	[sflag:s24] =	ssyncadd.s32 $0xFFFFE000  }
0x7a: {  	[spmem:s2] =	stream.indirect.scatter.add.f32 [tilespmem:s25], [sflag:$0x4], $0x40, s0, s17, $0xb8;
	[tilespmem:$0x19000] =	vst v63  }
0x7b: {  	_ =	swait.ge [sflag:s18], $0x2000  }
0x7c: {  	[sflag:s18] =	ssyncset.done $0x0  }
0x7d: {  	s0 =	simm.s32 $0xA600;
	[sflag:s18] =	ssyncadd.s32 $0xFFFFE000  }
0x7e: {  	[tilespmem:s23], [sflag:$0x3] =	stream.indirect.gather [hbm4b:s4+s17], $0x40, s0, s17, $0xb8;
	[tilespmem:$0x19000] =	vst v63  }
0x7f: {  	_ =	swait.ge [sflag:s1], $0x2000  }
0x80: {  	[sflag:s1] =	ssyncset.done $0x0  }
0x81: {  	s29 =	simm.s32 $0xCC80;
	s28 =	simm.s32 $0xA00;
	[sflag:s1] =	ssyncadd.s32 $0xFFFFE000  }
.LBB2_2:
0x82: {  	[spmem:s2] =	stream.indirect.scatter.add.f32 [tilespmem:s30], [sflag:$0x5], $0x40, s29, s17, $0xb8;
	[tilespmem:$0x19000] =	vst v63  }
0x83: {  	s0 =	smov.u32 s28;
	s28 =	sadd.s32 $0xA00, s28;
	_ =	swait.ge [sflag:s24], $0x2000  }
0x84: {  	s29 =	sshra.s32 s0, $0x2;
	p1 =	sne.s32 s28, $0x8C00;
	[sflag:s24] =	ssyncset.done $0x0  }
0x85: {  	s0 =	sadd.s32 $0xA400, s29;
	[sflag:s24] =	ssyncadd.s32 $0xFFFFE000  }
0x86: {  	[tilespmem:s25], [sflag:$0x4] =	stream.indirect.gather [hbm4b:s4+s17], $0x40, s0, s17, $0xb8;
	[tilespmem:$0x19000] =	vst v63  }
0x87: {  	_ =	swait.ge [sflag:s26], $0x2000  }
0x88: {  	[sflag:s26] =	ssyncset.done $0x0  }
0x89: {  	s0 =	sadd.s32 $0xCA80, s29;
	[sflag:s26] =	ssyncadd.s32 $0xFFFFE000  }
0x8a: {  	[spmem:s2] =	stream.indirect.scatter.add.f32 [tilespmem:s19], [sflag:$0x1], $0x40, s0, s17, $0xb8;
	[tilespmem:$0x19000] =	vst v63  }
0x8b: {  	_ =	swait.ge [sflag:s1], $0x2000  }
0x8c: {  	[sflag:s1] =	ssyncset.done $0x0  }
0x8d: {  	s0 =	sadd.s32 $0xA480, s29;
	[sflag:s1] =	ssyncadd.s32 $0xFFFFE000  }
0x8e: {  	[tilespmem:s30], [sflag:$0x5] =	stream.indirect.gather [hbm4b:s4+s17], $0x40, s0, s17, $0xb8;
	[tilespmem:$0x19000] =	vst v63  }
0x8f: {  	_ =	swait.ge [sflag:s31], $0x2000  }
0x90: {  	[sflag:s31] =	ssyncset.done $0x0  }
0x91: {  	s0 =	sadd.s32 $0xCB00, s29;
	[sflag:s31] =	ssyncadd.s32 $0xFFFFE000  }
0x92: {  	[spmem:s2] =	stream.indirect.scatter.add.f32 [tilespmem:s21], [sflag:$0x2], $0x40, s0, s17, $0xb8;
	[tilespmem:$0x19000] =	vst v63  }
0x93: {  	_ =	swait.ge [sflag:s26], $0x2000  }
0x94: {  	[sflag:s26] =	ssyncset.done $0x0  }
0x95: {  	s0 =	sadd.s32 $0xA500, s29;
	[sflag:s26] =	ssyncadd.s32 $0xFFFFE000  }
0x96: {  	[tilespmem:s19], [sflag:$0x1] =	stream.indirect.gather [hbm4b:s4+s17], $0x40, s0, s17, $0xb8;
	[tilespmem:$0x19000] =	vst v63  }
0x97: {  	_ =	swait.ge [sflag:s18], $0x2000  }
0x98: {  	[sflag:s18] =	ssyncset.done $0x0  }
0x99: {  	s0 =	sadd.s32 $0xCB80, s29;
	[sflag:s18] =	ssyncadd.s32 $0xFFFFE000  }
0x9a: {  	[spmem:s2] =	stream.indirect.scatter.add.f32 [tilespmem:s23], [sflag:$0x3], $0x40, s0, s17, $0xb8;
	[tilespmem:$0x19000] =	vst v63  }
0x9b: {  	_ =	swait.ge [sflag:s31], $0x2000  }
0x9c: {  	[sflag:s31] =	ssyncset.done $0x0  }
0x9d: {  	s0 =	sadd.s32 $0xA580, s29;
	[sflag:s31] =	ssyncadd.s32 $0xFFFFE000  }
0x9e: {  	[tilespmem:s21], [sflag:$0x2] =	stream.indirect.gather [hbm4b:s4+s17], $0x40, s0, s17, $0xb8;
	[tilespmem:$0x19000] =	vst v63  }
0x9f: {  	_ =	swait.ge [sflag:s24], $0x2000  }
0xa0: {  	[sflag:s24] =	ssyncset.done $0x0  }
0xa1: {  	s0 =	sadd.s32 $0xCC00, s29;
	[sflag:s24] =	ssyncadd.s32 $0xFFFFE000  }
0xa2: {  	[spmem:s2] =	stream.indirect.scatter.add.f32 [tilespmem:s25], [sflag:$0x4], $0x40, s0, s17, $0xb8;
	[tilespmem:$0x19000] =	vst v63  }
0xa3: {  	_ =	swait.ge [sflag:s18], $0x2000  }
0xa4: {  	[sflag:s18] =	ssyncset.done $0x0  }
.Ltmp0:
0xa5: {  	s0 =	sadd.s32 $0xA600, s29;
	[sflag:s18] =	ssyncadd.s32 $0xFFFFE000;
	(pc) =	sbr.rel @p1 .LBB2_2-.Ltmp0, $4  }
0xa6: {  	[tilespmem:s23], [sflag:$0x3] =	stream.indirect.gather [hbm4b:s4+s17], $0x40, s0, s17, $0xb8;
	[tilespmem:$0x19000] =	vst v63  }
0xa7: {  	_ =	swait.ge [sflag:s1], $0x2000  }
0xa8: {  	[sflag:s1] =	ssyncset.done $0x0  }
0xa9: {  	s29 =	sadd.s32 $0xCC80, s29;
	[sflag:s1] =	ssyncadd.s32 $0xFFFFE000  }
0xaa: {  	[spmem:s2] =	stream.indirect.scatter.add.f32 [tilespmem:s30], [sflag:$0x5], $0x40, s29, s17, $0xb8;
	[tilespmem:$0x19000] =	vst v63  }
0xab: {  	_ =	swait.ge [sflag:s24], $0x2000  }
0xac: {  	s0 =	sshra.s32 s28, $0x2;
	[sflag:s24] =	ssyncset.done $0x0  }
0xad: {  	s28 =	sadd.s32 $0xA400, s0;
	[sflag:s24] =	ssyncadd.s32 $0xFFFFE000  }
0xae: {  	[tilespmem:s25], [sflag:$0x4] =	stream.indirect.gather [hbm4b:s4+s17], $0x40, s28, s17, $0xb8;
	[tilespmem:$0x19000] =	vst v63  }
0xaf: {  	_ =	swait.ge [sflag:s26], $0x2000  }
0xb0: {  	[sflag:s26] =	ssyncset.done $0x0  }
0xb1: {  	s29 =	sadd.s32 $0xCA80, s0;
	[sflag:s26] =	ssyncadd.s32 $0xFFFFE000  }
0xb2: {  	[spmem:s2] =	stream.indirect.scatter.add.f32 [tilespmem:s19], [sflag:$0x1], $0x40, s29, s17, $0xb8;
	[tilespmem:$0x19000] =	vst v63  }
0xb3: {  	_ =	swait.ge [sflag:s1], $0x2000  }
0xb4: {  	[sflag:s1] =	ssyncset.done $0x0  }
0xb5: {  	[sflag:s1] =	ssyncadd.s32 $0xFFFFE000  }
0xb6: {  	[tilespmem:s30], [sflag:$0x5] =	stream.indirect.gather [hbm4b:s4+s17], $0x40, s20, s17, $0xb8;
	[tilespmem:$0x19000] =	vst v63  }
0xb7: {  	_ =	swait.ge [sflag:s31], $0x2000  }
0xb8: {  	[sflag:s31] =	ssyncset.done $0x0  }
0xb9: {  	s29 =	sadd.s32 $0xCB00, s0;
	[sflag:s31] =	ssyncadd.s32 $0xFFFFE000  }
0xba: {  	[spmem:s2] =	stream.indirect.scatter.add.f32 [tilespmem:s21], [sflag:$0x2], $0x40, s29, s17, $0xb8;
	[tilespmem:$0x19000] =	vst v63  }
0xbb: {  	_ =	swait.ge [sflag:s18], $0x2000  }
0xbc: {  	[sflag:s18] =	ssyncset.done $0x0  }
0xbd: {  	s29 =	sadd.s32 $0xCB80, s0;
	[sflag:s18] =	ssyncadd.s32 $0xFFFFE000  }
0xbe: {  	[spmem:s2] =	stream.indirect.scatter.add.f32 [tilespmem:s23], [sflag:$0x3], $0x40, s29, s17, $0xb8;
	[tilespmem:$0x19000] =	vst v63  }
0xbf: {  	_ =	swait.ge [sflag:s24], $0x2000  }
0xc0: {  	[sflag:s24] =	ssyncset.done $0x0  }
0xc1: {  	s0 =	sadd.s32 $0xCC00, s0;
	[sflag:s24] =	ssyncadd.s32 $0xFFFFE000  }
0xc2: {  	[spmem:s2] =	stream.indirect.scatter.add.f32 [tilespmem:s25], [sflag:$0x4], $0x40, s0, s17, $0xb8;
	[tilespmem:$0x19000] =	vst v63  }
0xc3: {  	_ =	swait.ge [sflag:s1], $0x2000  }
0xc4: {  	[sflag:s1] =	ssyncset.done $0x0  }
0xc5: {  	[sflag:s1] =	ssyncadd.s32 $0xFFFFE000  }
0xc6: {  	[spmem:s2] =	stream.indirect.scatter.add.f32 [tilespmem:s30], [sflag:$0x5], $0x40, s22, s17, $0xb8;
	[tilespmem:$0x19000] =	vst v63  }
0xc7: {  	_ =	swait.ge [sflag:s26], $0x2000  }
0xc8: {  	[sflag:s26] =	ssyncset.done $0x0  }
0xc9: {  	[sflag:s26] =	ssyncadd.s32 $0xFFFFE000  }
0xca: {  	_ =	swait.ge [sflag:s31], $0x2000  }
0xcb: {  	[sflag:s31] =	ssyncset.done $0x0  }
0xcc: {  	[sflag:s31] =	ssyncadd.s32 $0xFFFFE000  }
0xcd: {  	_ =	swait.ge [sflag:s18], $0x2000  }
0xce: {  	[sflag:s18] =	ssyncset.done $0x0  }
0xcf: {  	[sflag:s18] =	ssyncadd.s32 $0xFFFFE000  }
0xd0: {  	_ =	swait.ge [sflag:s24], $0x2000  }
0xd1: {  	[sflag:s24] =	ssyncset.done $0x0  }
0xd2: {  	[sflag:s24] =	ssyncadd.s32 $0xFFFFE000  }
0xd3: {  	_ =	swait.ge [sflag:s1], $0x2000  }
0xd4: {  	s3 =	sadd.s32 $0x1, s3;
	[sflag:s1] =	ssyncset.done $0x0  }
0xd5: {  	p1 =	sne.s32 s3, s14;
	[sflag:s1] =	ssyncadd.s32 $0xFFFFE000  }
.Ltmp1:
0xd6: {  	[bflag:$0x0] =	sbarrier.arrive $0xFFFF;
	(pc) =	sbr.rel @p1 .LBB2_1-.Ltmp1, $4  }
0xd7: {  	[hbm:s13], [sflag:s7] =	dma.local [spmem:s15], $0x1400  }
0xd8: {  	_ =	swait.ge [sflag:s16], $0x1400  }
0xd9: {  	[sflag:s16] =	ssyncset.done $0x0  }
0xda: {  	[sflag:s16] =	ssyncadd.s32 $0xFFFFEC00  }
0xdb: {  	_ =	sfence.sel $0x180000  }
0xdc: {  	[bflag:$0x0] =	sbarrier.arrive $0xFFFF  }
0xdd: {  	_ =	strace $0x9000004A  }
0xde: {  	s0 =	stileid.u32;
	[bflag:$0x2] =	sbarrier.arrive $0xFFFF  }
0xdf: {  	p0 =	sne.s32 s0, $0x0;
	s0 =	rddreg [dreg:$0x2]  }
0xe0: {  	s0 =	sadd.s32 @!p0 $0x100000, s0  }
0xe1: {  	[sflag:s0] =	ssyncadd.tile.s32 @!p0 $0x1;
	_ =	shalt  }
.Lfunc_end2:
_tile_overlayer_lowered:
.L_overlay_start_2:
0xe2: {  	(tag) =	ssettag $0x2  }
0xe3: {  	s0 =	rddreg [dreg:$0x0];
	s2 =	stileid.u32  }
0xe4: {  	s1 =	rddreg [dreg:$0x1];
	p0 =	sne.s32 s2, $0x0  }
0xe5: {  	s3 =	rddreg [dreg:$0x2];
	[bflag:$0x3] =	sbarrier.arrive $0xFFFF;
	s2 =	simm.s32 @!p0 $0x1C06  }
0xe6: {  	[timem:s3], [sflag:s2] =	dma.local @!p0 [hbm:s0], s1  }
0xe7: {  	s0 =	simm.s32 @!p0 $0x6  }
0xe8: {  	_ =	swait.ge @!p0 [sflag:s0], s1  }
0xe9: {  	s1 =	ssub.s32 @!p0 $0x0, s1;
	[sflag:s0] =	ssyncset.done @!p0 $0x0  }
0xea: {  	[sflag:s0] =	ssyncadd.s32 @!p0 s1  }
0xeb: {  	[bflag:$0x3] =	sbarrier.arrive $0xFFFF  }
0xec: {  	_ =	shalt  }

// kernel: kernel.8.cloned.1.call-start
scs
__scs_entry_jumppad:
0x0: {  	(pc) =	sbr.rel $0x88, $3  }
0x1: {  	(tag) =	ssettag $0x0;
	lr =	simm.s32 $0x1  }
0x2: {  	[smem:$0x3F94] =	sst lr;
	_ =	strace $0xD0000000  }
0x3: {  	_ = 	snop  }
0x4: {  	_ = 	snop  }
0x5: {  	_ = 	snop  }
0x6: {  	_ = 	snop  }
0x7: {  	_ = 	snop  }
__scs_overlays_trampoline_lowered:
0x8: {  	[smem:$0x3FA3] =	sst s0  }
0x9: {  	[smem:$0x3FA4] =	sst s1  }
0xa: {  	[smem:$0x3FA5] =	sst s2  }
0xb: {  	[smem:$0x3FA6] =	sst s3  }
0xc: {  	[smem:$0x3FA7] =	sst s4  }
0xd: {  	[smem:$0x3FA8] =	sst s5  }
0xe: {  	[smem:$0x3FA9] =	sst s6  }
0xf: {  	[smem:$0x3FAA] =	sst s7  }
0x10: {  	[smem:$0x3FAB] =	sst s8  }
0x11: {  	[smem:$0x3FAC] =	sst s9;
	s0 =	simm.s32 @!p0 $0x0  }
0x12: {  	s1 =	sld [smem:$0x3F92];
	s0 =	simm.s32 @p0 $0x1  }
0x13: {  	[smem:$0x3FAD] =	sst s0;
	s0 =	simm.s32 @!p1 $0x0  }
0x14: {  	s2 =	sld [smem:$0x3F91];
	s0 =	simm.s32 @p1 $0x1  }
0x15: {  	[smem:$0x3FAE] =	sst s0;
	s0 =	simm.s32 @!p2 $0x0  }
0x16: {  	s3 =	sld [smem:$0x3FDB];
	s0 =	simm.s32 @p2 $0x1  }
0x17: {  	s4 =	simm.s32 $0x1BF5;
	[smem:$0x3FB0] =	sst s0  }
0x18: {  	s0 =	sld [smem:$0x3F93];
	_ =	swait.ge [sflag:s4], $0x0  }
0x19: {  	s7 =	sld [smem:$0x3F94]  }
0x1a: {  	s8 =	sadd.s32 $0xFFFFE003, lr  }
0x1b: {  	s9 =	sadd.s32 $0xFFFFFEF7, lr;
	s5 =	simm.s32 $0xFFFFFFFF;
	p2 =	slt.u32 s8, $0xFFFFF086  }
0x1c: {  	p1 =	slt.u32 s9, $0xF7A;
	s5 =	simm.s32 @!p2 $0x0  }
0x1d: {  	s5 =	simm.s32 @p1 $0x1;
	p0 =	seq.s32 s7, s2  }
0x1e: {  	s7 =	smul.u32 @!p0 $0xF7A, s2;
	p2 =	seq.s32 @!p0 s5, $0x0  }
0x1f: {  	s9 =	smul.u32 $0xF7A, s1;
	s8 =	simm.s32 @!p0 $0x1BF5;
	p2 =	por !p2, p0  }
0x20: {  	[sflag:s8] =	ssyncset.s32 @!p0 $0xFFFFF086;
	s6 =	sadd.s32 @!p0 s3, s7;
	s7 =	simm.s32 @!p0 $0x108  }
0x21: {  	s3 =	sadd.s32 s3, s9;
	s6 =	sadd.s32 @!p0 $0x88, s6;
	s7 =	simm.s32 @p2 $0x1082  }
0x22: {  	[simem:s7], [sflag:s8] =	dma.local @!p0 [hbm:s6], $0xF7A  }
0x23: {  	s9 =	sor.u32 $0xD0000000, s2;
	s6 =	simm.s32 $0x108;
	_ =	swait.ge @!p0 [sflag:s8], $0x0  }
0x24: {  	s3 =	sadd.s32 $0x88, s3;
	s6 =	simm.s32 @!p1 $0x1082;
	[sflag:s4] =	ssyncset.s32 $0xFFFFF086  }
0x25: {  	[simem:s6], [sflag:s4] =	dma.local [hbm:s3], $0xF7A  }
0x26: {  	[smem:$0x3F94] =	sst s1;
	(tag) =	ssettag s2;
	_ =	strace s9  }
0x27: {  	s1 =	sld [smem:$0x3FA4]  }
0x28: {  	s2 =	sld [smem:$0x3FA5]  }
0x29: {  	s4 =	sld [smem:$0x3FA7]  }
0x2a: {  	p0 =	seq.s32 s5, $0x0;
	s5 =	sld [smem:$0x3FA8]  }
0x2b: {  	s6 =	sld [smem:$0x3FA9]  }
0x2c: {  	s7 =	sld [smem:$0x3FAA]  }
0x2d: {  	s3 =	simm.s32 $0x108;
	s8 =	sld [smem:$0x3FAB]  }
0x2e: {  	s3 =	simm.s32 @!p0 $0x1082;
	s9 =	sld [smem:$0x3FAC]  }
0x2f: {  	lr =	sadd.s32 s0, s3;
	s0 =	sld [smem:$0x3FA3]  }
0x30: {  	s3 =	sld [smem:$0x3FA6]  }
0x31: {  	[smem:$0x3FAF] =	sst s10  }
0x32: {  	s10 =	sld [smem:$0x3FAD];
	_ =	sdelay $0x3  }
0x33: {  	p0 =	seq.s32 s10, $0x1;
	s10 =	sld [smem:$0x3FAF];
	_ =	sdelay $0x3  }
0x34: {  	[smem:$0x3FAF] =	sst s10  }
0x35: {  	s10 =	sld [smem:$0x3FAE];
	_ =	sdelay $0x3  }
0x36: {  	p1 =	seq.s32 s10, $0x1;
	s10 =	sld [smem:$0x3FAF];
	_ =	sdelay $0x3  }
0x37: {  	[smem:$0x3FAF] =	sst s10  }
0x38: {  	s10 =	sld [smem:$0x3FB0]  }
0x39: {  	_ = 	snop;
	(pc) =	sbr.ind lr, $3  }
0x3a: {  	_ = 	snop  }
0x3b: {  	_ = 	snop  }
0x3c: {  	p2 =	seq.s32 s10, $0x1;
	s10 =	sld [smem:$0x3FAF]  }
0x3d: {  	_ =	shalt  }
0x3e: {  	_ =	shalt  }
0x3f: {  	_ =	shalt  }
0x40: {  	_ =	shalt  }
0x41: {  	_ =	shalt  }
0x42: {  	_ =	shalt  }
0x43: {  	_ =	shalt  }
0x44: {  	_ =	shalt  }
0x45: {  	_ =	shalt  }
0x46: {  	_ =	shalt  }
0x47: {  	_ =	shalt  }
0x48: {  	_ =	shalt  }
0x49: {  	_ =	shalt  }
0x4a: {  	_ =	shalt  }
0x4b: {  	_ =	shalt  }
0x4c: {  	_ =	shalt  }
0x4d: {  	_ =	shalt  }
0x4e: {  	_ =	shalt  }
0x4f: {  	_ =	shalt  }
0x50: {  	_ =	shalt  }
0x51: {  	_ =	shalt  }
0x52: {  	_ =	shalt  }
0x53: {  	_ =	shalt  }
0x54: {  	_ =	shalt  }
0x55: {  	_ =	shalt  }
0x56: {  	_ =	shalt  }
0x57: {  	_ =	shalt  }
0x58: {  	_ =	shalt  }
0x59: {  	_ =	shalt  }
0x5a: {  	_ =	shalt  }
0x5b: {  	_ =	shalt  }
0x5c: {  	_ =	shalt  }
0x5d: {  	_ =	shalt  }
0x5e: {  	_ =	shalt  }
0x5f: {  	_ =	shalt  }
0x60: {  	_ =	shalt  }
0x61: {  	_ =	shalt  }
0x62: {  	_ =	shalt  }
0x63: {  	_ =	shalt  }
0x64: {  	_ =	shalt  }
0x65: {  	_ =	shalt  }
0x66: {  	_ =	shalt  }
0x67: {  	_ =	shalt  }
0x68: {  	_ =	shalt  }
0x69: {  	_ =	shalt  }
0x6a: {  	_ =	shalt  }
0x6b: {  	_ =	shalt  }
0x6c: {  	_ =	shalt  }
0x6d: {  	_ =	shalt  }
0x6e: {  	_ =	shalt  }
0x6f: {  	_ =	shalt  }
0x70: {  	_ =	shalt  }
0x71: {  	_ =	shalt  }
0x72: {  	_ =	shalt  }
0x73: {  	_ =	shalt  }
0x74: {  	_ =	shalt  }
0x75: {  	_ =	shalt  }
0x76: {  	_ =	shalt  }
0x77: {  	_ =	shalt  }
0x78: {  	_ =	shalt  }
0x79: {  	_ =	shalt  }
0x7a: {  	_ =	shalt  }
0x7b: {  	_ =	shalt  }
0x7c: {  	_ =	shalt  }
0x7d: {  	_ =	shalt  }
0x7e: {  	_ =	shalt  }
0x7f: {  	_ =	shalt  }
0x80: {  	_ =	shalt  }
0x81: {  	_ =	shalt  }
0x82: {  	_ =	shalt  }
0x83: {  	_ =	shalt  }
0x84: {  	_ =	shalt  }
0x85: {  	_ =	shalt  }
0x86: {  	_ =	shalt  }
0x87: {  	_ =	shalt  }
.Lfunc_end0:
.L_simem_size_0:
called_computation_lowered:
.L_overlay_start_0:
0x88: {  	s2 =	sld [smem:$0x3FD9]  }
0x89: {  	s3 =	sld [smem:$0x3FFE];
	_ =	sdelay $0x1  }
0x8a: {  	s1 =	srdreg.scid  }
0x8b: {  	s0 =	sand.u32 $0x1, s1  }
0x8c: {  	s17 =	sshll.u32 s0, $0xA;
	s2 =	sadd.s32 s3, s2  }
0x8d: {  	s2 =	sadd.s32 s2, s17  }
0x8e: {  	[smem:$0x3FBB] =	sst s2  }
0x8f: {  	_ = 	snop  }
0x90: {  	s2 =	sld [smem:$0x3FD0];
	(tm) =	ssettm $0x1  }
0x91: {  	s18 =	sld [smem:$0x3FFB];
	_ =	sdelay $0x3  }
0x92: {  	_ =	strace s18  }
0x93: {  	s3 =	sld [smem:$0x3FFC];
	_ =	sdelay $0x3  }
0x94: {  	_ =	strace s3  }
0x95: {  	s3 =	sld [smem:$0x3FFD];
	_ =	sdelay $0x3  }
0x96: {  	_ =	strace s3  }
0x97: {  	_ =	strace $0x8FFFFFFF  }
0x98: {  	s19 =	sld [smem:$0x3FDB];
	_ =	sdelay $0x1  }
0x99: {  	s4 =	simm.s32 $_scs_section_size  }
0x9a: {  	s5 =	simm.s32 $_size__tile_overlayer_lowered;
	s6 =	simm.s32 $_tile_overlayer_lowered  }
0x9b: {  	s22 =	simm.s32 $0x1BFF;
	s21 =	sshll.u32 s6, $0x1;
	s3 =	sadd.s32 s4, s19  }
0x9c: {  	s7 =	simm.s32 $0x0;
	s20 =	sshll.u32 s5, $0x1;
	s5 =	sadd.s32 s21, s3  }
0x9d: {  	[timem:s7], [sflag:s22] =	dma.local [hbm:s5], s20  }
0x9e: {  	_ =	swait.ge [sflag:s22], s20  }
0x9f: {  	s4 =	ssub.s32 $0x0, s20;
	[sflag:s22] =	ssyncset.done $0x0  }
0xa0: {  	[sflag:s22] =	ssyncadd.s32 s4;
	_ =	sdelay $0x1  }
0xa1: {  	s23 =	simm.s32 $0x1B8B  }
0xa2: {  	_ =	swait.ge [sflag:s23], $0x1  }
0xa3: {  	[sflag:s23] =	ssyncset.done $0x0  }
0xa4: {  	s25 =	simm.s32 $0x1B8E;
	s24 =	sld [smem:$0x3FFE];
	[sflag:s23] =	ssyncadd.s32 $0xFFFFFFFF  }
0xa5: {  	s26 =	simm.s32 $execute0_lowered;
	[smem:$0x3FD2] =	sst s25  }
0xa6: {  	s5 =	sshll.u32 s26, $0x1;
	_ =	strace $0x80000046;
	[dreg:$0x1] =	wrdreg $0xFFFFFFFF  }
0xa7: {  	s28 =	simm.s32 $_size_execute0_lowered;
	s3 =	sadd.s32 s3, s5;
	[dreg:$0x0] =	wrdreg $0x0  }
0xa8: {  	s5 =	sshll.u32 s28, $0x1;
	[dreg:$0x2] =	wrdreg s3  }
0xa9: {  	[dreg:$0x3] =	wrdreg s5  }
0xaa: {  	[dreg:$0x4] =	wrdreg $0xC0  }
0xab: {  	_ =	task [dreg:s7], $0x5FFFF  }
0xac: {  	[dreg:$0x1] =	wrdreg $0xFFFFFFFF  }
0xad: {  	[dreg:$0x0] =	wrdreg $0x60  }
0xae: {  	[dreg:$0x2] =	wrdreg s24  }
0xaf: {  	[dreg:$0x3] =	wrdreg s2  }
0xb0: {  	[dreg:$0x4] =	wrdreg $0x0  }
0xb1: {  	[dreg:$0x5] =	wrdreg $0x190000  }
0xb2: {  	[dreg:$0x6] =	wrdreg $0x9  }
0xb3: {  	_ =	task.clear_ibuf [dreg:s7], $0x7FFFF;
	_ =	strace $0x90000046  }
0xb4: {  	s29 =	simm.s32 $0x9;
	_ =	strace $0x80000048  }
0xb5: {  	_ =	swait.ge [sflag:s29], $0x1  }
0xb6: {  	[sflag:s29] =	ssyncadd.s32 $0xFFFFFFFF  }
0xb7: {  	_ =	strace $0x90000048  }
0xb8: {  	_ =	sfence  }
0xb9: {  	s30 =	sld [smem:$0x0];
	_ =	sdelay $0x2  }
0xba: {  	s31 =	sshll.u32 s1, $0xD;
	s1 =	sshrl.u32 s1, $0x2  }
0xbb: {  	s3 =	sand.u32 $0x4000, s31;
	s1 =	sadd.s32 s1, s30  }
0xbc: {  	s0 =	sor.u32 s3, s0;
	s1 =	sshll.u32 s1, $0x11  }
0xbd: {  	s0 =	sor.u32 s1, s0  }
0xbe: {  	s0 =	sadd.s32 $0x8F2B, s0  }
0xbf: {  	[sflag:s0] =	ssyncadd.remote.s32 $0x1  }
0xc0: {  	_ =	sfence.sel $0xFFFF  }
0xc1: {  	[dreg:$0x0] =	wrdreg $0xFFFFFFFF;
	(pc) =	sbr.abs _section_cstart, $3  }
0xc2: {  	[dreg:$0x1] =	wrdreg $0xFFFFFFFF  }
0xc3: {  	_ =	task.clear_ibuf [dreg:s7], $0x2FFFF;
	_ =	strace $0x9FFFFFFF  }
0xc4: {  	(tm) =	ssettm $0x7FFFFFFF  }
0xc5: {  	_ =	shalt  }
tec
execute0_lowered:
.L_overlay_start_1:
0x0: {  	(tag) =	ssettag $0x1  }
0x1: {  	s0 =	rddreg [dreg:$0x0];
	s1 =	srdreg.scid  }
0x2: {  	s12 =	stileid.u32;
	s3 =	rddreg [dreg:$0x2]  }
0x3: {  	s4 =	rddreg [dreg:$0x3];
	s6 =	simm.s32 $0x0;
	s28 =	simm.s32 $0x11000  }
0x4: {  	s31 =	simm.s32 $0x15000;
	s29 =	simm.s32 $0x0;
	s2 =	smul.u32 $0xA0, s12  }
0x5: {  	s1 =	sand.u32 $0x1, s1;
	s7 =	smul.u32 $0xA000, s12;
	[smem:$0x7FF] =	sst s6  }
0x6: {  	s15 =	smul.u32 $0x1400, s12;
	s6 =	sadd.s32 $0x2A00, s0;
	s10 =	sadd.s32 $0x29E00, s0  }
0x7: {  	s16 =	sadd.s32 $0x2A600, s0;
	s17 =	sadd.s32 $0x2BA00, s0;
	p0 =	seq.s32 s12, $0xF  }
0x8: {  	s20 =	sshll.u32 s12, $0x6;
	_ =	strace $0x80000047;
	[dreg:$0x5] =	wrdreg s10  }
0x9: {  	s22 =	sadd.s32 $0x1FF00, s0;
	s5 =	smul.u32 $0x50, s1;
	[dreg:$0x6] =	wrdreg s16  }
0xa: {  	s23 =	sadd.s32 $0x29B40, s0;
	s8 =	smul.u32 $0xA0000, s1;
	[dreg:$0x7] =	wrdreg s17  }
0xb: {  	s9 =	smul.u32 $0x14000, s1;
	s18 =	ssub.s32 $0x2, s1;
	[dreg:$0xa] =	wrdreg s22  }
0xc: {  	p1 =	seq.s32 s1, $0x1;
	s10 =	sor.u32 $0x1C06, s20;
	[dreg:$0xb] =	wrdreg s23  }
0xd: {  	s20 =	simm.s32 $0x6;
	s22 =	simm.s32 $0x1A400;
	s23 =	simm.s32 $0x80  }
0xe: {  	s1 =	simm.s32 $0x2;
	s11 =	sshrl.u32 s18, $0x1;
	s19 =	sadd.s32 s7, s3  }
0xf: {  	p0 =	por !p0, !p1;
	s24 =	sadd.s32 s15, s4;
	s2 =	sadd.s32 s5, s2  }
0x10: {  	s8 =	sadd.s32 s7, s8;
	s9 =	sadd.s32 s15, s9;
	s11 =	ssub.s32 s18, s11  }
0x11: {  	s2 =	sshll.u32 s2, $0x4;
	s8 =	sshrl.u32 s8, $0x3;
	s9 =	sshrl.u32 s9, $0x3  }
0x12: {  	s30 =	smax.u32 s11, $0x1;
	s2 =	sadd.s32 s2, s0;
	s8 =	sadd.s32 s8, s0  }
0x13: {  	s9 =	sadd.s32 s9, s0;
	s0 =	sadd.s32 $0x2A1C0, s0;
	[dreg:$0xf] =	wrdreg s30  }
0x14: {  	p0 =	por !p0, !p0;
	s21 =	sadd.s32 $0x16400, s2;
	[dreg:$0xc] =	wrdreg s0  }
0x15: {  	s19 =	sshrl.u32 s19, $0x3;
	s2 =	sadd.s32 $0x20040, s2;
	[dreg:$0x8] =	wrdreg s21  }
0x16: {  	s5 =	simm.s32 $0x4;
	s25 =	sadd.s32 $0x2BC00, s8;
	[dreg:$0x9] =	wrdreg s2  }
0x17: {  	s26 =	sadd.s32 $0x53C00, s9;
	s0 =	simm.s32 $0x17000;
	[dreg:$0xd] =	wrdreg s25  }
0x18: {  	[dreg:$0xe] =	wrdreg s26;
	s21 =	sshrl.u32 s24, $0x3;
	s25 =	simm.s32 $0xF000  }
0x19: {  	s2 =	simm.s32 $0x1;
	s24 =	simm.s32 $0x5;
	s26 =	simm.s32 $0x3  }
.LBB2_1:
0x1a: {  	s7 =	rddreg [dreg:$0x6]  }
0x1b: {  	[spmem:s19], [sflag:s10] =	dma.local [hbm:s7], $0x1400  }
0x1c: {  	_ =	swait.ge [sflag:s20], $0x1400  }
0x1d: {  	s8 =	simm.s32 @!p0 $0xA000;
	[sflag:s20] =	ssyncset.done $0x0  }
0x1e: {  	s7 =	simm.s32 @!p0 $0x0;
	s9 =	rddreg [dreg:$0x8];
	[sflag:s20] =	ssyncadd.s32 $0xFFFFEC00  }
0x1f: {  	[tilespmem:s8], [sflag:$0x6] =	stream.linear.gather @!p0 [hbm4b:s9+s7], $0x2800, $0x38;
	[tilespmem:$0x1A800] =	vst v63  }
0x20: {  	s8 =	simm.s32 @!p0 $0x6  }
0x21: {  	_ =	swait.ge @!p0 [sflag:s8], $0x2800  }
0x22: {  	[sflag:s8] =	ssyncset.done @!p0 $0x0  }
0x23: {  	s9 =	simm.s32 @!p0 $0xC800;
	s11 =	rddreg [dreg:$0x9];
	[sflag:s8] =	ssyncadd.s32 @!p0 $0xFFFFD800  }
0x24: {  	[tilespmem:s9], [sflag:$0x6] =	stream.linear.gather @!p0 [hbm4b:s11+s7], $0x2800, $0x38;
	[tilespmem:$0x1A800] =	vst v63  }
0x25: {  	_ =	swait.ge @!p0 [sflag:s8], $0x2800  }
0x26: {  	s7 =	simm.s32 @p0 $0x0;
	[sflag:s8] =	ssyncset.done @!p0 $0x0  }
0x27: {  	s9 =	rddreg [dreg:$0xa];
	[sflag:s8] =	ssyncadd.s32 @!p0 $0xFFFFD800;
	s8 =	simm.s32 @p0 $0xA000  }
0x28: {  	[tilespmem:s8], [sflag:$0x6] =	stream.linear.gather @p0 [hbm4b:s9+s7], $0xA00, $0x38;
	[tilespmem:$0x1A800] =	vst v63  }
0x29: {  	s8 =	simm.s32 @p0 $0x6  }
0x2a: {  	_ =	swait.ge @p0 [sflag:s8], $0xA00  }
0x2b: {  	[sflag:s8] =	ssyncset.done @p0 $0x0  }
0x2c: {  	s9 =	simm.s32 @p0 $0xAA00;
	s11 =	rddreg [dreg:$0x5];
	[sflag:s8] =	ssyncadd.s32 @p0 $0xFFFFF600  }
0x2d: {  	[tilespmem:s9], [sflag:$0x6] =	stream.linear.gather @p0 [hbm4b:s11+s7], $0x1E00, $0x38;
	[tilespmem:$0x1A800] =	vst v63  }
0x2e: {  	_ =	swait.ge @p0 [sflag:s8], $0x1E00  }
0x2f: {  	[sflag:s8] =	ssyncset.done @p0 $0x0  }
0x30: {  	s9 =	simm.s32 @p0 $0xC800;
	s11 =	rddreg [dreg:$0xb];
	[sflag:s8] =	ssyncadd.s32 @p0 $0xFFFFE200  }
0x31: {  	[tilespmem:s9], [sflag:$0x6] =	stream.linear.gather @p0 [hbm4b:s11+s7], $0xA00, $0x38;
	[tilespmem:$0x1A800] =	vst v63  }
0x32: {  	_ =	swait.ge @p0 [sflag:s8], $0xA00  }
0x33: {  	[sflag:s8] =	ssyncset.done @p0 $0x0  }
0x34: {  	s9 =	simm.s32 @p0 $0xD200;
	s11 =	rddreg [dreg:$0xc];
	[sflag:s8] =	ssyncadd.s32 @p0 $0xFFFFF600  }
0x35: {  	[tilespmem:s9], [sflag:$0x6] =	stream.linear.gather @p0 [hbm4b:s11+s7], $0x1E00, $0x38;
	[tilespmem:$0x1A800] =	vst v63  }
0x36: {  	_ =	swait.ge @p0 [sflag:s8], $0x1E00  }
0x37: {  	[sflag:s8] =	ssyncset.done @p0 $0x0  }
0x38: {  	[sflag:s8] =	ssyncadd.s32 @p0 $0xFFFFE200  }
0x39: {  	s16 =	rddreg [dreg:$0x1]  }
0x3a: {  	[spmem:s21], [sflag:s10] =	dma.local [hbm:s16], $0x280  }
0x3b: {  	_ =	swait.ge [sflag:s20], $0x280  }
0x3c: {  	[sflag:s20] =	ssyncset.done $0x0  }
0x3d: {  	s17 =	simm.s32 $0x0;
	s18 =	rddreg [dreg:$0x7];
	[sflag:s20] =	ssyncadd.s32 $0xFFFFFD80  }
0x3e: {  	[tilespmem:s22], [sflag:$0x6] =	stream.linear.gather [hbm4b:s18+s17], $0x400, $0x38;
	[tilespmem:$0x1A800] =	vst v63  }
0x3f: {  	_ =	swait.ge [sflag:s20], $0x400  }
0x40: {  	[sflag:s20] =	ssyncset.done $0x0  }
0x41: {  	[sflag:s20] =	ssyncadd.s32 $0xFFFFFC00  }
0x42: {  	p1 =	por $0x1, $0x1;
	s9 =	simm.s32 $0xA000;
	[bflag:$0x0] =	sbarrier.arrive $0xFFFF  }
0x43: {  	[tilespmem:s25], [sflag:$0x1] =	stream.indirect.gather [hbm4b:s6+s23], $0x40, s9, s23, $0xb8;
	[tilespmem:$0x1A800] =	vst v63  }
0x44: {  	p1 =	por p1, p1;
	s11 =	simm.s32 $0xA080  }
0x45: {  	[tilespmem:s28], [sflag:$0x2] =	stream.indirect.gather [hbm4b:s6+s23], $0x40, s11, s23, $0xb8;
	[tilespmem:$0x1A800] =	vst v63  }
0x46: {  	s12 =	simm.s32 $0xA100;
	s13 =	simm.s32 $0x13000;
	s7 =	simm.s32 @!p1 $0x4  }
0x47: {  	[tilespmem:s13], [sflag:$0x3] =	stream.indirect.gather [hbm4b:s6+s23], $0x40, s12, s23, $0xb8;
	[tilespmem:$0x1A800] =	vst v63  }
0x48: {  	_ =	swait.ge @!p1 [sflag:s7], $0x2000  }
0x49: {  	[sflag:s7] =	ssyncset.done @!p1 $0x0  }
0x4a: {  	[sflag:s7] =	ssyncadd.s32 @!p1 $0xFFFFE000  }
0x4b: {  	_ =	swait.ge @!p1 [sflag:s7], $0x400  }
0x4c: {  	[sflag:s7] =	ssyncset.done @!p1 $0x0  }
0x4d: {  	s14 =	simm.s32 $0xA180;
	[sflag:s7] =	ssyncadd.s32 @!p1 $0xFFFFFC00  }
0x4e: {  	[tilespmem:s31], [sflag:$0x4] =	stream.indirect.gather [hbm4b:s6+s23], $0x40, s14, s23, $0xb8;
	[tilespmem:$0x1A800] =	vst v63  }
0x4f: {  	_ =	swait.ge [sflag:s2], $0x2000  }
0x50: {  	[sflag:s2] =	ssyncset.done $0x0  }
0x51: {  	s15 =	simm.s32 $0xC800;
	[sflag:s2] =	ssyncadd.s32 $0xFFFFE000  }
0x52: {  	[spmem:s3] =	stream.indirect.scatter.add.f32 [tilespmem:s25], [sflag:$0x1], $0x40, s15, s23, $0xb8;
	[tilespmem:$0x1A800] =	vst v63  }
0x53: {  	s8 =	simm.s32 @!p1 $0x5  }
0x54: {  	[spmem:s4] =	stream.indirect.scatter.add.f32 [tilespmem:s22], [sflag:$0x1], $0x8, s15, s23, $0xb8;
	[tilespmem:$0x1A800] =	vst v63  }
0x55: {  	_ =	swait.ge @!p1 [sflag:s8], $0x2000  }
0x56: {  	[sflag:s8] =	ssyncset.done @!p1 $0x0  }
0x57: {  	[sflag:s8] =	ssyncadd.s32 @!p1 $0xFFFFE000  }
0x58: {  	_ =	swait.ge @!p1 [sflag:s8], $0x400  }
0x59: {  	[sflag:s8] =	ssyncset.done @!p1 $0x0  }
0x5a: {  	s16 =	simm.s32 $0xA200;
	[sflag:s8] =	ssyncadd.s32 @!p1 $0xFFFFFC00  }
0x5b: {  	[tilespmem:s0], [sflag:$0x5] =	stream.indirect.gather [hbm4b:s6+s23], $0x40, s16, s23, $0xb8;
	[tilespmem:$0x1A800] =	vst v63  }
0x5c: {  	_ =	swait.ge [sflag:s1], $0x2000  }
0x5d: {  	[sflag:s1] =	ssyncset.done $0x0  }
0x5e: {  	s17 =	simm.s32 $0xC880;
	p1 =	por $0x0, $0x0;
	[sflag:s1] =	ssyncadd.s32 $0xFFFFE000  }
0x5f: {  	[spmem:s3] =	stream.indirect.scatter.add.f32 [tilespmem:s28], [sflag:$0x2], $0x40, s17, s23, $0xb8;
	[tilespmem:$0x1A800] =	vst v63  }
0x60: {  	s7 =	simm.s32 @p1 $0x3  }
0x61: {  	[spmem:s4] =	stream.indirect.scatter.add.f32 [tilespmem:s22], [sflag:$0x2], $0x8, s17, s23, $0xb8;
	[tilespmem:$0x1A800] =	vst v63  }
0x62: {  	_ =	swait.ge @p1 [sflag:s7], $0x2000  }
0x63: {  	s8 =	simm.s32 @p1 $0x13000;
	[sflag:s7] =	ssyncset.done @p1 $0x0  }
0x64: {  	s9 =	simm.s32 @p1 $0xC900;
	s11 =	simm.s32 @p1 $0x80;
	[sflag:s7] =	ssyncadd.s32 @p1 $0xFFFFE000  }
0x65: {  	[spmem:s3] =	stream.indirect.scatter.add.f32 @p1 [tilespmem:s8], [sflag:$0x3], $0x40, s9, s11, $0xb8;
	[tilespmem:$0x1A800] =	vst v63  }
0x66: {  	s7 =	simm.s32 @p1 $0x1A400;
	s8 =	simm.s32 @!p1 $0x1  }
0x67: {  	[spmem:s4] =	stream.indirect.scatter.add.f32 @p1 [tilespmem:s7], [sflag:$0x3], $0x8, s9, s11, $0xb8;
	[tilespmem:$0x1A800] =	vst v63  }
0x68: {  	_ =	swait.ge @!p1 [sflag:s8], $0x2000  }
0x69: {  	[sflag:s8] =	ssyncset.done @!p1 $0x0  }
0x6a: {  	[sflag:s8] =	ssyncadd.s32 @!p1 $0xFFFFE000  }
0x6b: {  	_ =	swait.ge @!p1 [sflag:s8], $0x400  }
0x6c: {  	s7 =	simm.s32 @!p1 $0xA280;
	s9 =	simm.s32 @!p1 $0x80;
	[sflag:s8] =	ssyncset.done @!p1 $0x0  }
0x6d: {  	s11 =	simm.s32 @!p1 $0xF000;
	[sflag:s8] =	ssyncadd.s32 @!p1 $0xFFFFFC00;
	s8 =	simm.s32 @!p1 $0x3  }
0x6e: {  	[tilespmem:s11], [sflag:$0x1] =	stream.indirect.gather @!p1 [hbm4b:s6+s9], $0x40, s7, s9, $0xb8;
	[tilespmem:$0x1A800] =	vst v63  }
0x6f: {  	_ =	swait.ge @!p1 [sflag:s8], $0x2000  }
0x70: {  	[sflag:s8] =	ssyncset.done @!p1 $0x0  }
0x71: {  	s7 =	simm.s32 @!p1 $0xC900;
	s11 =	simm.s32 @!p1 $0x13000;
	[sflag:s8] =	ssyncadd.s32 @!p1 $0xFFFFE000  }
0x72: {  	[spmem:s3] =	stream.indirect.scatter.add.f32 @!p1 [tilespmem:s11], [sflag:$0x3], $0x40, s7, s9, $0xb8;
	[tilespmem:$0x1A800] =	vst v63  }
0x73: {  	s30 =	simm.s32 @!p1 $0x1A400  }
0x74: {  	[spmem:s4] =	stream.indirect.scatter.add.f32 @!p1 [tilespmem:s30], [sflag:$0x3], $0x8, s7, s9, $0xb8;
	[tilespmem:$0x1A800] =	vst v63  }
0x75: {  	s7 =	simm.s32 @!p1 $0x2  }
0x76: {  	_ =	swait.ge @!p1 [sflag:s7], $0x2000  }
0x77: {  	[sflag:s7] =	ssyncset.done @!p1 $0x0  }
0x78: {  	[sflag:s7] =	ssyncadd.s32 @!p1 $0xFFFFE000  }
0x79: {  	_ =	swait.ge @!p1 [sflag:s7], $0x400  }
0x7a: {  	[sflag:s7] =	ssyncset.done @!p1 $0x0  }
0x7b: {  	s30 =	simm.s32 @!p1 $0xA300;
	[sflag:s7] =	ssyncadd.s32 @!p1 $0xFFFFFC00;
	s7 =	simm.s32 @!p1 $0x11000  }
0x7c: {  	[tilespmem:s7], [sflag:$0x2] =	stream.indirect.gather @!p1 [hbm4b:s6+s9], $0x40, s30, s9, $0xb8;
	[tilespmem:$0x1A800] =	vst v63  }
0x7d: {  	_ =	swait.ge [sflag:s5], $0x2000  }
0x7e: {  	[sflag:s5] =	ssyncset.done $0x0  }
0x7f: {  	s18 =	simm.s32 $0xC980;
	[sflag:s5] =	ssyncadd.s32 $0xFFFFE000  }
0x80: {  	[spmem:s3] =	stream.indirect.scatter.add.f32 [tilespmem:s31], [sflag:$0x4], $0x40, s18, s23, $0xb8;
	[tilespmem:$0x1A800] =	vst v63  }
0x81: {  	_ = 	snop  }
0x82: {  	[spmem:s4] =	stream.indirect.scatter.add.f32 [tilespmem:s22], [sflag:$0x4], $0x8, s18, s23, $0xb8;
	[tilespmem:$0x1A800] =	vst v63  }
0x83: {  	_ =	swait.ge @!p1 [sflag:s8], $0x2000  }
0x84: {  	[sflag:s8] =	ssyncset.done @!p1 $0x0  }
0x85: {  	[sflag:s8] =	ssyncadd.s32 @!p1 $0xFFFFE000  }
0x86: {  	_ =	swait.ge @!p1 [sflag:s8], $0x400  }
0x87: {  	[sflag:s8] =	ssyncset.done @!p1 $0x0  }
0x88: {  	s7 =	simm.s32 @!p1 $0xA380;
	[sflag:s8] =	ssyncadd.s32 @!p1 $0xFFFFFC00  }
0x89: {  	[tilespmem:s11], [sflag:$0x3] =	stream.indirect.gather @!p1 [hbm4b:s6+s9], $0x40, s7, s9, $0xb8;
	[tilespmem:$0x1A800] =	vst v63  }
0x8a: {  	p6 =	por $0x0, $0x0;
	_ =	swait.ge [sflag:s24], $0x2000  }
0x8b: {  	s30 =	simm.s32 $0xA00;
	s8 =	simm.s32 $0xCA00;
	[sflag:s24] =	ssyncset.done $0x0  }
0x8c: {  	s7 =	simm.s32 $0x1400;
	p1 =	por p6, p6;
	[sflag:s24] =	ssyncadd.s32 $0xFFFFE000  }
0x8d: {  	[spmem:s3] =	stream.indirect.scatter.add.f32 [tilespmem:s0], [sflag:$0x5], $0x40, s8, s23, $0xb8;
	[tilespmem:$0x1A800] =	vst v63  }
.LBB2_2:
0x8e: {  	p3 =	seq.s32 s7, $0x0  }
0x8f: {  	s11 =	simm.s32 @!p1 $0x4;
	s9 =	smov.u32 s7;
	s7 =	sadd.s32 $0xA00, s7  }
0x90: {  	[spmem:s4] =	stream.indirect.scatter.add.f32 [tilespmem:s22], [sflag:$0x5], $0x8, s8, s23, $0xb8;
	[tilespmem:$0x1A800] =	vst v63  }
0x91: {  	p2 =	sne.s32 s7, $0xA000;
	_ =	swait.ge @!p1 [sflag:s11], $0x2000  }
0x92: {  	[sflag:s11] =	ssyncset.done @!p1 $0x0  }
0x93: {  	[sflag:s11] =	ssyncadd.s32 @!p1 $0xFFFFE000  }
0x94: {  	_ =	swait.ge @!p1 [sflag:s11], $0x400  }
0x95: {  	s8 =	sshra.s32 s30, $0x2;
	[sflag:s11] =	ssyncset.done @!p1 $0x0  }
0x96: {  	[sflag:s11] =	ssyncadd.s32 @!p1 $0xFFFFFC00;
	s11 =	sadd.s32 $0xA180, s8  }
0x97: {  	[tilespmem:s31], [sflag:$0x4] =	stream.indirect.gather [hbm4b:s6+s23], $0x40, s11, s23, $0xb8;
	[tilespmem:$0x1A800] =	vst v63  }
0x98: {  	_ =	swait.ge [sflag:s2], $0x2000  }
0x99: {  	[sflag:s2] =	ssyncset.done $0x0  }
0x9a: {  	s11 =	sadd.s32 $0xC800, s8;
	[sflag:s2] =	ssyncadd.s32 $0xFFFFE000  }
0x9b: {  	[spmem:s3] =	stream.indirect.scatter.add.f32 [tilespmem:s25], [sflag:$0x1], $0x40, s11, s23, $0xb8;
	[tilespmem:$0x1A800] =	vst v63  }
0x9c: {  	s12 =	simm.s32 @!p1 $0x5  }
0x9d: {  	[spmem:s4] =	stream.indirect.scatter.add.f32 [tilespmem:s22], [sflag:$0x1], $0x8, s11, s23, $0xb8;
	[tilespmem:$0x1A800] =	vst v63  }
0x9e: {  	_ =	swait.ge @!p1 [sflag:s12], $0x2000  }
0x9f: {  	[sflag:s12] =	ssyncset.done @!p1 $0x0  }
0xa0: {  	[sflag:s12] =	ssyncadd.s32 @!p1 $0xFFFFE000  }
0xa1: {  	_ =	swait.ge @!p1 [sflag:s12], $0x400  }
0xa2: {  	[sflag:s12] =	ssyncset.done @!p1 $0x0  }
0xa3: {  	s11 =	sadd.s32 $0xA200, s8;
	[sflag:s12] =	ssyncadd.s32 @!p1 $0xFFFFFC00;
	p1 =	por p3, p3  }
0xa4: {  	[tilespmem:s0], [sflag:$0x5] =	stream.indirect.gather [hbm4b:s6+s23], $0x40, s11, s23, $0xb8;
	[tilespmem:$0x1A800] =	vst v63  }
0xa5: {  	_ =	swait.ge [sflag:s1], $0x2000  }
0xa6: {  	[sflag:s1] =	ssyncset.done $0x0  }
0xa7: {  	s11 =	sadd.s32 $0xC880, s8;
	[sflag:s1] =	ssyncadd.s32 $0xFFFFE000  }
0xa8: {  	[spmem:s3] =	stream.indirect.scatter.add.f32 [tilespmem:s28], [sflag:$0x2], $0x40, s11, s23, $0xb8;
	[tilespmem:$0x1A800] =	vst v63  }
0xa9: {  	p3 =	seq.s32 s30, $0x9600  }
0xaa: {  	[spmem:s4] =	stream.indirect.scatter.add.f32 [tilespmem:s22], [sflag:$0x2], $0x8, s11, s23, $0xb8;
	[tilespmem:$0x1A800] =	vst v63  }
0xab: {  	s12 =	sshra.s32 @p3 s30, $0x2;
	s13 =	sshra.s32 @!p3 s30, $0x2;
	s11 =	simm.s32 @p3 $0x3  }
0xac: {  	s30 =	simm.s32 @p3 $0x13000;
	s14 =	sadd.s32 @!p3 $0xA280, s13;
	_ =	swait.ge @p3 [sflag:s11], $0x2000  }
0xad: {  	s15 =	simm.s32 @p3 $0x80;
	s12 =	sadd.s32 @p3 $0xC900, s12;
	[sflag:s11] =	ssyncset.done @p3 $0x0  }
0xae: {  	s16 =	simm.s32 @p3 $0x1A400;
	s17 =	sadd.s32 @!p3 $0xA300, s13;
	[sflag:s11] =	ssyncadd.s32 @p3 $0xFFFFE000  }
0xaf: {  	[spmem:s3] =	stream.indirect.scatter.add.f32 @p3 [tilespmem:s30], [sflag:$0x3], $0x40, s12, s15, $0xb8;
	[tilespmem:$0x1A800] =	vst v63  }
0xb0: {  	s18 =	simm.s32 @!p3 $0x1;
	s11 =	sadd.s32 @!p3 $0xA380, s13;
	s30 =	smov.u32 s9  }
0xb1: {  	[spmem:s4] =	stream.indirect.scatter.add.f32 @p3 [tilespmem:s16], [sflag:$0x3], $0x8, s12, s15, $0xb8;
	[tilespmem:$0x1A800] =	vst v63  }
0xb2: {  	_ =	swait.ge @!p3 [sflag:s18], $0x2000  }
0xb3: {  	[sflag:s18] =	ssyncset.done @!p3 $0x0  }
0xb4: {  	[sflag:s18] =	ssyncadd.s32 @!p3 $0xFFFFE000  }
0xb5: {  	_ =	swait.ge @!p3 [sflag:s18], $0x400  }
0xb6: {  	s9 =	simm.s32 @!p3 $0x80;
	s12 =	simm.s32 @!p3 $0xF000;
	[sflag:s18] =	ssyncset.done @!p3 $0x0  }
0xb7: {  	s15 =	simm.s32 @!p3 $0x3;
	[sflag:s18] =	ssyncadd.s32 @!p3 $0xFFFFFC00  }
0xb8: {  	[tilespmem:s12], [sflag:$0x1] =	stream.indirect.gather @!p3 [hbm4b:s6+s9], $0x40, s14, s9, $0xb8;
	[tilespmem:$0x1A800] =	vst v63  }
0xb9: {  	_ =	swait.ge @!p3 [sflag:s15], $0x2000  }
0xba: {  	s12 =	sadd.s32 @!p3 $0xC900, s13;
	s13 =	simm.s32 @!p3 $0x13000;
	[sflag:s15] =	ssyncset.done @!p3 $0x0  }
0xbb: {  	s14 =	simm.s32 @!p3 $0x1A400;
	[sflag:s15] =	ssyncadd.s32 @!p3 $0xFFFFE000  }
0xbc: {  	[spmem:s3] =	stream.indirect.scatter.add.f32 @!p3 [tilespmem:s13], [sflag:$0x3], $0x40, s12, s9, $0xb8;
	[tilespmem:$0x1A800] =	vst v63  }
0xbd: {  	s16 =	simm.s32 @!p3 $0x2  }
0xbe: {  	[spmem:s4] =	stream.indirect.scatter.add.f32 @!p3 [tilespmem:s14], [sflag:$0x3], $0x8, s12, s9, $0xb8;
	[tilespmem:$0x1A800] =	vst v63  }
0xbf: {  	_ =	swait.ge @!p3 [sflag:s16], $0x2000  }
0xc0: {  	[sflag:s16] =	ssyncset.done @!p3 $0x0  }
0xc1: {  	[sflag:s16] =	ssyncadd.s32 @!p3 $0xFFFFE000  }
0xc2: {  	_ =	swait.ge @!p3 [sflag:s16], $0x400  }
0xc3: {  	s12 =	simm.s32 @!p3 $0x11000;
	[sflag:s16] =	ssyncset.done @!p3 $0x0  }
0xc4: {  	[sflag:s16] =	ssyncadd.s32 @!p3 $0xFFFFFC00  }
0xc5: {  	[tilespmem:s12], [sflag:$0x2] =	stream.indirect.gather @!p3 [hbm4b:s6+s9], $0x40, s17, s9, $0xb8;
	[tilespmem:$0x1A800] =	vst v63  }
0xc6: {  	_ =	swait.ge [sflag:s5], $0x2000  }
0xc7: {  	s12 =	sadd.s32 $0xC980, s8;
	[sflag:s5] =	ssyncset.done $0x0  }
0xc8: {  	[sflag:s5] =	ssyncadd.s32 $0xFFFFE000  }
0xc9: {  	[spmem:s3] =	stream.indirect.scatter.add.f32 [tilespmem:s31], [sflag:$0x4], $0x40, s12, s23, $0xb8;
	[tilespmem:$0x1A800] =	vst v63  }
0xca: {  	_ = 	snop  }
0xcb: {  	[spmem:s4] =	stream.indirect.scatter.add.f32 [tilespmem:s22], [sflag:$0x4], $0x8, s12, s23, $0xb8;
	[tilespmem:$0x1A800] =	vst v63  }
0xcc: {  	_ =	swait.ge @!p3 [sflag:s15], $0x2000  }
0xcd: {  	[sflag:s15] =	ssyncset.done @!p3 $0x0  }
0xce: {  	[sflag:s15] =	ssyncadd.s32 @!p3 $0xFFFFE000  }
0xcf: {  	_ =	swait.ge @!p3 [sflag:s15], $0x400  }
0xd0: {  	[sflag:s15] =	ssyncset.done @!p3 $0x0  }
0xd1: {  	[sflag:s15] =	ssyncadd.s32 @!p3 $0xFFFFFC00  }
0xd2: {  	[tilespmem:s13], [sflag:$0x3] =	stream.indirect.gather @!p3 [hbm4b:s6+s9], $0x40, s11, s9, $0xb8;
	[tilespmem:$0x1A800] =	vst v63  }
.Ltmp0:
0xd3: {  	_ = 	snop;
	(pc) =	sbr.rel @p2 .LBB2_2-.Ltmp0, $4  }
0xd4: {  	_ =	swait.ge [sflag:s24], $0x2000  }
0xd5: {  	s8 =	sadd.s32 $0xCA00, s8;
	[sflag:s24] =	ssyncset.done $0x0  }
0xd6: {  	[sflag:s24] =	ssyncadd.s32 $0xFFFFE000  }
0xd7: {  	[spmem:s3] =	stream.indirect.scatter.add.f32 [tilespmem:s0], [sflag:$0x5], $0x40, s8, s23, $0xb8;
	[tilespmem:$0x1A800] =	vst v63  }
0xd8: {  	s9 =	simm.s32 @!p1 $0x4  }
0xd9: {  	[spmem:s4] =	stream.indirect.scatter.add.f32 [tilespmem:s22], [sflag:$0x5], $0x8, s8, s23, $0xb8;
	[tilespmem:$0x1A800] =	vst v63  }
0xda: {  	_ =	swait.ge @!p1 [sflag:s9], $0x2000  }
0xdb: {  	[sflag:s9] =	ssyncset.done @!p1 $0x0  }
0xdc: {  	[sflag:s9] =	ssyncadd.s32 @!p1 $0xFFFFE000  }
0xdd: {  	_ =	swait.ge @!p1 [sflag:s9], $0x400  }
0xde: {  	s7 =	sshra.s32 s30, $0x2;
	[sflag:s9] =	ssyncset.done @!p1 $0x0  }
0xdf: {  	s12 =	sadd.s32 $0xA180, s7;
	[sflag:s9] =	ssyncadd.s32 @!p1 $0xFFFFFC00  }
0xe0: {  	[tilespmem:s31], [sflag:$0x4] =	stream.indirect.gather [hbm4b:s6+s23], $0x40, s12, s23, $0xb8;
	[tilespmem:$0x1A800] =	vst v63  }
0xe1: {  	_ =	swait.ge [sflag:s2], $0x2000  }
0xe2: {  	[sflag:s2] =	ssyncset.done $0x0  }
0xe3: {  	s13 =	sadd.s32 $0xC800, s7;
	[sflag:s2] =	ssyncadd.s32 $0xFFFFE000  }
0xe4: {  	[spmem:s3] =	stream.indirect.scatter.add.f32 [tilespmem:s25], [sflag:$0x1], $0x40, s13, s23, $0xb8;
	[tilespmem:$0x1A800] =	vst v63  }
0xe5: {  	s9 =	simm.s32 @!p1 $0x5  }
0xe6: {  	[spmem:s4] =	stream.indirect.scatter.add.f32 [tilespmem:s22], [sflag:$0x1], $0x8, s13, s23, $0xb8;
	[tilespmem:$0x1A800] =	vst v63  }
0xe7: {  	_ =	swait.ge @!p1 [sflag:s9], $0x2000  }
0xe8: {  	[sflag:s9] =	ssyncset.done @!p1 $0x0  }
0xe9: {  	[sflag:s9] =	ssyncadd.s32 @!p1 $0xFFFFE000  }
0xea: {  	_ =	swait.ge @!p1 [sflag:s9], $0x400  }
0xeb: {  	[sflag:s9] =	ssyncset.done @!p1 $0x0  }
0xec: {  	s14 =	sadd.s32 $0xA200, s7;
	[sflag:s9] =	ssyncadd.s32 @!p1 $0xFFFFFC00  }
0xed: {  	[tilespmem:s0], [sflag:$0x5] =	stream.indirect.gather [hbm4b:s6+s23], $0x40, s14, s23, $0xb8;
	[tilespmem:$0x1A800] =	vst v63  }
0xee: {  	_ =	swait.ge [sflag:s1], $0x2000  }
0xef: {  	[sflag:s1] =	ssyncset.done $0x0  }
0xf0: {  	s15 =	sadd.s32 $0xC880, s7;
	p1 =	seq.s32 s30, $0x9600;
	[sflag:s1] =	ssyncadd.s32 $0xFFFFE000  }
0xf1: {  	[spmem:s3] =	stream.indirect.scatter.add.f32 [tilespmem:s28], [sflag:$0x2], $0x40, s15, s23, $0xb8;
	[tilespmem:$0x1A800] =	vst v63  }
0xf2: {  	s8 =	simm.s32 @p1 $0x3  }
0xf3: {  	[spmem:s4] =	stream.indirect.scatter.add.f32 [tilespmem:s22], [sflag:$0x2], $0x8, s15, s23, $0xb8;
	[tilespmem:$0x1A800] =	vst v63  }
0xf4: {  	_ =	swait.ge @p1 [sflag:s8], $0x2000  }
0xf5: {  	s9 =	sshra.s32 @p1 s30, $0x2;
	s11 =	simm.s32 @p1 $0x13000;
	[sflag:s8] =	ssyncset.done @p1 $0x0  }
0xf6: {  	s12 =	simm.s32 @p1 $0x80;
	s9 =	sadd.s32 @p1 $0xC900, s9;
	[sflag:s8] =	ssyncadd.s32 @p1 $0xFFFFE000  }
0xf7: {  	[spmem:s3] =	stream.indirect.scatter.add.f32 @p1 [tilespmem:s11], [sflag:$0x3], $0x40, s9, s12, $0xb8;
	[tilespmem:$0x1A800] =	vst v63  }
0xf8: {  	s8 =	simm.s32 @p1 $0x1A400;
	s11 =	simm.s32 @!p1 $0x1  }
0xf9: {  	[spmem:s4] =	stream.indirect.scatter.add.f32 @p1 [tilespmem:s8], [sflag:$0x3], $0x8, s9, s12, $0xb8;
	[tilespmem:$0x1A800] =	vst v63  }
0xfa: {  	_ =	swait.ge @!p1 [sflag:s11], $0x2000  }
0xfb: {  	[sflag:s11] =	ssyncset.done @!p1 $0x0  }
0xfc: {  	[sflag:s11] =	ssyncadd.s32 @!p1 $0xFFFFE000  }
0xfd: {  	s13 =	simm.s32 @!p1 $0xF000;
	_ =	swait.ge @!p1 [sflag:s11], $0x400  }
0xfe: {  	s8 =	sshra.s32 @!p1 s30, $0x2;
	s12 =	simm.s32 @!p1 $0x80;
	[sflag:s11] =	ssyncset.done @!p1 $0x0  }
0xff: {  	s9 =	sadd.s32 @!p1 $0xA280, s8;
	[sflag:s11] =	ssyncadd.s32 @!p1 $0xFFFFFC00;
	s11 =	simm.s32 @!p1 $0x3  }
0x100: {  	[tilespmem:s13], [sflag:$0x1] =	stream.indirect.gather @!p1 [hbm4b:s6+s12], $0x40, s9, s12, $0xb8;
	[tilespmem:$0x1A800] =	vst v63  }
0x101: {  	_ =	swait.ge @!p1 [sflag:s11], $0x2000  }
0x102: {  	[sflag:s11] =	ssyncset.done @!p1 $0x0  }
0x103: {  	s9 =	sadd.s32 @!p1 $0xC900, s8;
	s13 =	simm.s32 @!p1 $0x13000;
	[sflag:s11] =	ssyncadd.s32 @!p1 $0xFFFFE000  }
0x104: {  	[spmem:s3] =	stream.indirect.scatter.add.f32 @!p1 [tilespmem:s13], [sflag:$0x3], $0x40, s9, s12, $0xb8;
	[tilespmem:$0x1A800] =	vst v63  }
0x105: {  	s14 =	simm.s32 @!p1 $0x1A400  }
0x106: {  	[spmem:s4] =	stream.indirect.scatter.add.f32 @!p1 [tilespmem:s14], [sflag:$0x3], $0x8, s9, s12, $0xb8;
	[tilespmem:$0x1A800] =	vst v63  }
0x107: {  	s9 =	simm.s32 @!p1 $0x2  }
0x108: {  	_ =	swait.ge @!p1 [sflag:s9], $0x2000  }
0x109: {  	[sflag:s9] =	ssyncset.done @!p1 $0x0  }
0x10a: {  	[sflag:s9] =	ssyncadd.s32 @!p1 $0xFFFFE000  }
0x10b: {  	_ =	swait.ge @!p1 [sflag:s9], $0x400  }
0x10c: {  	[sflag:s9] =	ssyncset.done @!p1 $0x0  }
0x10d: {  	s14 =	sadd.s32 @!p1 $0xA300, s8;
	[sflag:s9] =	ssyncadd.s32 @!p1 $0xFFFFFC00;
	s9 =	simm.s32 @!p1 $0x11000  }
0x10e: {  	[tilespmem:s9], [sflag:$0x2] =	stream.indirect.gather @!p1 [hbm4b:s6+s12], $0x40, s14, s12, $0xb8;
	[tilespmem:$0x1A800] =	vst v63  }
0x10f: {  	_ =	swait.ge [sflag:s5], $0x2000  }
0x110: {  	[sflag:s5] =	ssyncset.done $0x0  }
0x111: {  	s16 =	sadd.s32 $0xC980, s7;
	[sflag:s5] =	ssyncadd.s32 $0xFFFFE000  }
0x112: {  	[spmem:s3] =	stream.indirect.scatter.add.f32 [tilespmem:s31], [sflag:$0x4], $0x40, s16, s23, $0xb8;
	[tilespmem:$0x1A800] =	vst v63  }
0x113: {  	_ = 	snop  }
0x114: {  	[spmem:s4] =	stream.indirect.scatter.add.f32 [tilespmem:s22], [sflag:$0x4], $0x8, s16, s23, $0xb8;
	[tilespmem:$0x1A800] =	vst v63  }
0x115: {  	_ =	swait.ge @!p1 [sflag:s11], $0x2000  }
0x116: {  	[sflag:s11] =	ssyncset.done @!p1 $0x0  }
0x117: {  	[sflag:s11] =	ssyncadd.s32 @!p1 $0xFFFFE000  }
0x118: {  	_ =	swait.ge @!p1 [sflag:s11], $0x400  }
0x119: {  	[sflag:s11] =	ssyncset.done @!p1 $0x0  }
0x11a: {  	s8 =	sadd.s32 @!p1 $0xA380, s8;
	[sflag:s11] =	ssyncadd.s32 @!p1 $0xFFFFFC00  }
0x11b: {  	[tilespmem:s13], [sflag:$0x3] =	stream.indirect.gather @!p1 [hbm4b:s6+s12], $0x40, s8, s12, $0xb8;
	[tilespmem:$0x1A800] =	vst v63  }
0x11c: {  	_ =	swait.ge [sflag:s24], $0x2000  }
0x11d: {  	[sflag:s24] =	ssyncset.done $0x0  }
0x11e: {  	s7 =	sadd.s32 $0xCA00, s7;
	[sflag:s24] =	ssyncadd.s32 $0xFFFFE000  }
0x11f: {  	[spmem:s3] =	stream.indirect.scatter.add.f32 [tilespmem:s0], [sflag:$0x5], $0x40, s7, s23, $0xb8;
	[tilespmem:$0x1A800] =	vst v63  }
0x120: {  	_ = 	snop  }
0x121: {  	[spmem:s4] =	stream.indirect.scatter.add.f32 [tilespmem:s22], [sflag:$0x5], $0x8, s7, s23, $0xb8;
	[tilespmem:$0x1A800] =	vst v63  }
0x122: {  	_ =	swait.ge [sflag:s2], $0x2000  }
0x123: {  	[sflag:s2] =	ssyncset.done $0x0  }
0x124: {  	[sflag:s2] =	ssyncadd.s32 $0xFFFFE000  }
0x125: {  	_ =	swait.ge [sflag:s2], $0x400  }
0x126: {  	[sflag:s2] =	ssyncset.done $0x0  }
0x127: {  	[sflag:s2] =	ssyncadd.s32 $0xFFFFFC00  }
0x128: {  	_ =	swait.ge [sflag:s1], $0x2000  }
0x129: {  	[sflag:s1] =	ssyncset.done $0x0  }
0x12a: {  	[sflag:s1] =	ssyncadd.s32 $0xFFFFE000  }
0x12b: {  	_ =	swait.ge [sflag:s1], $0x400  }
0x12c: {  	[sflag:s1] =	ssyncset.done $0x0  }
0x12d: {  	[sflag:s1] =	ssyncadd.s32 $0xFFFFFC00  }
0x12e: {  	_ =	swait.ge [sflag:s26], $0x2000  }
0x12f: {  	[sflag:s26] =	ssyncset.done $0x0  }
0x130: {  	[sflag:s26] =	ssyncadd.s32 $0xFFFFE000  }
0x131: {  	_ =	swait.ge [sflag:s26], $0x400  }
0x132: {  	[sflag:s26] =	ssyncset.done $0x0  }
0x133: {  	[sflag:s26] =	ssyncadd.s32 $0xFFFFFC00  }
0x134: {  	_ =	swait.ge [sflag:s5], $0x2000  }
0x135: {  	[sflag:s5] =	ssyncset.done $0x0  }
0x136: {  	[sflag:s5] =	ssyncadd.s32 $0xFFFFE000  }
0x137: {  	_ =	swait.ge [sflag:s5], $0x400  }
0x138: {  	[sflag:s5] =	ssyncset.done $0x0  }
0x139: {  	[sflag:s5] =	ssyncadd.s32 $0xFFFFFC00  }
0x13a: {  	_ =	swait.ge [sflag:s24], $0x2000  }
0x13b: {  	[sflag:s24] =	ssyncset.done $0x0  }
0x13c: {  	[sflag:s24] =	ssyncadd.s32 $0xFFFFE000  }
0x13d: {  	_ =	swait.ge [sflag:s24], $0x400  }
0x13e: {  	[sflag:s24] =	ssyncset.done $0x0  }
0x13f: {  	[sflag:s24] =	ssyncadd.s32 $0xFFFFFC00  }
0x140: {  	[bflag:$0x0] =	sbarrier.arrive $0xFFFF  }
0x141: {  	s17 =	rddreg [dreg:$0xd]  }
0x142: {  	[hbm:s17], [sflag:s10] =	dma.local [spmem:s19], $0x1400  }
0x143: {  	_ =	swait.ge [sflag:s20], $0x1400  }
0x144: {  	[sflag:s20] =	ssyncset.done $0x0  }
0x145: {  	s18 =	rddreg [dreg:$0xe];
	[sflag:s20] =	ssyncadd.s32 $0xFFFFEC00  }
0x146: {  	[hbm:s18], [sflag:s10] =	dma.local [spmem:s21], $0x280  }
0x147: {  	_ =	swait.ge [sflag:s20], $0x280  }
0x148: {  	s29 =	sadd.s32 $0x1, s29;
	s30 =	rddreg [dreg:$0xf]  }
0x149: {  	p1 =	sne.s32 s29, s30  }
.Ltmp1:
0x14a: {  	_ = 	snop;
	(pc) =	sbr.rel @p1 .LBB2_1-.Ltmp1, $3  }
0x14b: {  	_ =	sdelay $0x1  }
0x14c: {  	[sflag:s20] =	ssyncset.done $0x0  }
0x14d: {  	[sflag:s20] =	ssyncadd.s32 $0xFFFFFD80  }
0x14e: {  	_ =	sfence.sel $0x180000  }
0x14f: {  	[bflag:$0x0] =	sbarrier.arrive $0xFFFF  }
0x150: {  	_ =	strace $0x90000047  }
0x151: {  	s0 =	stileid.u32;
	[bflag:$0x2] =	sbarrier.arrive $0xFFFF  }
0x152: {  	p0 =	sne.s32 s0, $0x0;
	s0 =	rddreg [dreg:$0x4]  }
0x153: {  	s0 =	sadd.s32 @!p0 $0x100000, s0  }
0x154: {  	[sflag:s0] =	ssyncadd.tile.s32 @!p0 $0x1;
	_ =	shalt  }
.Lfunc_end2:
_tile_overlayer_lowered:
.L_overlay_start_2:
0x155: {  	(tag) =	ssettag $0x2  }
0x156: {  	s0 =	rddreg [dreg:$0x0];
	s2 =	stileid.u32  }
0x157: {  	s1 =	rddreg [dreg:$0x1];
	p0 =	sne.s32 s2, $0x0  }
0x158: {  	s3 =	rddreg [dreg:$0x2];
	[bflag:$0x3] =	sbarrier.arrive $0xFFFF;
	s2 =	simm.s32 @!p0 $0x1C06  }
0x159: {  	[timem:s3], [sflag:s2] =	dma.local @!p0 [hbm:s0], s1  }
0x15a: {  	s0 =	simm.s32 @!p0 $0x6  }
0x15b: {  	_ =	swait.ge @!p0 [sflag:s0], s1  }
0x15c: {  	s1 =	ssub.s32 @!p0 $0x0, s1;
	[sflag:s0] =	ssyncset.done @!p0 $0x0  }
0x15d: {  	[sflag:s0] =	ssyncadd.s32 @!p0 s1  }
0x15e: {  	[bflag:$0x3] =	sbarrier.arrive $0xFFFF  }
0x15f: {  	_ =	shalt  }

</sc_bundles>
